<compile_context>
chip_gen: v7x
topology: tpu7x:2x2x1
jax: 0.10.2.dev20260603
libtpu: 0.0.44.dev20260713+nightly
codegen_flags: <defaults>
</compile_context>

<pallas_src>
import jax
import jax.numpy as jnp
from jax import lax
from jax.experimental import pallas as pl
from jax.experimental.pallas import tpu as pltpu
from jax.experimental.pallas import tpu_sc as plsc

N_CLASSES_KEPT = 90
K = 300
THRESHOLD = 0.05
IOU_THRESHOLD = 0.85
NEG_KEY = -(2**31)

B = 8
N = 20000
CH = 4000
G = N // CH
CHP = 4096
NP = G * CHP


def _key_from_f32(m):
    bits = jax.lax.bitcast_convert_type(m, jnp.int32)
    return jnp.where(bits >= 0, bits, bits ^ jnp.int32(0x7FFFFFFF))


def _f32_from_key(k):
    bits = jnp.where(k >= 0, k, k ^ jnp.int32(0x7FFFFFFF))
    return jax.lax.bitcast_convert_type(bits, jnp.float32)


def _body_a(x_ref, keys_ref, amax_ref):
    xt = jnp.transpose(x_ref[0])[:N_CLASSES_KEPT]
    m = jnp.max(xt, axis=0, keepdims=True)
    cls = jax.lax.broadcasted_iota(jnp.int32, xt.shape, 0)
    a = jnp.min(jnp.where(xt == m, cls, jnp.int32(N_CLASSES_KEPT)),
                axis=0, keepdims=True)
    key = _key_from_f32(m[0])
    pad = jnp.full((CHP - CH,), jnp.int32(NEG_KEY), dtype=jnp.int32)
    keys_ref[0, 0, 0] = jnp.concatenate([key, pad])
    amax_ref[0, 0, 0] = jnp.concatenate([a[0].astype(jnp.int32),
                                         jnp.zeros((CHP - CH,), jnp.int32)])


def _stage_a(pred_logits):
    keys3, amax3 = pl.pallas_call(
        _body_a,
        grid=(B, G),
        in_specs=[pl.BlockSpec((1, CH, 91), lambda b, g: (b, g, 0))],
        out_specs=[pl.BlockSpec((1, 1, 1, CHP), lambda b, g: (b, g, 0, 0)),
                   pl.BlockSpec((1, 1, 1, CHP), lambda b, g: (b, g, 0, 0))],
        out_shape=[jax.ShapeDtypeStruct((B, G, 1, CHP), jnp.int32),
                   jax.ShapeDtypeStruct((B, G, 1, CHP), jnp.int32)],
    )(pred_logits)
    return keys3.reshape(B, NP), amax3.reshape(B, NP)


def _body_b(keys_ref, vstar_ref, k1_ref):
    keys = keys_ref[...]
    sgn = jnp.int32(-(2**31))

    def it(t, uv):
        cand = uv | (jnp.int32(1) << (jnp.int32(31) - t))
        scand = cand ^ sgn
        c = jnp.sum((keys >= scand[:, None, None]).astype(jnp.int32), axis=(1, 2))
        return jnp.where(c >= K, cand, uv)

    uv = jax.lax.fori_loop(0, 32, it, jnp.zeros((B,), jnp.int32))
    vstar = uv ^ sgn
    k1 = jnp.sum((keys > vstar[:, None, None]).astype(jnp.int32), axis=(1, 2))
    vstar_ref[0, :] = vstar
    k1_ref[0, :] = k1


def _stage_b(keys3):
    return pl.pallas_call(
        _body_b,
        out_shape=[jax.ShapeDtypeStruct((1, B), jnp.int32),
                   jax.ShapeDtypeStruct((1, B), jnp.int32)],
    )(keys3)


KW = 512
QP = NP // 4
NV = QP // 16
BUF = 304
NPAY = 7
ROWW = 2 * NPAY * BUF


def _sc_body(keys_hbm, amax_hbm, boxes_hbm, vs_hbm, out_hbm,
             keys_v, amax_v, box_v, vs_v, gtbuf, eqbuf, cnt_v, counts4_v,
             chunkbuf, asm, counts_sh, bufs_sh):
    c = lax.axis_index("c")
    s = lax.axis_index("s")
    b = c * 4 + s // 4
    q = s % 4

    pltpu.sync_copy(keys_hbm.at[pl.ds(b * NP + q * QP, QP)], keys_v)
    pltpu.sync_copy(amax_hbm.at[pl.ds(b * NP + q * QP, QP)], amax_v)
    p0 = q * QP
    nstart = (p0 // CHP) * CH + lax.rem(p0, CHP)
    nstart = jnp.minimum(nstart, N - QP)
    pltpu.sync_copy(boxes_hbm.at[pl.ds(b * (N * 4) + nstart * 4, QP * 4)],
                    box_v)
    pltpu.sync_copy(vs_hbm, vs_v)
    bvec = jnp.broadcast_to(b, (16,)).astype(jnp.int32)
    vsplat = plsc.load_gather(vs_v, [bvec])

    iota = lax.iota(jnp.int32, 16)

    def scan_body(j, offs):
        gt_off, eq_off = offs
        kv = keys_v[pl.ds(j * 16, 16)]
        av = amax_v[pl.ds(j * 16, 16)]
        pvec = p0 + j * 16 + iota
        blk = pvec // CHP
        nvec = blk * CH + (pvec - blk * CHP)
        real = (pvec - blk * CHP) < CH
        nloc = jnp.clip(nvec - nstart, 0, QP - 1)
        gt = (kv > vsplat) & real
        eq = (kv == vsplat) & real
        bx0 = plsc.load_gather(box_v, [nloc * 4], mask=real)
        bx1 = plsc.load_gather(box_v, [nloc * 4 + 1], mask=real)
        bx2 = plsc.load_gather(box_v, [nloc * 4 + 2], mask=real)
        bx3 = plsc.load_gather(box_v, [nloc * 4 + 3], mask=real)
        pay = (nvec, kv, av, plsc.bitcast(bx0, jnp.int32),
               plsc.bitcast(bx1, jnp.int32), plsc.bitcast(bx2, jnp.int32),
               plsc.bitcast(bx3, jnp.int32))
        for r in range(NPAY):
            plsc.store_compressed(gtbuf.at[pl.ds(r * BUF + gt_off, 16)],
                                  pay[r], mask=gt)
            plsc.store_compressed(eqbuf.at[pl.ds(r * QP + eq_off, 16)],
                                  pay[r], mask=eq)
        gt_off = gt_off + jnp.sum(gt.astype(jnp.int32))
        eq_off = eq_off + jnp.sum(eq.astype(jnp.int32))
        return gt_off, eq_off

    n_gt, n_eq = lax.fori_loop(0, NV, scan_body,
                               (jnp.int32(0), jnp.int32(0)))

    cnt_v[...] = (jnp.where(iota == 0, n_gt, 0)
                  + jnp.where(iota == 1, jnp.minimum(n_eq, BUF), 0))
    pltpu.sync_copy(cnt_v, counts_sh.at[pl.ds(s * 16, 16)])
    for r in range(NPAY):
        pltpu.sync_copy(gtbuf.at[pl.ds(r * BUF, BUF)],
                        bufs_sh.at[pl.ds(s * ROWW + r * BUF, BUF)])
        pltpu.sync_copy(eqbuf.at[pl.ds(r * QP, BUF)],
                        bufs_sh.at[pl.ds(s * ROWW + (NPAY + r) * BUF, BUF)])
    plsc.subcore_barrier()

    s0 = (s // 4) * 4
    pltpu.sync_copy(counts_sh.at[pl.ds(s0 * 16, 64)], counts4_v)
    ngt = []
    neq = []
    for cc in range(4):
        row = counts4_v[pl.ds(cc * 16, 16)]
        ngt.append(jnp.sum(jnp.where(iota == 0, row, 0)))
        neq.append(jnp.sum(jnp.where(iota == 1, row, 0)))
    total_gt = ngt[0] + ngt[1] + ngt[2] + ngt[3]
    need_eq = K - total_gt

    gt_base = jnp.int32(0)
    eq_before = jnp.int32(0)
    for cc in range(4):
        pltpu.sync_copy(bufs_sh.at[pl.ds((s0 + cc) * ROWW, ROWW)], chunkbuf)
        take = jnp.clip(need_eq - eq_before, 0, neq[cc])
        gb = gt_base
        eb = total_gt + eq_before

        def asm_body(j, _, cc=cc, gb=gb, eb=eb, ngt_c=ngt[cc], take=take):
            posv = j * 16 + iota
            for r in range(NPAY):
                gtv = chunkbuf[pl.ds(r * BUF + j * 16, 16)]
                plsc.store_scatter(asm, [r * KW + gb + posv], gtv,
                                   mask=posv < ngt_c)
                eqv = chunkbuf[pl.ds((NPAY + r) * BUF + j * 16, 16)]
                plsc.store_scatter(asm, [r * KW + eb + posv], eqv,
                                   mask=posv < take)
            return 0

        lax.fori_loop(0, BUF // 16, asm_body, 0)
        gt_base = gt_base + ngt[cc]
        eq_before = eq_before + neq[cc]

    for r in range(NPAY):
        pltpu.sync_copy(asm.at[pl.ds(r * KW + q * 128, 128)],
                        out_hbm.at[pl.ds((r * B + b) * KW + q * 128, 128)])


def _stage_c_sc(keys, amax, boxes_flat, vstar16):
    mesh = plsc.VectorSubcoreMesh(core_axis_name="c", subcore_axis_name="s")
    f = pl.kernel(
        _sc_body,
        out_type=jax.ShapeDtypeStruct((NPAY * B * KW,), jnp.int32),
        mesh=mesh,
        compiler_params=pltpu.CompilerParams(needs_layout_passes=False),
        scratch_types=[
            pltpu.VMEM((QP,), jnp.int32),
            pltpu.VMEM((QP,), jnp.int32),
            pltpu.VMEM((QP * 4,), jnp.float32),
            pltpu.VMEM((16,), jnp.int32),
            pltpu.VMEM((NPAY * BUF,), jnp.int32),
            pltpu.VMEM((NPAY * QP,), jnp.int32),
            pltpu.VMEM((16,), jnp.int32),
            pltpu.VMEM((64,), jnp.int32),
            pltpu.VMEM((ROWW,), jnp.int32),
            pltpu.VMEM((NPAY * KW,), jnp.int32),
            pltpu.VMEM_SHARED((256,), jnp.int32),
            pltpu.VMEM_SHARED((16 * ROWW,), jnp.int32),
        ],
    )
    return f(keys.reshape(-1), amax.reshape(-1), boxes_flat.reshape(-1),
             vstar16).reshape(NPAY, B, KW)


def _stage_c(keys, amax, pred_boxes, vstar):
    boxes_flat = pred_boxes.reshape(B, N * 4)
    vstar16 = jnp.pad(vstar, (0, 16 - B))
    out = _stage_c_sc(keys, amax, boxes_flat, vstar16)
    cand_idx = out[0, :, :K]
    cand_key = out[1, :, :K]
    cand_lab = out[2, :, :K]
    cols = [jax.lax.bitcast_convert_type(out[3 + i, :, :K], jnp.float32)
            for i in range(4)]
    return cand_idx, cand_key, cand_lab, cols


def _body_d1(idx_ref, key_ref, lab_ref, cx_ref, cy_ref, w_ref, h_ref, ts_ref,
             s_ref, box_out_ref, lab_out_ref, valid_ref, iou_ref):
    key_row = key_ref[0]
    idx_row = idx_ref[0]
    lab_row = lab_ref[0].astype(jnp.float32)
    key_sub = jnp.transpose(key_row)
    idx_sub = jnp.transpose(idx_row)

    gt = (key_row > key_sub) | ((key_row == key_sub) & (idx_row < idx_sub))
    rank_sub = jnp.sum(gt.astype(jnp.int32), axis=1, keepdims=True)
    rank_row = jnp.transpose(rank_sub)
    p_sub = jax.lax.broadcasted_iota(jnp.int32, (K, 1), 0)
    onehot = rank_row == p_sub

    def permute(x_row):
        return jnp.sum(jnp.where(onehot, x_row, 0.0), axis=1, keepdims=True)

    m_sub = permute(_f32_from_key(key_row))
    s_sub = jax.nn.sigmoid(m_sub)
    lab_sub = permute(lab_row)
    cx = permute(cx_ref[0])
    cy = permute(cy_ref[0])
    w = permute(w_ref[0])
    h = permute(h_ref[0])

    b0 = cx - w * 0.5; b1 = cy - h * 0.5
    b2 = cx + w * 0.5; b3 = cy + h * 0.5
    ts = ts_ref[0].astype(jnp.float32)
    hgt = ts[0:1, 0:1]; wid = ts[0:1, 1:2]
    b0 = jnp.clip(b0 * wid, 0.0, wid)
    b1 = jnp.clip(b1 * hgt, 0.0, hgt)
    b2 = jnp.clip(b2 * wid, 0.0, wid)
    b3 = jnp.clip(b3 * hgt, 0.0, hgt)

    valid = (s_sub > THRESHOLD) & (b2 > b0) & (b3 > b1)
    mc = jnp.max(jnp.maximum(jnp.maximum(b0, b1), jnp.maximum(b2, b3)),
                 keepdims=True) + 1.0
    offs = lab_sub * mc
    x1 = b0 + offs; y1 = b1 + offs; x2 = b2 + offs; y2 = b3 + offs
    areas = (x2 - x1) * (y2 - y1)
    x1r = jnp.transpose(x1); y1r = jnp.transpose(y1)
    x2r = jnp.transpose(x2); y2r = jnp.transpose(y2)
    xx1 = jnp.maximum(x1, x1r); yy1 = jnp.maximum(y1, y1r)
    xx2 = jnp.minimum(x2, x2r); yy2 = jnp.minimum(y2, y2r)
    iw = jnp.maximum(xx2 - xx1, 0.0); ih = jnp.maximum(yy2 - yy1, 0.0)
    inter = iw * ih
    iou = inter / (areas + jnp.transpose(areas) - inter + 1e-9)

    s_ref[0] = s_sub
    lab_out_ref[0] = lab_sub.astype(jnp.int32) + 1
    box_out_ref[0] = jnp.concatenate([b0, b1, b2, b3], axis=1)
    valid_ref[0] = jnp.transpose(valid)
    iou_ref[...] = iou.reshape(K, 1, 1, K)


def _stage_d1(cand_idx, cand_key, cand_lab, cols, target_sizes):
    row3 = lambda b: (b, 0, 0)
    return pl.pallas_call(
        _body_d1,
        grid=(B,),
        in_specs=[pl.BlockSpec((1, 1, K), row3)] * 7 +
                 [pl.BlockSpec((1, 1, 2), row3)],
        out_specs=[pl.BlockSpec((1, K, 1), row3),
                   pl.BlockSpec((1, K, 4), row3),
                   pl.BlockSpec((1, K, 1), row3),
                   pl.BlockSpec((1, 1, K), row3),
                   pl.BlockSpec((K, 1, 1, K), lambda b: (0, b, 0, 0))],
        out_shape=[jax.ShapeDtypeStruct((B, K, 1), jnp.float32),
                   jax.ShapeDtypeStruct((B, K, 4), jnp.float32),
                   jax.ShapeDtypeStruct((B, K, 1), jnp.int32),
                   jax.ShapeDtypeStruct((B, 1, K), jnp.bool_),
                   jax.ShapeDtypeStruct((K, B, 1, K), jnp.float32)],
    )(cand_idx.reshape(B, 1, K), cand_key.reshape(B, 1, K),
      cand_lab.reshape(B, 1, K), *[x.reshape(B, 1, K) for x in cols],
      target_sizes.reshape(B, 1, 2))


def _body_d2(valid_ref, iou_ref, keep_ref):
    valid = valid_ref[:, 0, :]
    lane = jax.lax.broadcasted_iota(jnp.int32, (1, K), 1)

    def nms_it(i, suppressed):
        sup_i = jnp.sum(jnp.where(lane == i, suppressed, 0),
                        axis=1, keepdims=True)
        val_i = jnp.sum(jnp.where(lane == i, valid.astype(jnp.int32), 0),
                        axis=1, keepdims=True)
        act = (val_i > 0) & (sup_i == 0)
        row = iou_ref[pl.ds(i, 1)][0, :, 0, :]
        hit = act & (row > IOU_THRESHOLD) & (lane > i)
        return suppressed | hit.astype(jnp.int32)

    suppressed = jax.lax.fori_loop(
        0, K, nms_it, jnp.zeros((B, K), dtype=jnp.int32), unroll=4)
    keep_ref[...] = valid & (suppressed == 0)


def _stage_d2(valid, iou):
    return pl.pallas_call(
        _body_d2,
        out_shape=jax.ShapeDtypeStruct((B, K), jnp.bool_),
    )(valid, iou)


def kernel(pred_logits, pred_boxes, target_sizes):
    keys, amax = _stage_a(pred_logits)
    keys3 = keys.reshape(B, G, CHP)
    vstar, _ = _stage_b(keys3)
    cand_idx, cand_key, cand_lab, cols = _stage_c(
        keys, amax, pred_boxes, vstar[0])
    s3, boxes, lab3, valid, iou = _stage_d1(
        cand_idx, cand_key, cand_lab, cols, target_sizes)
    keep = _stage_d2(valid, iou)
    return s3.reshape(B, K), boxes, lab3.reshape(B, K), keep

# --- scband reference (transcript-rebuilt; emitter-appended) ---
"""Pipeline reference for scband-rfdetrdetection-model-17695265259604 (READ-ONLY COPY).

The authoritative reference and input builder live on the scoring server;
editing this copy changes nothing except your own understanding.
"""

import jax, jax.numpy as jnp
import numpy as np

NUM_CLASSES = 91
NUM_SELECT = 300
THRESHOLD = 0.05
IOU_THRESHOLD = 0.85


def setup_inputs(seed: int = 0) -> dict:
    key = jax.random.key(seed)
    k1, k2, k3 = jax.random.split(key, 3)
    pred_logits = jax.random.normal(k1, (8, 20000, 91), dtype=jnp.float32)
    pred_boxes = jax.random.uniform(k2, (8, 20000, 4), dtype=jnp.float32)
    target_sizes = jax.random.randint(k3, (8, 2), 512, 1333, dtype=jnp.int32)
    return {"pred_logits": pred_logits, "pred_boxes": pred_boxes, "target_sizes": target_sizes}


def _nms_numpy(boxes, scores, iou_thr):
    order = np.argsort(-scores, kind="stable")
    x1, y1, x2, y2 = boxes[:, 0], boxes[:, 1], boxes[:, 2], boxes[:, 3]
    areas = (x2 - x1) * (y2 - y1)
    suppressed = np.zeros(len(scores), dtype=bool)
    keep = []
    for pos, i in enumerate(order):
        if suppressed[i]:
            continue
        keep.append(i)
        rest = order[pos + 1:]
        if rest.size == 0:
            break
        xx1 = np.maximum(x1[i], x1[rest])
        yy1 = np.maximum(y1[i], y1[rest])
        xx2 = np.minimum(x2[i], x2[rest])
        yy2 = np.minimum(y2[i], y2[rest])
        w = np.clip(xx2 - xx1, 0.0, None)
        h = np.clip(yy2 - yy1, 0.0, None)
        inter = w * h
        iou = inter / (areas[i] + areas[rest] - inter + 1e-9)
        suppressed[rest[iou > iou_thr]] = True
    return np.asarray(keep, dtype=np.int64)


def _nms_jax(s, bx, lb):
    valid = (s > THRESHOLD) & (bx[:, 2] > bx[:, 0]) & (bx[:, 3] > bx[:, 1])
    max_coord = jnp.max(bx) + jnp.asarray(1.0, bx.dtype)
    offs = lb.astype(jnp.float32) * max_coord
    shifted = bx + offs[:, None]
    x1, y1, x2, y2 = shifted[:, 0], shifted[:, 1], shifted[:, 2], shifted[:, 3]
    areas = (x2 - x1) * (y2 - y1)
    sort_key = jnp.where(valid, -s, jnp.asarray(jnp.inf, s.dtype))
    order = jnp.argsort(sort_key, stable=True)
    rank = jnp.zeros(NUM_SELECT, dtype=jnp.int32).at[order].set(
        jnp.arange(NUM_SELECT, dtype=jnp.int32)
    )

    def body(pos, carry):
        suppressed, keep = carry
        i = order[pos]
        active = valid[i] & jnp.logical_not(suppressed[i])
        xx1 = jnp.maximum(x1[i], x1)
        yy1 = jnp.maximum(y1[i], y1)
        xx2 = jnp.minimum(x2[i], x2)
        yy2 = jnp.minimum(y2[i], y2)
        w = jnp.clip(xx2 - xx1, 0.0, None)
        h = jnp.clip(yy2 - yy1, 0.0, None)
        inter = w * h
        iou = inter / (areas[i] + areas - inter + 1e-9)
        later = rank > pos
        suppressed = suppressed | (active & (iou > IOU_THRESHOLD) & later)
        keep = keep.at[i].set(keep[i] | active)
        return suppressed, keep

    suppressed0 = jnp.zeros(NUM_SELECT, dtype=bool)
    keep0 = jnp.zeros(NUM_SELECT, dtype=bool)
    _, keep = jax.lax.fori_loop(0, NUM_SELECT, body, (suppressed0, keep0))
    return keep


def reference(pred_logits, pred_boxes, target_sizes):
    probs = jax.nn.sigmoid(pred_logits)
    if probs.shape[-1] > 1:
        probs = probs[..., :-1]
    scores = jnp.max(probs, axis=-1)
    labels = jnp.argmax(probs, axis=-1)
    cx, cy, w, h = pred_boxes[..., 0], pred_boxes[..., 1], pred_boxes[..., 2], pred_boxes[..., 3]
    boxes = jnp.stack((cx - w * 0.5, cy - h * 0.5, cx + w * 0.5, cy + h * 0.5), axis=-1)
    hgt = target_sizes[:, 0].astype(boxes.dtype)
    wid = target_sizes[:, 1].astype(boxes.dtype)
    scale = jnp.stack((wid, hgt, wid, hgt), axis=-1)
    boxes = boxes * scale[:, None, :]
    x_max = wid[:, None]
    y_max = hgt[:, None]
    b0 = jnp.clip(boxes[..., 0], 0.0, x_max)
    b1 = jnp.clip(boxes[..., 1], 0.0, y_max)
    b2 = jnp.clip(boxes[..., 2], 0.0, x_max)
    b3 = jnp.clip(boxes[..., 3], 0.0, y_max)
    boxes = jnp.stack((b0, b1, b2, b3), axis=-1)
    top_scores, top_idx = jax.lax.top_k(scores, NUM_SELECT)
    top_labels = jnp.take_along_axis(labels, top_idx, axis=1)
    top_boxes = jnp.take_along_axis(boxes, top_idx[..., None], axis=1)
    keep_mask = jax.vmap(_nms_jax)(top_scores, top_boxes, top_labels)
    if int(NUM_CLASSES) >= 91:
        out_labels = top_labels + 1
    else:
        out_labels = top_labels
    return top_scores, top_boxes, out_labels, keep_mask

if __name__ == "__main__":
    import jax
    _d = setup_inputs()
    print(jax.jit(kernel)(*tuple(_d.values())))

</pallas_src>

<mosaic_0001>
#map = affine_map<(d0, d1) -> (0)>
module attributes {stable_mosaic.version = 14 : i64} {
  func.func @_sc_body(%arg0: i32, %arg1: i32, %arg2: memref<163840xi32, #tpu.memory_space<hbm>>, %arg3: memref<163840xi32, #tpu.memory_space<hbm>>, %arg4: memref<640000xf32, #tpu.memory_space<hbm>>, %arg5: memref<16xi32, #tpu.memory_space<hbm>>, %arg6: memref<28672xi32, #tpu.memory_space<hbm>>, %arg7: memref<5120xi32, #tpu.memory_space<vmem>>, %arg8: memref<5120xi32, #tpu.memory_space<vmem>>, %arg9: memref<20480xf32, #tpu.memory_space<vmem>>, %arg10: memref<16xi32, #tpu.memory_space<vmem>>, %arg11: memref<2128xi32, #tpu.memory_space<vmem>>, %arg12: memref<35840xi32, #tpu.memory_space<vmem>>, %arg13: memref<16xi32, #tpu.memory_space<vmem>>, %arg14: memref<64xi32, #tpu.memory_space<vmem>>, %arg15: memref<4256xi32, #tpu.memory_space<vmem>>, %arg16: memref<3584xi32, #tpu.memory_space<vmem>>, %arg17: memref<256xi32, #tpu.memory_space<vmem_shared>>, %arg18: memref<68096xi32, #tpu.memory_space<vmem_shared>>) attributes {dimension_semantics = [#tpu.dimension_semantics<core_parallel>, #tpu.dimension_semantics<subcore_parallel>], iteration_bounds = array<i64: 2, 16>, scalar_prefetch = 0 : i64, scratch_operands = 12 : i64, tpu.core_type = #tpu.core_type<sc_vector_subcore>, window_params = [{transform_indices = #map}, {transform_indices = #map}, {transform_indices = #map}, {transform_indices = #map}, {transform_indices = #map}]} {
    %mul3A = arith.constant 4 : i32
    %mul3A_0 = arith.muli %arg0, %mul3A : i32
    %jit3A = arith.constant 4 : i32
    %div3A = arith.divsi %arg1, %jit3A : i32
    %sign3A = arith.constant 0 : i32
    %sign3A_1 = arith.cmpi sgt, %arg1, %sign3A : i32
    %sign3A_2 = arith.extui %sign3A_1 : i1 to i32
    %sign3A_3 = arith.constant 0 : i32
    %sign3A_4 = arith.cmpi slt, %arg1, %sign3A_3 : i32
    %sign3A_5 = arith.extui %sign3A_4 : i1 to i32
    %sign3A_6 = arith.subi %sign3A_2, %sign3A_5 : i32
    %sign3A_7 = arith.constant 0 : i32
    %sign3A_8 = arith.cmpi sgt, %jit3A, %sign3A_7 : i32
    %sign3A_9 = arith.extui %sign3A_8 : i1 to i32
    %sign3A_10 = arith.constant 0 : i32
    %sign3A_11 = arith.cmpi slt, %jit3A, %sign3A_10 : i32
    %sign3A_12 = arith.extui %sign3A_11 : i1 to i32
    %sign3A_13 = arith.subi %sign3A_9, %sign3A_12 : i32
    %ne3A = arith.cmpi ne, %sign3A_6, %sign3A_13 : i32
    %rem3A = arith.remsi %arg1, %jit3A : i32
    %ne3A_14 = arith.constant 0 : i32
    %ne3A_15 = arith.cmpi ne, %rem3A, %ne3A_14 : i32
    %and3A = arith.andi %ne3A, %ne3A_15 : i1
    %sub3A = arith.constant 1 : i32
    %sub3A_16 = arith.subi %div3A, %sub3A : i32
    %select_n3A = arith.select %and3A, %sub3A_16, %div3A : i32
    %add3A = arith.addi %mul3A_0, %select_n3A : i32
    %jit3A_17 = arith.constant 4 : i32
    %eq3A = arith.constant 0 : i32
    %eq3A_18 = arith.cmpi eq, %jit3A_17, %eq3A : i32
    %jit3A_19 = arith.constant 1 : i32
    %select_n3A_20 = arith.select %eq3A_18, %jit3A_19, %jit3A_17 : i32
    %rem3A_21 = arith.remsi %arg1, %select_n3A_20 : i32
    %ne3A_22 = arith.constant 0 : i32
    %ne3A_23 = arith.cmpi ne, %rem3A_21, %ne3A_22 : i32
    %lt3A = arith.constant 0 : i32
    %lt3A_24 = arith.cmpi slt, %rem3A_21, %lt3A : i32
    %lt3A_25 = arith.constant 0 : i32
    %lt3A_26 = arith.cmpi slt, %select_n3A_20, %lt3A_25 : i32
    %ne3A_27 = arith.xori %lt3A_24, %lt3A_26 : i1
    %and3A_28 = arith.andi %ne3A_27, %ne3A_23 : i1
    %add3A_29 = arith.addi %rem3A_21, %select_n3A_20 : i32
    %select_n3A_30 = arith.select %and3A_28, %add3A_29, %rem3A_21 : i32
    %mul3A_31 = arith.constant 20480 : i32
    %mul3A_32 = arith.muli %add3A, %mul3A_31 : i32
    %mul3A_33 = arith.constant 5120 : i32
    %mul3A_34 = arith.muli %select_n3A_30, %mul3A_33 : i32
    %add3A_35 = arith.addi %mul3A_32, %mul3A_34 : i32
    "tpu.region"() ({
      %run_scoped3A = tpu.sem_alloc : memref<!tpu.dma_semaphore, #tpu.memory_space<semaphore_mem>>
      %dma_start3A = tpu.memref_slice %arg2[%add3A_35] : memref<163840xi32, #tpu.memory_space<hbm>> -> memref<5120xi32, #tpu.memory_space<hbm>>
      %dma_start3A_433 = tpu.memref_slice %arg2[%add3A_35] : memref<163840xi32, #tpu.memory_space<hbm>> -> memref<5120xi32, #tpu.memory_space<hbm>>
      tpu.enqueue_dma source(%dma_start3A_433 : memref<5120xi32, #tpu.memory_space<hbm>>) target(%arg7 : memref<5120xi32, #tpu.memory_space<vmem>>) target_semaphore(%run_scoped3A : memref<!tpu.dma_semaphore, #tpu.memory_space<semaphore_mem>>)
      %dma_wait3A = tpu.memref_slice %arg2[%add3A_35] : memref<163840xi32, #tpu.memory_space<hbm>> -> memref<5120xi32, #tpu.memory_space<hbm>>
      %dma_wait3A_434 = tpu.memref_slice %arg2[%add3A_35] : memref<163840xi32, #tpu.memory_space<hbm>> -> memref<5120xi32, #tpu.memory_space<hbm>>
      tpu.wait_dma2 semaphore(%run_scoped3A : memref<!tpu.dma_semaphore, #tpu.memory_space<semaphore_mem>>) src(%dma_wait3A_434 : memref<5120xi32, #tpu.memory_space<hbm>>) dst(%arg7 : memref<5120xi32, #tpu.memory_space<vmem>>)
      tpu.yield
    }) : () -> ()
    %mul3A_36 = arith.constant 20480 : i32
    %mul3A_37 = arith.muli %add3A, %mul3A_36 : i32
    %mul3A_38 = arith.constant 5120 : i32
    %mul3A_39 = arith.muli %select_n3A_30, %mul3A_38 : i32
    %add3A_40 = arith.addi %mul3A_37, %mul3A_39 : i32
    "tpu.region"() ({
      %run_scoped3A = tpu.sem_alloc : memref<!tpu.dma_semaphore, #tpu.memory_space<semaphore_mem>>
      %dma_start3A = tpu.memref_slice %arg3[%add3A_40] : memref<163840xi32, #tpu.memory_space<hbm>> -> memref<5120xi32, #tpu.memory_space<hbm>>
      %dma_start3A_433 = tpu.memref_slice %arg3[%add3A_40] : memref<163840xi32, #tpu.memory_space<hbm>> -> memref<5120xi32, #tpu.memory_space<hbm>>
      tpu.enqueue_dma source(%dma_start3A_433 : memref<5120xi32, #tpu.memory_space<hbm>>) target(%arg8 : memref<5120xi32, #tpu.memory_space<vmem>>) target_semaphore(%run_scoped3A : memref<!tpu.dma_semaphore, #tpu.memory_space<semaphore_mem>>)
      %dma_wait3A = tpu.memref_slice %arg3[%add3A_40] : memref<163840xi32, #tpu.memory_space<hbm>> -> memref<5120xi32, #tpu.memory_space<hbm>>
      %dma_wait3A_434 = tpu.memref_slice %arg3[%add3A_40] : memref<163840xi32, #tpu.memory_space<hbm>> -> memref<5120xi32, #tpu.memory_space<hbm>>
      tpu.wait_dma2 semaphore(%run_scoped3A : memref<!tpu.dma_semaphore, #tpu.memory_space<semaphore_mem>>) src(%dma_wait3A_434 : memref<5120xi32, #tpu.memory_space<hbm>>) dst(%arg8 : memref<5120xi32, #tpu.memory_space<vmem>>)
      tpu.yield
    }) : () -> ()
    %mul3A_41 = arith.constant 5120 : i32
    %mul3A_42 = arith.muli %select_n3A_30, %mul3A_41 : i32
    %jit3A_43 = arith.constant 4096 : i32
    %div3A_44 = arith.divsi %mul3A_42, %jit3A_43 : i32
    %sign3A_45 = arith.constant 0 : i32
    %sign3A_46 = arith.cmpi sgt, %mul3A_42, %sign3A_45 : i32
    %sign3A_47 = arith.extui %sign3A_46 : i1 to i32
    %sign3A_48 = arith.constant 0 : i32
    %sign3A_49 = arith.cmpi slt, %mul3A_42, %sign3A_48 : i32
    %sign3A_50 = arith.extui %sign3A_49 : i1 to i32
    %sign3A_51 = arith.subi %sign3A_47, %sign3A_50 : i32
    %sign3A_52 = arith.constant 0 : i32
    %sign3A_53 = arith.cmpi sgt, %jit3A_43, %sign3A_52 : i32
    %sign3A_54 = arith.extui %sign3A_53 : i1 to i32
    %sign3A_55 = arith.constant 0 : i32
    %sign3A_56 = arith.cmpi slt, %jit3A_43, %sign3A_55 : i32
    %sign3A_57 = arith.extui %sign3A_56 : i1 to i32
    %sign3A_58 = arith.subi %sign3A_54, %sign3A_57 : i32
    %ne3A_59 = arith.cmpi ne, %sign3A_51, %sign3A_58 : i32
    %rem3A_60 = arith.remsi %mul3A_42, %jit3A_43 : i32
    %ne3A_61 = arith.constant 0 : i32
    %ne3A_62 = arith.cmpi ne, %rem3A_60, %ne3A_61 : i32
    %and3A_63 = arith.andi %ne3A_59, %ne3A_62 : i1
    %sub3A_64 = arith.constant 1 : i32
    %sub3A_65 = arith.subi %div3A_44, %sub3A_64 : i32
    %select_n3A_66 = arith.select %and3A_63, %sub3A_65, %div3A_44 : i32
    %mul3A_67 = arith.constant 4000 : i32
    %mul3A_68 = arith.muli %select_n3A_66, %mul3A_67 : i32
    %rem3A_69 = arith.constant 4096 : i32
    %rem3A_70 = arith.remsi %mul3A_42, %rem3A_69 : i32
    %add3A_71 = arith.addi %mul3A_68, %rem3A_70 : i32
    %min3A = arith.constant 14880 : i32
    %min3A_72 = arith.minsi %add3A_71, %min3A : i32
    %mul3A_73 = arith.constant 80000 : i32
    %mul3A_74 = arith.muli %add3A, %mul3A_73 : i32
    %mul3A_75 = arith.constant 4 : i32
    %mul3A_76 = arith.muli %min3A_72, %mul3A_75 : i32
    %add3A_77 = arith.addi %mul3A_74, %mul3A_76 : i32
    "tpu.region"() ({
      %run_scoped3A = tpu.sem_alloc : memref<!tpu.dma_semaphore, #tpu.memory_space<semaphore_mem>>
      %dma_start3A = tpu.memref_slice %arg4[%add3A_77] : memref<640000xf32, #tpu.memory_space<hbm>> -> memref<20480xf32, #tpu.memory_space<hbm>>
      %dma_start3A_433 = tpu.memref_slice %arg4[%add3A_77] : memref<640000xf32, #tpu.memory_space<hbm>> -> memref<20480xf32, #tpu.memory_space<hbm>>
      tpu.enqueue_dma source(%dma_start3A_433 : memref<20480xf32, #tpu.memory_space<hbm>>) target(%arg9 : memref<20480xf32, #tpu.memory_space<vmem>>) target_semaphore(%run_scoped3A : memref<!tpu.dma_semaphore, #tpu.memory_space<semaphore_mem>>)
      %dma_wait3A = tpu.memref_slice %arg4[%add3A_77] : memref<640000xf32, #tpu.memory_space<hbm>> -> memref<20480xf32, #tpu.memory_space<hbm>>
      %dma_wait3A_434 = tpu.memref_slice %arg4[%add3A_77] : memref<640000xf32, #tpu.memory_space<hbm>> -> memref<20480xf32, #tpu.memory_space<hbm>>
      tpu.wait_dma2 semaphore(%run_scoped3A : memref<!tpu.dma_semaphore, #tpu.memory_space<semaphore_mem>>) src(%dma_wait3A_434 : memref<20480xf32, #tpu.memory_space<hbm>>) dst(%arg9 : memref<20480xf32, #tpu.memory_space<vmem>>)
      tpu.yield
    }) : () -> ()
    "tpu.region"() ({
      %run_scoped3A = tpu.sem_alloc : memref<!tpu.dma_semaphore, #tpu.memory_space<semaphore_mem>>
      tpu.enqueue_dma source(%arg5 : memref<16xi32, #tpu.memory_space<hbm>>) target(%arg10 : memref<16xi32, #tpu.memory_space<vmem>>) target_semaphore(%run_scoped3A : memref<!tpu.dma_semaphore, #tpu.memory_space<semaphore_mem>>)
      tpu.wait_dma2 semaphore(%run_scoped3A : memref<!tpu.dma_semaphore, #tpu.memory_space<semaphore_mem>>) src(%arg5 : memref<16xi32, #tpu.memory_space<hbm>>) dst(%arg10 : memref<16xi32, #tpu.memory_space<vmem>>)
      tpu.yield
    }) : () -> ()
    %broadcast_in_dim3A = vector.broadcast %add3A : i32 to vector<16xi32>
    %gather3A = tpu.vector_load_idx %arg10[%broadcast_in_dim3A] : memref<16xi32, #tpu.memory_space<vmem>>[vector<16xi32>], vector<16xi32>,
    %iota3A = tpu.iota {dimensions = array<i32: 0>} : vector<16xi32>
    %scan3A = arith.constant 0 : i32
    %scan3A_78 = arith.constant 0 : i32
    %scan3A_79 = arith.constant 0 : i32
    %scan3A_80 = arith.constant 320 : i32
    %scan3A_81 = arith.addi %scan3A_79, %scan3A_80 : i32
    %scan3A_82 = arith.constant 1 : i32
    %scan3A_83:2 = scf.for %scan3A_433 = %scan3A_79 to %scan3A_81 step %scan3A_82 iter_args(%scan3A_434 = %scan3A, %scan3A_435 = %scan3A_78) -> (i32, i32)  : i32 {
      %mul3A_436 = arith.constant 16 : i32
      %mul3A_437 = arith.muli %scan3A_433, %mul3A_436 : i32
      %get3A_438 = arith.index_cast %mul3A_437 : i32 to index
      %get3A_439 = tpu.vector_load %arg7[%get3A_438] {strides = array<i32>} : memref<5120xi32, #tpu.memory_space<vmem>>, vector<16xi32>,
      %mul3A_440 = arith.constant 16 : i32
      %mul3A_441 = arith.muli %scan3A_433, %mul3A_440 : i32
      %get3A_442 = arith.index_cast %mul3A_441 : i32 to index
      %get3A_443 = tpu.vector_load %arg8[%get3A_442] {strides = array<i32>} : memref<5120xi32, #tpu.memory_space<vmem>>, vector<16xi32>,
      %mul3A_444 = arith.constant 16 : i32
      %mul3A_445 = arith.muli %scan3A_433, %mul3A_444 : i32
      %add3A_446 = arith.addi %mul3A_42, %mul3A_445 : i32
      %add3A_447 = vector.broadcast %add3A_446 : i32 to vector<16xi32>
      %add3A_448 = arith.addi %add3A_447, %iota3A : vector<16xi32>
      %jit3A_449 = arith.constant 4096 : i32
      %div3A_450 = vector.broadcast %jit3A_449 : i32 to vector<16xi32>
      %div3A_451 = arith.divsi %add3A_448, %div3A_450 : vector<16xi32>
      %sign3A_452 = arith.constant 0 : i32
      %sign3A_453 = vector.broadcast %sign3A_452 : i32 to vector<16xi32>
      %sign3A_454 = arith.cmpi sgt, %add3A_448, %sign3A_453 : vector<16xi32>
      %sign3A_455 = arith.extui %sign3A_454 : vector<16xi1> to vector<16xi32>
      %sign3A_456 = arith.constant 0 : i32
      %sign3A_457 = vector.broadcast %sign3A_456 : i32 to vector<16xi32>
      %sign3A_458 = arith.cmpi slt, %add3A_448, %sign3A_457 : vector<16xi32>
      %sign3A_459 = arith.extui %sign3A_458 : vector<16xi1> to vector<16xi32>
      %sign3A_460 = arith.subi %sign3A_455, %sign3A_459 : vector<16xi32>
      %sign3A_461 = arith.constant 0 : i32
      %sign3A_462 = arith.cmpi sgt, %jit3A_449, %sign3A_461 : i32
      %sign3A_463 = arith.extui %sign3A_462 : i1 to i32
      %sign3A_464 = arith.constant 0 : i32
      %sign3A_465 = arith.cmpi slt, %jit3A_449, %sign3A_464 : i32
      %sign3A_466 = arith.extui %sign3A_465 : i1 to i32
      %sign3A_467 = arith.subi %sign3A_463, %sign3A_466 : i32
      %ne3A_468 = vector.broadcast %sign3A_467 : i32 to vector<16xi32>
      %ne3A_469 = arith.cmpi ne, %sign3A_460, %ne3A_468 : vector<16xi32>
      %rem3A_470 = vector.broadcast %jit3A_449 : i32 to vector<16xi32>
      %rem3A_471 = arith.remsi %add3A_448, %rem3A_470 : vector<16xi32>
      %ne3A_472 = arith.constant 0 : i32
      %ne3A_473 = vector.broadcast %ne3A_472 : i32 to vector<16xi32>
      %ne3A_474 = arith.cmpi ne, %rem3A_471, %ne3A_473 : vector<16xi32>
      %and3A_475 = arith.andi %ne3A_469, %ne3A_474 : vector<16xi1>
      %sub3A_476 = arith.constant 1 : i32
      %sub3A_477 = vector.broadcast %sub3A_476 : i32 to vector<16xi32>
      %sub3A_478 = arith.subi %div3A_451, %sub3A_477 : vector<16xi32>
      %select_n3A_479 = arith.select %and3A_475, %sub3A_478, %div3A_451 : vector<16xi1>, vector<16xi32>
      %mul3A_480 = arith.constant 4000 : i32
      %mul3A_481 = vector.broadcast %mul3A_480 : i32 to vector<16xi32>
      %mul3A_482 = arith.muli %select_n3A_479, %mul3A_481 : vector<16xi32>
      %mul3A_483 = arith.constant 4096 : i32
      %mul3A_484 = vector.broadcast %mul3A_483 : i32 to vector<16xi32>
      %mul3A_485 = arith.muli %select_n3A_479, %mul3A_484 : vector<16xi32>
      %sub3A_486 = arith.subi %add3A_448, %mul3A_485 : vector<16xi32>
      %add3A_487 = arith.addi %mul3A_482, %sub3A_486 : vector<16xi32>
      %mul3A_488 = arith.constant 4096 : i32
      %mul3A_489 = vector.broadcast %mul3A_488 : i32 to vector<16xi32>
      %mul3A_490 = arith.muli %select_n3A_479, %mul3A_489 : vector<16xi32>
      %sub3A_491 = arith.subi %add3A_448, %mul3A_490 : vector<16xi32>
      %lt3A_492 = arith.constant 4000 : i32
      %lt3A_493 = vector.broadcast %lt3A_492 : i32 to vector<16xi32>
      %lt3A_494 = arith.cmpi slt, %sub3A_491, %lt3A_493 : vector<16xi32>
      %sub3A_495 = vector.broadcast %min3A_72 : i32 to vector<16xi32>
      %sub3A_496 = arith.subi %add3A_487, %sub3A_495 : vector<16xi32>
      %jit3A_497 = arith.constant 0 : i32
      %jit3A_498 = arith.constant 5119 : i32
      %max3A_499 = vector.broadcast %jit3A_497 : i32 to vector<16xi32>
      %max3A_500 = arith.maxsi %max3A_499, %sub3A_496 : vector<16xi32>
      %min3A_501 = vector.broadcast %jit3A_498 : i32 to vector<16xi32>
      %min3A_502 = arith.minsi %min3A_501, %max3A_500 : vector<16xi32>
      %gt3A = arith.cmpi sgt, %get3A_439, %gather3A : vector<16xi32>
      %and3A_503 = arith.andi %gt3A, %lt3A_494 : vector<16xi1>
      %eq3A_504 = arith.cmpi eq, %get3A_439, %gather3A : vector<16xi32>
      %and3A_505 = arith.andi %eq3A_504, %lt3A_494 : vector<16xi1>
      %mul3A_506 = arith.constant 4 : i32
      %mul3A_507 = vector.broadcast %mul3A_506 : i32 to vector<16xi32>
      %mul3A_508 = arith.muli %min3A_502, %mul3A_507 : vector<16xi32>
      %gather3A_509 = tpu.vector_load_idx %arg9[%mul3A_508] masked %lt3A_494 : memref<20480xf32, #tpu.memory_space<vmem>>[vector<16xi32>], vector<16xf32>, vector<16xi1>
      %mul3A_510 = arith.constant 4 : i32
      %mul3A_511 = vector.broadcast %mul3A_510 : i32 to vector<16xi32>
      %mul3A_512 = arith.muli %min3A_502, %mul3A_511 : vector<16xi32>
      %add3A_513 = arith.constant 1 : i32
      %add3A_514 = vector.broadcast %add3A_513 : i32 to vector<16xi32>
      %add3A_515 = arith.addi %mul3A_512, %add3A_514 : vector<16xi32>
      %gather3A_516 = tpu.vector_load_idx %arg9[%add3A_515] masked %lt3A_494 : memref<20480xf32, #tpu.memory_space<vmem>>[vector<16xi32>], vector<16xf32>, vector<16xi1>
      %mul3A_517 = arith.constant 4 : i32
      %mul3A_518 = vector.broadcast %mul3A_517 : i32 to vector<16xi32>
      %mul3A_519 = arith.muli %min3A_502, %mul3A_518 : vector<16xi32>
      %add3A_520 = arith.constant 2 : i32
      %add3A_521 = vector.broadcast %add3A_520 : i32 to vector<16xi32>
      %add3A_522 = arith.addi %mul3A_519, %add3A_521 : vector<16xi32>
      %gather3A_523 = tpu.vector_load_idx %arg9[%add3A_522] masked %lt3A_494 : memref<20480xf32, #tpu.memory_space<vmem>>[vector<16xi32>], vector<16xf32>, vector<16xi1>
      %mul3A_524 = arith.constant 4 : i32
      %mul3A_525 = vector.broadcast %mul3A_524 : i32 to vector<16xi32>
      %mul3A_526 = arith.muli %min3A_502, %mul3A_525 : vector<16xi32>
      %add3A_527 = arith.constant 3 : i32
      %add3A_528 = vector.broadcast %add3A_527 : i32 to vector<16xi32>
      %add3A_529 = arith.addi %mul3A_526, %add3A_528 : vector<16xi32>
      %gather3A_530 = tpu.vector_load_idx %arg9[%add3A_529] masked %lt3A_494 : memref<20480xf32, #tpu.memory_space<vmem>>[vector<16xi32>], vector<16xf32>, vector<16xi1>
      %bitcast3A = vector.bitcast %gather3A_509 : vector<16xf32> to vector<16xi32>
      %bitcast3A_531 = vector.bitcast %gather3A_516 : vector<16xf32> to vector<16xi32>
      %bitcast3A_532 = vector.bitcast %gather3A_523 : vector<16xf32> to vector<16xi32>
      %bitcast3A_533 = vector.bitcast %gather3A_530 : vector<16xf32> to vector<16xi32>
      %add3A_534 = arith.constant 0 : i32
      %add3A_535 = arith.addi %add3A_534, %scan3A_434 : i32
      %swap3A_536 = arith.index_cast %add3A_535 : i32 to index
      %swap3A_537 = tpu.vector_load %arg11[%swap3A_536] masked %and3A_503 {strides = array<i32>} : memref<2128xi32, #tpu.memory_space<vmem>>, vector<16xi32>, vector<16xi1>
      tpu.vector_store %arg11[%swap3A_536], %add3A_487 masked %and3A_503 {strides = array<i32>} : memref<2128xi32, #tpu.memory_space<vmem>>, vector<16xi32>, vector<16xi1>
      %add3A_538 = arith.constant 0 : i32
      %add3A_539 = arith.addi %add3A_538, %scan3A_435 : i32
      %swap3A_540 = arith.index_cast %add3A_539 : i32 to index
      %swap3A_541 = tpu.vector_load %arg12[%swap3A_540] masked %and3A_505 {strides = array<i32>} : memref<35840xi32, #tpu.memory_space<vmem>>, vector<16xi32>, vector<16xi1>
      tpu.vector_store %arg12[%swap3A_540], %add3A_487 masked %and3A_505 {strides = array<i32>} : memref<35840xi32, #tpu.memory_space<vmem>>, vector<16xi32>, vector<16xi1>
      %add3A_542 = arith.constant 304 : i32
      %add3A_543 = arith.addi %add3A_542, %scan3A_434 : i32
      %swap3A_544 = arith.index_cast %add3A_543 : i32 to index
      %swap3A_545 = tpu.vector_load %arg11[%swap3A_544] masked %and3A_503 {strides = array<i32>} : memref<2128xi32, #tpu.memory_space<vmem>>, vector<16xi32>, vector<16xi1>
      tpu.vector_store %arg11[%swap3A_544], %get3A_439 masked %and3A_503 {strides = array<i32>} : memref<2128xi32, #tpu.memory_space<vmem>>, vector<16xi32>, vector<16xi1>
      %add3A_546 = arith.constant 5120 : i32
      %add3A_547 = arith.addi %add3A_546, %scan3A_435 : i32
      %swap3A_548 = arith.index_cast %add3A_547 : i32 to index
      %swap3A_549 = tpu.vector_load %arg12[%swap3A_548] masked %and3A_505 {strides = array<i32>} : memref<35840xi32, #tpu.memory_space<vmem>>, vector<16xi32>, vector<16xi1>
      tpu.vector_store %arg12[%swap3A_548], %get3A_439 masked %and3A_505 {strides = array<i32>} : memref<35840xi32, #tpu.memory_space<vmem>>, vector<16xi32>, vector<16xi1>
      %add3A_550 = arith.constant 608 : i32
      %add3A_551 = arith.addi %add3A_550, %scan3A_434 : i32
      %swap3A_552 = arith.index_cast %add3A_551 : i32 to index
      %swap3A_553 = tpu.vector_load %arg11[%swap3A_552] masked %and3A_503 {strides = array<i32>} : memref<2128xi32, #tpu.memory_space<vmem>>, vector<16xi32>, vector<16xi1>
      tpu.vector_store %arg11[%swap3A_552], %get3A_443 masked %and3A_503 {strides = array<i32>} : memref<2128xi32, #tpu.memory_space<vmem>>, vector<16xi32>, vector<16xi1>
      %add3A_554 = arith.constant 10240 : i32
      %add3A_555 = arith.addi %add3A_554, %scan3A_435 : i32
      %swap3A_556 = arith.index_cast %add3A_555 : i32 to index
      %swap3A_557 = tpu.vector_load %arg12[%swap3A_556] masked %and3A_505 {strides = array<i32>} : memref<35840xi32, #tpu.memory_space<vmem>>, vector<16xi32>, vector<16xi1>
      tpu.vector_store %arg12[%swap3A_556], %get3A_443 masked %and3A_505 {strides = array<i32>} : memref<35840xi32, #tpu.memory_space<vmem>>, vector<16xi32>, vector<16xi1>
      %add3A_558 = arith.constant 912 : i32
      %add3A_559 = arith.addi %add3A_558, %scan3A_434 : i32
      %swap3A_560 = arith.index_cast %add3A_559 : i32 to index
      %swap3A_561 = tpu.vector_load %arg11[%swap3A_560] masked %and3A_503 {strides = array<i32>} : memref<2128xi32, #tpu.memory_space<vmem>>, vector<16xi32>, vector<16xi1>
      tpu.vector_store %arg11[%swap3A_560], %bitcast3A masked %and3A_503 {strides = array<i32>} : memref<2128xi32, #tpu.memory_space<vmem>>, vector<16xi32>, vector<16xi1>
      %add3A_562 = arith.constant 15360 : i32
      %add3A_563 = arith.addi %add3A_562, %scan3A_435 : i32
      %swap3A_564 = arith.index_cast %add3A_563 : i32 to index
      %swap3A_565 = tpu.vector_load %arg12[%swap3A_564] masked %and3A_505 {strides = array<i32>} : memref<35840xi32, #tpu.memory_space<vmem>>, vector<16xi32>, vector<16xi1>
      tpu.vector_store %arg12[%swap3A_564], %bitcast3A masked %and3A_505 {strides = array<i32>} : memref<35840xi32, #tpu.memory_space<vmem>>, vector<16xi32>, vector<16xi1>
      %add3A_566 = arith.constant 1216 : i32
      %add3A_567 = arith.addi %add3A_566, %scan3A_434 : i32
      %swap3A_568 = arith.index_cast %add3A_567 : i32 to index
      %swap3A_569 = tpu.vector_load %arg11[%swap3A_568] masked %and3A_503 {strides = array<i32>} : memref<2128xi32, #tpu.memory_space<vmem>>, vector<16xi32>, vector<16xi1>
      tpu.vector_store %arg11[%swap3A_568], %bitcast3A_531 masked %and3A_503 {strides = array<i32>} : memref<2128xi32, #tpu.memory_space<vmem>>, vector<16xi32>, vector<16xi1>
      %add3A_570 = arith.constant 20480 : i32
      %add3A_571 = arith.addi %add3A_570, %scan3A_435 : i32
      %swap3A_572 = arith.index_cast %add3A_571 : i32 to index
      %swap3A_573 = tpu.vector_load %arg12[%swap3A_572] masked %and3A_505 {strides = array<i32>} : memref<35840xi32, #tpu.memory_space<vmem>>, vector<16xi32>, vector<16xi1>
      tpu.vector_store %arg12[%swap3A_572], %bitcast3A_531 masked %and3A_505 {strides = array<i32>} : memref<35840xi32, #tpu.memory_space<vmem>>, vector<16xi32>, vector<16xi1>
      %add3A_574 = arith.constant 1520 : i32
      %add3A_575 = arith.addi %add3A_574, %scan3A_434 : i32
      %swap3A_576 = arith.index_cast %add3A_575 : i32 to index
      %swap3A_577 = tpu.vector_load %arg11[%swap3A_576] masked %and3A_503 {strides = array<i32>} : memref<2128xi32, #tpu.memory_space<vmem>>, vector<16xi32>, vector<16xi1>
      tpu.vector_store %arg11[%swap3A_576], %bitcast3A_532 masked %and3A_503 {strides = array<i32>} : memref<2128xi32, #tpu.memory_space<vmem>>, vector<16xi32>, vector<16xi1>
      %add3A_578 = arith.constant 25600 : i32
      %add3A_579 = arith.addi %add3A_578, %scan3A_435 : i32
      %swap3A_580 = arith.index_cast %add3A_579 : i32 to index
      %swap3A_581 = tpu.vector_load %arg12[%swap3A_580] masked %and3A_505 {strides = array<i32>} : memref<35840xi32, #tpu.memory_space<vmem>>, vector<16xi32>, vector<16xi1>
      tpu.vector_store %arg12[%swap3A_580], %bitcast3A_532 masked %and3A_505 {strides = array<i32>} : memref<35840xi32, #tpu.memory_space<vmem>>, vector<16xi32>, vector<16xi1>
      %add3A_582 = arith.constant 1824 : i32
      %add3A_583 = arith.addi %add3A_582, %scan3A_434 : i32
      %swap3A_584 = arith.index_cast %add3A_583 : i32 to index
      %swap3A_585 = tpu.vector_load %arg11[%swap3A_584] masked %and3A_503 {strides = array<i32>} : memref<2128xi32, #tpu.memory_space<vmem>>, vector<16xi32>, vector<16xi1>
      tpu.vector_store %arg11[%swap3A_584], %bitcast3A_533 masked %and3A_503 {strides = array<i32>} : memref<2128xi32, #tpu.memory_space<vmem>>, vector<16xi32>, vector<16xi1>
      %add3A_586 = arith.constant 30720 : i32
      %add3A_587 = arith.addi %add3A_586, %scan3A_435 : i32
      %swap3A_588 = arith.index_cast %add3A_587 : i32 to index
      %swap3A_589 = tpu.vector_load %arg12[%swap3A_588] masked %and3A_505 {strides = array<i32>} : memref<35840xi32, #tpu.memory_space<vmem>>, vector<16xi32>, vector<16xi1>
      tpu.vector_store %arg12[%swap3A_588], %bitcast3A_533 masked %and3A_505 {strides = array<i32>} : memref<35840xi32, #tpu.memory_space<vmem>>, vector<16xi32>, vector<16xi1>
      %convert_element_type3A = arith.extui %and3A_503 : vector<16xi1> to vector<16xi32>
      %reduce_sum3A_590 = arith.constant true
      %reduce_sum3A_591 = vector.broadcast %reduce_sum3A_590 : i1 to vector<16xi1>
      %reduce_sum3A_592 = tpu.scan <sum>, %convert_element_type3A masked %reduce_sum3A_591 : vector<16xi32>, vector<16xi1> -> vector<16xi32>
      %reduce_sum3A_593 = vector.extract %reduce_sum3A_592[15] : i32 from vector<16xi32>
      %add3A_594 = arith.addi %scan3A_434, %reduce_sum3A_593 : i32
      %convert_element_type3A_595 = arith.extui %and3A_505 : vector<16xi1> to vector<16xi32>
      %reduce_sum3A_596 = arith.constant true
      %reduce_sum3A_597 = vector.broadcast %reduce_sum3A_596 : i1 to vector<16xi1>
      %reduce_sum3A_598 = tpu.scan <sum>, %convert_element_type3A_595 masked %reduce_sum3A_597 : vector<16xi32>, vector<16xi1> -> vector<16xi32>
      %reduce_sum3A_599 = vector.extract %reduce_sum3A_598[15] : i32 from vector<16xi32>
      %add3A_600 = arith.addi %scan3A_435, %reduce_sum3A_599 : i32
      scf.yield %add3A_594, %add3A_600 : i32, i32
    }
    %scan3A_84 = arith.constant 320 : i32
    %eq3A_85 = arith.constant 0 : i32
    %eq3A_86 = vector.broadcast %eq3A_85 : i32 to vector<16xi32>
    %eq3A_87 = arith.cmpi eq, %iota3A, %eq3A_86 : vector<16xi32>
    %jit3A_88 = arith.constant 0 : i32
    %broadcast_in_dim3A_89 = vector.broadcast %scan3A_83#0 : i32 to vector<16xi32>
    %broadcast_in_dim3A_90 = vector.broadcast %jit3A_88 : i32 to vector<16xi32>
    %select_n3A_91 = arith.select %eq3A_87, %broadcast_in_dim3A_89, %broadcast_in_dim3A_90 : vector<16xi1>, vector<16xi32>
    %eq3A_92 = arith.constant 1 : i32
    %eq3A_93 = vector.broadcast %eq3A_92 : i32 to vector<16xi32>
    %eq3A_94 = arith.cmpi eq, %iota3A, %eq3A_93 : vector<16xi32>
    %min3A_95 = arith.constant 304 : i32
    %min3A_96 = arith.minsi %scan3A_83#1, %min3A_95 : i32
    %jit3A_97 = arith.constant 0 : i32
    %broadcast_in_dim3A_98 = vector.broadcast %min3A_96 : i32 to vector<16xi32>
    %broadcast_in_dim3A_99 = vector.broadcast %jit3A_97 : i32 to vector<16xi32>
    %select_n3A_100 = arith.select %eq3A_94, %broadcast_in_dim3A_98, %broadcast_in_dim3A_99 : vector<16xi1>, vector<16xi32>
    %add3A_101 = arith.addi %select_n3A_91, %select_n3A_100 : vector<16xi32>
    %swap3A = arith.constant 0 : index
    %swap3A_102 = tpu.vector_load %arg13[%swap3A] {strides = array<i32>} : memref<16xi32, #tpu.memory_space<vmem>>, vector<16xi32>,
    tpu.vector_store %arg13[%swap3A], %add3A_101 {strides = array<i32>} : memref<16xi32, #tpu.memory_space<vmem>>, vector<16xi32>,
    %mul3A_103 = arith.constant 16 : i32
    %mul3A_104 = arith.muli %arg1, %mul3A_103 : i32
    "tpu.region"() ({
      %run_scoped3A = tpu.sem_alloc : memref<!tpu.dma_semaphore, #tpu.memory_space<semaphore_mem>>
      %dma_start3A = tpu.memref_slice %arg17[%mul3A_104] : memref<256xi32, #tpu.memory_space<vmem_shared>> -> memref<16xi32, #tpu.memory_space<vmem_shared>>
      %dma_start3A_433 = tpu.memref_slice %arg17[%mul3A_104] : memref<256xi32, #tpu.memory_space<vmem_shared>> -> memref<16xi32, #tpu.memory_space<vmem_shared>>
      tpu.enqueue_dma source(%arg13 : memref<16xi32, #tpu.memory_space<vmem>>) target(%dma_start3A_433 : memref<16xi32, #tpu.memory_space<vmem_shared>>) target_semaphore(%run_scoped3A : memref<!tpu.dma_semaphore, #tpu.memory_space<semaphore_mem>>)
      %dma_wait3A = tpu.memref_slice %arg17[%mul3A_104] : memref<256xi32, #tpu.memory_space<vmem_shared>> -> memref<16xi32, #tpu.memory_space<vmem_shared>>
      %dma_wait3A_434 = tpu.memref_slice %arg17[%mul3A_104] : memref<256xi32, #tpu.memory_space<vmem_shared>> -> memref<16xi32, #tpu.memory_space<vmem_shared>>
      tpu.wait_dma2 semaphore(%run_scoped3A : memref<!tpu.dma_semaphore, #tpu.memory_space<semaphore_mem>>) src(%arg13 : memref<16xi32, #tpu.memory_space<vmem>>) dst(%dma_wait3A_434 : memref<16xi32, #tpu.memory_space<vmem_shared>>)
      tpu.yield
    }) : () -> ()
    %mul3A_105 = arith.constant 4256 : i32
    %mul3A_106 = arith.muli %arg1, %mul3A_105 : i32
    %add3A_107 = arith.constant 0 : i32
    %add3A_108 = arith.addi %mul3A_106, %add3A_107 : i32
    "tpu.region"() ({
      %run_scoped3A = tpu.sem_alloc : memref<!tpu.dma_semaphore, #tpu.memory_space<semaphore_mem>>
      %dma_start3A = arith.constant 0 : i32
      %dma_start3A_433 = tpu.memref_slice %arg11[%dma_start3A] : memref<2128xi32, #tpu.memory_space<vmem>> -> memref<304xi32, #tpu.memory_space<vmem>>
      %dma_start3A_434 = tpu.memref_slice %arg18[%add3A_108] : memref<68096xi32, #tpu.memory_space<vmem_shared>> -> memref<304xi32, #tpu.memory_space<vmem_shared>>
      %dma_start3A_435 = tpu.memref_slice %arg18[%add3A_108] : memref<68096xi32, #tpu.memory_space<vmem_shared>> -> memref<304xi32, #tpu.memory_space<vmem_shared>>
      %dma_start3A_436 = arith.constant 0 : i32
      %dma_start3A_437 = tpu.memref_slice %arg11[%dma_start3A_436] : memref<2128xi32, #tpu.memory_space<vmem>> -> memref<304xi32, #tpu.memory_space<vmem>>
      tpu.enqueue_dma source(%dma_start3A_437 : memref<304xi32, #tpu.memory_space<vmem>>) target(%dma_start3A_435 : memref<304xi32, #tpu.memory_space<vmem_shared>>) target_semaphore(%run_scoped3A : memref<!tpu.dma_semaphore, #tpu.memory_space<semaphore_mem>>)
      %dma_wait3A = arith.constant 0 : i32
      %dma_wait3A_438 = tpu.memref_slice %arg11[%dma_wait3A] : memref<2128xi32, #tpu.memory_space<vmem>> -> memref<304xi32, #tpu.memory_space<vmem>>
      %dma_wait3A_439 = tpu.memref_slice %arg18[%add3A_108] : memref<68096xi32, #tpu.memory_space<vmem_shared>> -> memref<304xi32, #tpu.memory_space<vmem_shared>>
      %dma_wait3A_440 = tpu.memref_slice %arg18[%add3A_108] : memref<68096xi32, #tpu.memory_space<vmem_shared>> -> memref<304xi32, #tpu.memory_space<vmem_shared>>
      %dma_wait3A_441 = arith.constant 0 : i32
      %dma_wait3A_442 = tpu.memref_slice %arg11[%dma_wait3A_441] : memref<2128xi32, #tpu.memory_space<vmem>> -> memref<304xi32, #tpu.memory_space<vmem>>
      tpu.wait_dma2 semaphore(%run_scoped3A : memref<!tpu.dma_semaphore, #tpu.memory_space<semaphore_mem>>) src(%dma_wait3A_442 : memref<304xi32, #tpu.memory_space<vmem>>) dst(%dma_wait3A_440 : memref<304xi32, #tpu.memory_space<vmem_shared>>)
      tpu.yield
    }) : () -> ()
    %mul3A_109 = arith.constant 4256 : i32
    %mul3A_110 = arith.muli %arg1, %mul3A_109 : i32
    %add3A_111 = arith.constant 2128 : i32
    %add3A_112 = arith.addi %mul3A_110, %add3A_111 : i32
    "tpu.region"() ({
      %run_scoped3A = tpu.sem_alloc : memref<!tpu.dma_semaphore, #tpu.memory_space<semaphore_mem>>
      %dma_start3A = arith.constant 0 : i32
      %dma_start3A_433 = tpu.memref_slice %arg12[%dma_start3A] : memref<35840xi32, #tpu.memory_space<vmem>> -> memref<304xi32, #tpu.memory_space<vmem>>
      %dma_start3A_434 = tpu.memref_slice %arg18[%add3A_112] : memref<68096xi32, #tpu.memory_space<vmem_shared>> -> memref<304xi32, #tpu.memory_space<vmem_shared>>
      %dma_start3A_435 = tpu.memref_slice %arg18[%add3A_112] : memref<68096xi32, #tpu.memory_space<vmem_shared>> -> memref<304xi32, #tpu.memory_space<vmem_shared>>
      %dma_start3A_436 = arith.constant 0 : i32
      %dma_start3A_437 = tpu.memref_slice %arg12[%dma_start3A_436] : memref<35840xi32, #tpu.memory_space<vmem>> -> memref<304xi32, #tpu.memory_space<vmem>>
      tpu.enqueue_dma source(%dma_start3A_437 : memref<304xi32, #tpu.memory_space<vmem>>) target(%dma_start3A_435 : memref<304xi32, #tpu.memory_space<vmem_shared>>) target_semaphore(%run_scoped3A : memref<!tpu.dma_semaphore, #tpu.memory_space<semaphore_mem>>)
      %dma_wait3A = arith.constant 0 : i32
      %dma_wait3A_438 = tpu.memref_slice %arg12[%dma_wait3A] : memref<35840xi32, #tpu.memory_space<vmem>> -> memref<304xi32, #tpu.memory_space<vmem>>
      %dma_wait3A_439 = tpu.memref_slice %arg18[%add3A_112] : memref<68096xi32, #tpu.memory_space<vmem_shared>> -> memref<304xi32, #tpu.memory_space<vmem_shared>>
      %dma_wait3A_440 = tpu.memref_slice %arg18[%add3A_112] : memref<68096xi32, #tpu.memory_space<vmem_shared>> -> memref<304xi32, #tpu.memory_space<vmem_shared>>
      %dma_wait3A_441 = arith.constant 0 : i32
      %dma_wait3A_442 = tpu.memref_slice %arg12[%dma_wait3A_441] : memref<35840xi32, #tpu.memory_space<vmem>> -> memref<304xi32, #tpu.memory_space<vmem>>
      tpu.wait_dma2 semaphore(%run_scoped3A : memref<!tpu.dma_semaphore, #tpu.memory_space<semaphore_mem>>) src(%dma_wait3A_442 : memref<304xi32, #tpu.memory_space<vmem>>) dst(%dma_wait3A_440 : memref<304xi32, #tpu.memory_space<vmem_shared>>)
      tpu.yield
    }) : () -> ()
    %mul3A_113 = arith.constant 4256 : i32
    %mul3A_114 = arith.muli %arg1, %mul3A_113 : i32
    %add3A_115 = arith.constant 304 : i32
    %add3A_116 = arith.addi %mul3A_114, %add3A_115 : i32
    "tpu.region"() ({
      %run_scoped3A = tpu.sem_alloc : memref<!tpu.dma_semaphore, #tpu.memory_space<semaphore_mem>>
      %dma_start3A = arith.constant 304 : i32
      %dma_start3A_433 = tpu.memref_slice %arg11[%dma_start3A] : memref<2128xi32, #tpu.memory_space<vmem>> -> memref<304xi32, #tpu.memory_space<vmem>>
      %dma_start3A_434 = tpu.memref_slice %arg18[%add3A_116] : memref<68096xi32, #tpu.memory_space<vmem_shared>> -> memref<304xi32, #tpu.memory_space<vmem_shared>>
      %dma_start3A_435 = tpu.memref_slice %arg18[%add3A_116] : memref<68096xi32, #tpu.memory_space<vmem_shared>> -> memref<304xi32, #tpu.memory_space<vmem_shared>>
      %dma_start3A_436 = arith.constant 304 : i32
      %dma_start3A_437 = tpu.memref_slice %arg11[%dma_start3A_436] : memref<2128xi32, #tpu.memory_space<vmem>> -> memref<304xi32, #tpu.memory_space<vmem>>
      tpu.enqueue_dma source(%dma_start3A_437 : memref<304xi32, #tpu.memory_space<vmem>>) target(%dma_start3A_435 : memref<304xi32, #tpu.memory_space<vmem_shared>>) target_semaphore(%run_scoped3A : memref<!tpu.dma_semaphore, #tpu.memory_space<semaphore_mem>>)
      %dma_wait3A = arith.constant 304 : i32
      %dma_wait3A_438 = tpu.memref_slice %arg11[%dma_wait3A] : memref<2128xi32, #tpu.memory_space<vmem>> -> memref<304xi32, #tpu.memory_space<vmem>>
      %dma_wait3A_439 = tpu.memref_slice %arg18[%add3A_116] : memref<68096xi32, #tpu.memory_space<vmem_shared>> -> memref<304xi32, #tpu.memory_space<vmem_shared>>
      %dma_wait3A_440 = tpu.memref_slice %arg18[%add3A_116] : memref<68096xi32, #tpu.memory_space<vmem_shared>> -> memref<304xi32, #tpu.memory_space<vmem_shared>>
      %dma_wait3A_441 = arith.constant 304 : i32
      %dma_wait3A_442 = tpu.memref_slice %arg11[%dma_wait3A_441] : memref<2128xi32, #tpu.memory_space<vmem>> -> memref<304xi32, #tpu.memory_space<vmem>>
      tpu.wait_dma2 semaphore(%run_scoped3A : memref<!tpu.dma_semaphore, #tpu.memory_space<semaphore_mem>>) src(%dma_wait3A_442 : memref<304xi32, #tpu.memory_space<vmem>>) dst(%dma_wait3A_440 : memref<304xi32, #tpu.memory_space<vmem_shared>>)
      tpu.yield
    }) : () -> ()
    %mul3A_117 = arith.constant 4256 : i32
    %mul3A_118 = arith.muli %arg1, %mul3A_117 : i32
    %add3A_119 = arith.constant 2432 : i32
    %add3A_120 = arith.addi %mul3A_118, %add3A_119 : i32
    "tpu.region"() ({
      %run_scoped3A = tpu.sem_alloc : memref<!tpu.dma_semaphore, #tpu.memory_space<semaphore_mem>>
      %dma_start3A = arith.constant 5120 : i32
      %dma_start3A_433 = tpu.memref_slice %arg12[%dma_start3A] : memref<35840xi32, #tpu.memory_space<vmem>> -> memref<304xi32, #tpu.memory_space<vmem>>
      %dma_start3A_434 = tpu.memref_slice %arg18[%add3A_120] : memref<68096xi32, #tpu.memory_space<vmem_shared>> -> memref<304xi32, #tpu.memory_space<vmem_shared>>
      %dma_start3A_435 = tpu.memref_slice %arg18[%add3A_120] : memref<68096xi32, #tpu.memory_space<vmem_shared>> -> memref<304xi32, #tpu.memory_space<vmem_shared>>
      %dma_start3A_436 = arith.constant 5120 : i32
      %dma_start3A_437 = tpu.memref_slice %arg12[%dma_start3A_436] : memref<35840xi32, #tpu.memory_space<vmem>> -> memref<304xi32, #tpu.memory_space<vmem>>
      tpu.enqueue_dma source(%dma_start3A_437 : memref<304xi32, #tpu.memory_space<vmem>>) target(%dma_start3A_435 : memref<304xi32, #tpu.memory_space<vmem_shared>>) target_semaphore(%run_scoped3A : memref<!tpu.dma_semaphore, #tpu.memory_space<semaphore_mem>>)
      %dma_wait3A = arith.constant 5120 : i32
      %dma_wait3A_438 = tpu.memref_slice %arg12[%dma_wait3A] : memref<35840xi32, #tpu.memory_space<vmem>> -> memref<304xi32, #tpu.memory_space<vmem>>
      %dma_wait3A_439 = tpu.memref_slice %arg18[%add3A_120] : memref<68096xi32, #tpu.memory_space<vmem_shared>> -> memref<304xi32, #tpu.memory_space<vmem_shared>>
      %dma_wait3A_440 = tpu.memref_slice %arg18[%add3A_120] : memref<68096xi32, #tpu.memory_space<vmem_shared>> -> memref<304xi32, #tpu.memory_space<vmem_shared>>
      %dma_wait3A_441 = arith.constant 5120 : i32
      %dma_wait3A_442 = tpu.memref_slice %arg12[%dma_wait3A_441] : memref<35840xi32, #tpu.memory_space<vmem>> -> memref<304xi32, #tpu.memory_space<vmem>>
      tpu.wait_dma2 semaphore(%run_scoped3A : memref<!tpu.dma_semaphore, #tpu.memory_space<semaphore_mem>>) src(%dma_wait3A_442 : memref<304xi32, #tpu.memory_space<vmem>>) dst(%dma_wait3A_440 : memref<304xi32, #tpu.memory_space<vmem_shared>>)
      tpu.yield
    }) : () -> ()
    %mul3A_121 = arith.constant 4256 : i32
    %mul3A_122 = arith.muli %arg1, %mul3A_121 : i32
    %add3A_123 = arith.constant 608 : i32
    %add3A_124 = arith.addi %mul3A_122, %add3A_123 : i32
    "tpu.region"() ({
      %run_scoped3A = tpu.sem_alloc : memref<!tpu.dma_semaphore, #tpu.memory_space<semaphore_mem>>
      %dma_start3A = arith.constant 608 : i32
      %dma_start3A_433 = tpu.memref_slice %arg11[%dma_start3A] : memref<2128xi32, #tpu.memory_space<vmem>> -> memref<304xi32, #tpu.memory_space<vmem>>
      %dma_start3A_434 = tpu.memref_slice %arg18[%add3A_124] : memref<68096xi32, #tpu.memory_space<vmem_shared>> -> memref<304xi32, #tpu.memory_space<vmem_shared>>
      %dma_start3A_435 = tpu.memref_slice %arg18[%add3A_124] : memref<68096xi32, #tpu.memory_space<vmem_shared>> -> memref<304xi32, #tpu.memory_space<vmem_shared>>
      %dma_start3A_436 = arith.constant 608 : i32
      %dma_start3A_437 = tpu.memref_slice %arg11[%dma_start3A_436] : memref<2128xi32, #tpu.memory_space<vmem>> -> memref<304xi32, #tpu.memory_space<vmem>>
      tpu.enqueue_dma source(%dma_start3A_437 : memref<304xi32, #tpu.memory_space<vmem>>) target(%dma_start3A_435 : memref<304xi32, #tpu.memory_space<vmem_shared>>) target_semaphore(%run_scoped3A : memref<!tpu.dma_semaphore, #tpu.memory_space<semaphore_mem>>)
      %dma_wait3A = arith.constant 608 : i32
      %dma_wait3A_438 = tpu.memref_slice %arg11[%dma_wait3A] : memref<2128xi32, #tpu.memory_space<vmem>> -> memref<304xi32, #tpu.memory_space<vmem>>
      %dma_wait3A_439 = tpu.memref_slice %arg18[%add3A_124] : memref<68096xi32, #tpu.memory_space<vmem_shared>> -> memref<304xi32, #tpu.memory_space<vmem_shared>>
      %dma_wait3A_440 = tpu.memref_slice %arg18[%add3A_124] : memref<68096xi32, #tpu.memory_space<vmem_shared>> -> memref<304xi32, #tpu.memory_space<vmem_shared>>
      %dma_wait3A_441 = arith.constant 608 : i32
      %dma_wait3A_442 = tpu.memref_slice %arg11[%dma_wait3A_441] : memref<2128xi32, #tpu.memory_space<vmem>> -> memref<304xi32, #tpu.memory_space<vmem>>
      tpu.wait_dma2 semaphore(%run_scoped3A : memref<!tpu.dma_semaphore, #tpu.memory_space<semaphore_mem>>) src(%dma_wait3A_442 : memref<304xi32, #tpu.memory_space<vmem>>) dst(%dma_wait3A_440 : memref<304xi32, #tpu.memory_space<vmem_shared>>)
      tpu.yield
    }) : () -> ()
    %mul3A_125 = arith.constant 4256 : i32
    %mul3A_126 = arith.muli %arg1, %mul3A_125 : i32
    %add3A_127 = arith.constant 2736 : i32
    %add3A_128 = arith.addi %mul3A_126, %add3A_127 : i32
    "tpu.region"() ({
      %run_scoped3A = tpu.sem_alloc : memref<!tpu.dma_semaphore, #tpu.memory_space<semaphore_mem>>
      %dma_start3A = arith.constant 10240 : i32
      %dma_start3A_433 = tpu.memref_slice %arg12[%dma_start3A] : memref<35840xi32, #tpu.memory_space<vmem>> -> memref<304xi32, #tpu.memory_space<vmem>>
      %dma_start3A_434 = tpu.memref_slice %arg18[%add3A_128] : memref<68096xi32, #tpu.memory_space<vmem_shared>> -> memref<304xi32, #tpu.memory_space<vmem_shared>>
      %dma_start3A_435 = tpu.memref_slice %arg18[%add3A_128] : memref<68096xi32, #tpu.memory_space<vmem_shared>> -> memref<304xi32, #tpu.memory_space<vmem_shared>>
      %dma_start3A_436 = arith.constant 10240 : i32
      %dma_start3A_437 = tpu.memref_slice %arg12[%dma_start3A_436] : memref<35840xi32, #tpu.memory_space<vmem>> -> memref<304xi32, #tpu.memory_space<vmem>>
      tpu.enqueue_dma source(%dma_start3A_437 : memref<304xi32, #tpu.memory_space<vmem>>) target(%dma_start3A_435 : memref<304xi32, #tpu.memory_space<vmem_shared>>) target_semaphore(%run_scoped3A : memref<!tpu.dma_semaphore, #tpu.memory_space<semaphore_mem>>)
      %dma_wait3A = arith.constant 10240 : i32
      %dma_wait3A_438 = tpu.memref_slice %arg12[%dma_wait3A] : memref<35840xi32, #tpu.memory_space<vmem>> -> memref<304xi32, #tpu.memory_space<vmem>>
      %dma_wait3A_439 = tpu.memref_slice %arg18[%add3A_128] : memref<68096xi32, #tpu.memory_space<vmem_shared>> -> memref<304xi32, #tpu.memory_space<vmem_shared>>
      %dma_wait3A_440 = tpu.memref_slice %arg18[%add3A_128] : memref<68096xi32, #tpu.memory_space<vmem_shared>> -> memref<304xi32, #tpu.memory_space<vmem_shared>>
      %dma_wait3A_441 = arith.constant 10240 : i32
      %dma_wait3A_442 = tpu.memref_slice %arg12[%dma_wait3A_441] : memref<35840xi32, #tpu.memory_space<vmem>> -> memref<304xi32, #tpu.memory_space<vmem>>
      tpu.wait_dma2 semaphore(%run_scoped3A : memref<!tpu.dma_semaphore, #tpu.memory_space<semaphore_mem>>) src(%dma_wait3A_442 : memref<304xi32, #tpu.memory_space<vmem>>) dst(%dma_wait3A_440 : memref<304xi32, #tpu.memory_space<vmem_shared>>)
      tpu.yield
    }) : () -> ()
    %mul3A_129 = arith.constant 4256 : i32
    %mul3A_130 = arith.muli %arg1, %mul3A_129 : i32
    %add3A_131 = arith.constant 912 : i32
    %add3A_132 = arith.addi %mul3A_130, %add3A_131 : i32
    "tpu.region"() ({
      %run_scoped3A = tpu.sem_alloc : memref<!tpu.dma_semaphore, #tpu.memory_space<semaphore_mem>>
      %dma_start3A = arith.constant 912 : i32
      %dma_start3A_433 = tpu.memref_slice %arg11[%dma_start3A] : memref<2128xi32, #tpu.memory_space<vmem>> -> memref<304xi32, #tpu.memory_space<vmem>>
      %dma_start3A_434 = tpu.memref_slice %arg18[%add3A_132] : memref<68096xi32, #tpu.memory_space<vmem_shared>> -> memref<304xi32, #tpu.memory_space<vmem_shared>>
      %dma_start3A_435 = tpu.memref_slice %arg18[%add3A_132] : memref<68096xi32, #tpu.memory_space<vmem_shared>> -> memref<304xi32, #tpu.memory_space<vmem_shared>>
      %dma_start3A_436 = arith.constant 912 : i32
      %dma_start3A_437 = tpu.memref_slice %arg11[%dma_start3A_436] : memref<2128xi32, #tpu.memory_space<vmem>> -> memref<304xi32, #tpu.memory_space<vmem>>
      tpu.enqueue_dma source(%dma_start3A_437 : memref<304xi32, #tpu.memory_space<vmem>>) target(%dma_start3A_435 : memref<304xi32, #tpu.memory_space<vmem_shared>>) target_semaphore(%run_scoped3A : memref<!tpu.dma_semaphore, #tpu.memory_space<semaphore_mem>>)
      %dma_wait3A = arith.constant 912 : i32
      %dma_wait3A_438 = tpu.memref_slice %arg11[%dma_wait3A] : memref<2128xi32, #tpu.memory_space<vmem>> -> memref<304xi32, #tpu.memory_space<vmem>>
      %dma_wait3A_439 = tpu.memref_slice %arg18[%add3A_132] : memref<68096xi32, #tpu.memory_space<vmem_shared>> -> memref<304xi32, #tpu.memory_space<vmem_shared>>
      %dma_wait3A_440 = tpu.memref_slice %arg18[%add3A_132] : memref<68096xi32, #tpu.memory_space<vmem_shared>> -> memref<304xi32, #tpu.memory_space<vmem_shared>>
      %dma_wait3A_441 = arith.constant 912 : i32
      %dma_wait3A_442 = tpu.memref_slice %arg11[%dma_wait3A_441] : memref<2128xi32, #tpu.memory_space<vmem>> -> memref<304xi32, #tpu.memory_space<vmem>>
      tpu.wait_dma2 semaphore(%run_scoped3A : memref<!tpu.dma_semaphore, #tpu.memory_space<semaphore_mem>>) src(%dma_wait3A_442 : memref<304xi32, #tpu.memory_space<vmem>>) dst(%dma_wait3A_440 : memref<304xi32, #tpu.memory_space<vmem_shared>>)
      tpu.yield
    }) : () -> ()
    %mul3A_133 = arith.constant 4256 : i32
    %mul3A_134 = arith.muli %arg1, %mul3A_133 : i32
    %add3A_135 = arith.constant 3040 : i32
    %add3A_136 = arith.addi %mul3A_134, %add3A_135 : i32
    "tpu.region"() ({
      %run_scoped3A = tpu.sem_alloc : memref<!tpu.dma_semaphore, #tpu.memory_space<semaphore_mem>>
      %dma_start3A = arith.constant 15360 : i32
      %dma_start3A_433 = tpu.memref_slice %arg12[%dma_start3A] : memref<35840xi32, #tpu.memory_space<vmem>> -> memref<304xi32, #tpu.memory_space<vmem>>
      %dma_start3A_434 = tpu.memref_slice %arg18[%add3A_136] : memref<68096xi32, #tpu.memory_space<vmem_shared>> -> memref<304xi32, #tpu.memory_space<vmem_shared>>
      %dma_start3A_435 = tpu.memref_slice %arg18[%add3A_136] : memref<68096xi32, #tpu.memory_space<vmem_shared>> -> memref<304xi32, #tpu.memory_space<vmem_shared>>
      %dma_start3A_436 = arith.constant 15360 : i32
      %dma_start3A_437 = tpu.memref_slice %arg12[%dma_start3A_436] : memref<35840xi32, #tpu.memory_space<vmem>> -> memref<304xi32, #tpu.memory_space<vmem>>
      tpu.enqueue_dma source(%dma_start3A_437 : memref<304xi32, #tpu.memory_space<vmem>>) target(%dma_start3A_435 : memref<304xi32, #tpu.memory_space<vmem_shared>>) target_semaphore(%run_scoped3A : memref<!tpu.dma_semaphore, #tpu.memory_space<semaphore_mem>>)
      %dma_wait3A = arith.constant 15360 : i32
      %dma_wait3A_438 = tpu.memref_slice %arg12[%dma_wait3A] : memref<35840xi32, #tpu.memory_space<vmem>> -> memref<304xi32, #tpu.memory_space<vmem>>
      %dma_wait3A_439 = tpu.memref_slice %arg18[%add3A_136] : memref<68096xi32, #tpu.memory_space<vmem_shared>> -> memref<304xi32, #tpu.memory_space<vmem_shared>>
      %dma_wait3A_440 = tpu.memref_slice %arg18[%add3A_136] : memref<68096xi32, #tpu.memory_space<vmem_shared>> -> memref<304xi32, #tpu.memory_space<vmem_shared>>
      %dma_wait3A_441 = arith.constant 15360 : i32
      %dma_wait3A_442 = tpu.memref_slice %arg12[%dma_wait3A_441] : memref<35840xi32, #tpu.memory_space<vmem>> -> memref<304xi32, #tpu.memory_space<vmem>>
      tpu.wait_dma2 semaphore(%run_scoped3A : memref<!tpu.dma_semaphore, #tpu.memory_space<semaphore_mem>>) src(%dma_wait3A_442 : memref<304xi32, #tpu.memory_space<vmem>>) dst(%dma_wait3A_440 : memref<304xi32, #tpu.memory_space<vmem_shared>>)
      tpu.yield
    }) : () -> ()
    %mul3A_137 = arith.constant 4256 : i32
    %mul3A_138 = arith.muli %arg1, %mul3A_137 : i32
    %add3A_139 = arith.constant 1216 : i32
    %add3A_140 = arith.addi %mul3A_138, %add3A_139 : i32
    "tpu.region"() ({
      %run_scoped3A = tpu.sem_alloc : memref<!tpu.dma_semaphore, #tpu.memory_space<semaphore_mem>>
      %dma_start3A = arith.constant 1216 : i32
      %dma_start3A_433 = tpu.memref_slice %arg11[%dma_start3A] : memref<2128xi32, #tpu.memory_space<vmem>> -> memref<304xi32, #tpu.memory_space<vmem>>
      %dma_start3A_434 = tpu.memref_slice %arg18[%add3A_140] : memref<68096xi32, #tpu.memory_space<vmem_shared>> -> memref<304xi32, #tpu.memory_space<vmem_shared>>
      %dma_start3A_435 = tpu.memref_slice %arg18[%add3A_140] : memref<68096xi32, #tpu.memory_space<vmem_shared>> -> memref<304xi32, #tpu.memory_space<vmem_shared>>
      %dma_start3A_436 = arith.constant 1216 : i32
      %dma_start3A_437 = tpu.memref_slice %arg11[%dma_start3A_436] : memref<2128xi32, #tpu.memory_space<vmem>> -> memref<304xi32, #tpu.memory_space<vmem>>
      tpu.enqueue_dma source(%dma_start3A_437 : memref<304xi32, #tpu.memory_space<vmem>>) target(%dma_start3A_435 : memref<304xi32, #tpu.memory_space<vmem_shared>>) target_semaphore(%run_scoped3A : memref<!tpu.dma_semaphore, #tpu.memory_space<semaphore_mem>>)
      %dma_wait3A = arith.constant 1216 : i32
      %dma_wait3A_438 = tpu.memref_slice %arg11[%dma_wait3A] : memref<2128xi32, #tpu.memory_space<vmem>> -> memref<304xi32, #tpu.memory_space<vmem>>
      %dma_wait3A_439 = tpu.memref_slice %arg18[%add3A_140] : memref<68096xi32, #tpu.memory_space<vmem_shared>> -> memref<304xi32, #tpu.memory_space<vmem_shared>>
      %dma_wait3A_440 = tpu.memref_slice %arg18[%add3A_140] : memref<68096xi32, #tpu.memory_space<vmem_shared>> -> memref<304xi32, #tpu.memory_space<vmem_shared>>
      %dma_wait3A_441 = arith.constant 1216 : i32
      %dma_wait3A_442 = tpu.memref_slice %arg11[%dma_wait3A_441] : memref<2128xi32, #tpu.memory_space<vmem>> -> memref<304xi32, #tpu.memory_space<vmem>>
      tpu.wait_dma2 semaphore(%run_scoped3A : memref<!tpu.dma_semaphore, #tpu.memory_space<semaphore_mem>>) src(%dma_wait3A_442 : memref<304xi32, #tpu.memory_space<vmem>>) dst(%dma_wait3A_440 : memref<304xi32, #tpu.memory_space<vmem_shared>>)
      tpu.yield
    }) : () -> ()
    %mul3A_141 = arith.constant 4256 : i32
    %mul3A_142 = arith.muli %arg1, %mul3A_141 : i32
    %add3A_143 = arith.constant 3344 : i32
    %add3A_144 = arith.addi %mul3A_142, %add3A_143 : i32
    "tpu.region"() ({
      %run_scoped3A = tpu.sem_alloc : memref<!tpu.dma_semaphore, #tpu.memory_space<semaphore_mem>>
      %dma_start3A = arith.constant 20480 : i32
      %dma_start3A_433 = tpu.memref_slice %arg12[%dma_start3A] : memref<35840xi32, #tpu.memory_space<vmem>> -> memref<304xi32, #tpu.memory_space<vmem>>
      %dma_start3A_434 = tpu.memref_slice %arg18[%add3A_144] : memref<68096xi32, #tpu.memory_space<vmem_shared>> -> memref<304xi32, #tpu.memory_space<vmem_shared>>
      %dma_start3A_435 = tpu.memref_slice %arg18[%add3A_144] : memref<68096xi32, #tpu.memory_space<vmem_shared>> -> memref<304xi32, #tpu.memory_space<vmem_shared>>
      %dma_start3A_436 = arith.constant 20480 : i32
      %dma_start3A_437 = tpu.memref_slice %arg12[%dma_start3A_436] : memref<35840xi32, #tpu.memory_space<vmem>> -> memref<304xi32, #tpu.memory_space<vmem>>
      tpu.enqueue_dma source(%dma_start3A_437 : memref<304xi32, #tpu.memory_space<vmem>>) target(%dma_start3A_435 : memref<304xi32, #tpu.memory_space<vmem_shared>>) target_semaphore(%run_scoped3A : memref<!tpu.dma_semaphore, #tpu.memory_space<semaphore_mem>>)
      %dma_wait3A = arith.constant 20480 : i32
      %dma_wait3A_438 = tpu.memref_slice %arg12[%dma_wait3A] : memref<35840xi32, #tpu.memory_space<vmem>> -> memref<304xi32, #tpu.memory_space<vmem>>
      %dma_wait3A_439 = tpu.memref_slice %arg18[%add3A_144] : memref<68096xi32, #tpu.memory_space<vmem_shared>> -> memref<304xi32, #tpu.memory_space<vmem_shared>>
      %dma_wait3A_440 = tpu.memref_slice %arg18[%add3A_144] : memref<68096xi32, #tpu.memory_space<vmem_shared>> -> memref<304xi32, #tpu.memory_space<vmem_shared>>
      %dma_wait3A_441 = arith.constant 20480 : i32
      %dma_wait3A_442 = tpu.memref_slice %arg12[%dma_wait3A_441] : memref<35840xi32, #tpu.memory_space<vmem>> -> memref<304xi32, #tpu.memory_space<vmem>>
      tpu.wait_dma2 semaphore(%run_scoped3A : memref<!tpu.dma_semaphore, #tpu.memory_space<semaphore_mem>>) src(%dma_wait3A_442 : memref<304xi32, #tpu.memory_space<vmem>>) dst(%dma_wait3A_440 : memref<304xi32, #tpu.memory_space<vmem_shared>>)
      tpu.yield
    }) : () -> ()
    %mul3A_145 = arith.constant 4256 : i32
    %mul3A_146 = arith.muli %arg1, %mul3A_145 : i32
    %add3A_147 = arith.constant 1520 : i32
    %add3A_148 = arith.addi %mul3A_146, %add3A_147 : i32
    "tpu.region"() ({
      %run_scoped3A = tpu.sem_alloc : memref<!tpu.dma_semaphore, #tpu.memory_space<semaphore_mem>>
      %dma_start3A = arith.constant 1520 : i32
      %dma_start3A_433 = tpu.memref_slice %arg11[%dma_start3A] : memref<2128xi32, #tpu.memory_space<vmem>> -> memref<304xi32, #tpu.memory_space<vmem>>
      %dma_start3A_434 = tpu.memref_slice %arg18[%add3A_148] : memref<68096xi32, #tpu.memory_space<vmem_shared>> -> memref<304xi32, #tpu.memory_space<vmem_shared>>
      %dma_start3A_435 = tpu.memref_slice %arg18[%add3A_148] : memref<68096xi32, #tpu.memory_space<vmem_shared>> -> memref<304xi32, #tpu.memory_space<vmem_shared>>
      %dma_start3A_436 = arith.constant 1520 : i32
      %dma_start3A_437 = tpu.memref_slice %arg11[%dma_start3A_436] : memref<2128xi32, #tpu.memory_space<vmem>> -> memref<304xi32, #tpu.memory_space<vmem>>
      tpu.enqueue_dma source(%dma_start3A_437 : memref<304xi32, #tpu.memory_space<vmem>>) target(%dma_start3A_435 : memref<304xi32, #tpu.memory_space<vmem_shared>>) target_semaphore(%run_scoped3A : memref<!tpu.dma_semaphore, #tpu.memory_space<semaphore_mem>>)
      %dma_wait3A = arith.constant 1520 : i32
      %dma_wait3A_438 = tpu.memref_slice %arg11[%dma_wait3A] : memref<2128xi32, #tpu.memory_space<vmem>> -> memref<304xi32, #tpu.memory_space<vmem>>
      %dma_wait3A_439 = tpu.memref_slice %arg18[%add3A_148] : memref<68096xi32, #tpu.memory_space<vmem_shared>> -> memref<304xi32, #tpu.memory_space<vmem_shared>>
      %dma_wait3A_440 = tpu.memref_slice %arg18[%add3A_148] : memref<68096xi32, #tpu.memory_space<vmem_shared>> -> memref<304xi32, #tpu.memory_space<vmem_shared>>
      %dma_wait3A_441 = arith.constant 1520 : i32
      %dma_wait3A_442 = tpu.memref_slice %arg11[%dma_wait3A_441] : memref<2128xi32, #tpu.memory_space<vmem>> -> memref<304xi32, #tpu.memory_space<vmem>>
      tpu.wait_dma2 semaphore(%run_scoped3A : memref<!tpu.dma_semaphore, #tpu.memory_space<semaphore_mem>>) src(%dma_wait3A_442 : memref<304xi32, #tpu.memory_space<vmem>>) dst(%dma_wait3A_440 : memref<304xi32, #tpu.memory_space<vmem_shared>>)
      tpu.yield
    }) : () -> ()
    %mul3A_149 = arith.constant 4256 : i32
    %mul3A_150 = arith.muli %arg1, %mul3A_149 : i32
    %add3A_151 = arith.constant 3648 : i32
    %add3A_152 = arith.addi %mul3A_150, %add3A_151 : i32
    "tpu.region"() ({
      %run_scoped3A = tpu.sem_alloc : memref<!tpu.dma_semaphore, #tpu.memory_space<semaphore_mem>>
      %dma_start3A = arith.constant 25600 : i32
      %dma_start3A_433 = tpu.memref_slice %arg12[%dma_start3A] : memref<35840xi32, #tpu.memory_space<vmem>> -> memref<304xi32, #tpu.memory_space<vmem>>
      %dma_start3A_434 = tpu.memref_slice %arg18[%add3A_152] : memref<68096xi32, #tpu.memory_space<vmem_shared>> -> memref<304xi32, #tpu.memory_space<vmem_shared>>
      %dma_start3A_435 = tpu.memref_slice %arg18[%add3A_152] : memref<68096xi32, #tpu.memory_space<vmem_shared>> -> memref<304xi32, #tpu.memory_space<vmem_shared>>
      %dma_start3A_436 = arith.constant 25600 : i32
      %dma_start3A_437 = tpu.memref_slice %arg12[%dma_start3A_436] : memref<35840xi32, #tpu.memory_space<vmem>> -> memref<304xi32, #tpu.memory_space<vmem>>
      tpu.enqueue_dma source(%dma_start3A_437 : memref<304xi32, #tpu.memory_space<vmem>>) target(%dma_start3A_435 : memref<304xi32, #tpu.memory_space<vmem_shared>>) target_semaphore(%run_scoped3A : memref<!tpu.dma_semaphore, #tpu.memory_space<semaphore_mem>>)
      %dma_wait3A = arith.constant 25600 : i32
      %dma_wait3A_438 = tpu.memref_slice %arg12[%dma_wait3A] : memref<35840xi32, #tpu.memory_space<vmem>> -> memref<304xi32, #tpu.memory_space<vmem>>
      %dma_wait3A_439 = tpu.memref_slice %arg18[%add3A_152] : memref<68096xi32, #tpu.memory_space<vmem_shared>> -> memref<304xi32, #tpu.memory_space<vmem_shared>>
      %dma_wait3A_440 = tpu.memref_slice %arg18[%add3A_152] : memref<68096xi32, #tpu.memory_space<vmem_shared>> -> memref<304xi32, #tpu.memory_space<vmem_shared>>
      %dma_wait3A_441 = arith.constant 25600 : i32
      %dma_wait3A_442 = tpu.memref_slice %arg12[%dma_wait3A_441] : memref<35840xi32, #tpu.memory_space<vmem>> -> memref<304xi32, #tpu.memory_space<vmem>>
      tpu.wait_dma2 semaphore(%run_scoped3A : memref<!tpu.dma_semaphore, #tpu.memory_space<semaphore_mem>>) src(%dma_wait3A_442 : memref<304xi32, #tpu.memory_space<vmem>>) dst(%dma_wait3A_440 : memref<304xi32, #tpu.memory_space<vmem_shared>>)
      tpu.yield
    }) : () -> ()
    %mul3A_153 = arith.constant 4256 : i32
    %mul3A_154 = arith.muli %arg1, %mul3A_153 : i32
    %add3A_155 = arith.constant 1824 : i32
    %add3A_156 = arith.addi %mul3A_154, %add3A_155 : i32
    "tpu.region"() ({
      %run_scoped3A = tpu.sem_alloc : memref<!tpu.dma_semaphore, #tpu.memory_space<semaphore_mem>>
      %dma_start3A = arith.constant 1824 : i32
      %dma_start3A_433 = tpu.memref_slice %arg11[%dma_start3A] : memref<2128xi32, #tpu.memory_space<vmem>> -> memref<304xi32, #tpu.memory_space<vmem>>
      %dma_start3A_434 = tpu.memref_slice %arg18[%add3A_156] : memref<68096xi32, #tpu.memory_space<vmem_shared>> -> memref<304xi32, #tpu.memory_space<vmem_shared>>
      %dma_start3A_435 = tpu.memref_slice %arg18[%add3A_156] : memref<68096xi32, #tpu.memory_space<vmem_shared>> -> memref<304xi32, #tpu.memory_space<vmem_shared>>
      %dma_start3A_436 = arith.constant 1824 : i32
      %dma_start3A_437 = tpu.memref_slice %arg11[%dma_start3A_436] : memref<2128xi32, #tpu.memory_space<vmem>> -> memref<304xi32, #tpu.memory_space<vmem>>
      tpu.enqueue_dma source(%dma_start3A_437 : memref<304xi32, #tpu.memory_space<vmem>>) target(%dma_start3A_435 : memref<304xi32, #tpu.memory_space<vmem_shared>>) target_semaphore(%run_scoped3A : memref<!tpu.dma_semaphore, #tpu.memory_space<semaphore_mem>>)
      %dma_wait3A = arith.constant 1824 : i32
      %dma_wait3A_438 = tpu.memref_slice %arg11[%dma_wait3A] : memref<2128xi32, #tpu.memory_space<vmem>> -> memref<304xi32, #tpu.memory_space<vmem>>
      %dma_wait3A_439 = tpu.memref_slice %arg18[%add3A_156] : memref<68096xi32, #tpu.memory_space<vmem_shared>> -> memref<304xi32, #tpu.memory_space<vmem_shared>>
      %dma_wait3A_440 = tpu.memref_slice %arg18[%add3A_156] : memref<68096xi32, #tpu.memory_space<vmem_shared>> -> memref<304xi32, #tpu.memory_space<vmem_shared>>
      %dma_wait3A_441 = arith.constant 1824 : i32
      %dma_wait3A_442 = tpu.memref_slice %arg11[%dma_wait3A_441] : memref<2128xi32, #tpu.memory_space<vmem>> -> memref<304xi32, #tpu.memory_space<vmem>>
      tpu.wait_dma2 semaphore(%run_scoped3A : memref<!tpu.dma_semaphore, #tpu.memory_space<semaphore_mem>>) src(%dma_wait3A_442 : memref<304xi32, #tpu.memory_space<vmem>>) dst(%dma_wait3A_440 : memref<304xi32, #tpu.memory_space<vmem_shared>>)
      tpu.yield
    }) : () -> ()
    %mul3A_157 = arith.constant 4256 : i32
    %mul3A_158 = arith.muli %arg1, %mul3A_157 : i32
    %add3A_159 = arith.constant 3952 : i32
    %add3A_160 = arith.addi %mul3A_158, %add3A_159 : i32
    "tpu.region"() ({
      %run_scoped3A = tpu.sem_alloc : memref<!tpu.dma_semaphore, #tpu.memory_space<semaphore_mem>>
      %dma_start3A = arith.constant 30720 : i32
      %dma_start3A_433 = tpu.memref_slice %arg12[%dma_start3A] : memref<35840xi32, #tpu.memory_space<vmem>> -> memref<304xi32, #tpu.memory_space<vmem>>
      %dma_start3A_434 = tpu.memref_slice %arg18[%add3A_160] : memref<68096xi32, #tpu.memory_space<vmem_shared>> -> memref<304xi32, #tpu.memory_space<vmem_shared>>
      %dma_start3A_435 = tpu.memref_slice %arg18[%add3A_160] : memref<68096xi32, #tpu.memory_space<vmem_shared>> -> memref<304xi32, #tpu.memory_space<vmem_shared>>
      %dma_start3A_436 = arith.constant 30720 : i32
      %dma_start3A_437 = tpu.memref_slice %arg12[%dma_start3A_436] : memref<35840xi32, #tpu.memory_space<vmem>> -> memref<304xi32, #tpu.memory_space<vmem>>
      tpu.enqueue_dma source(%dma_start3A_437 : memref<304xi32, #tpu.memory_space<vmem>>) target(%dma_start3A_435 : memref<304xi32, #tpu.memory_space<vmem_shared>>) target_semaphore(%run_scoped3A : memref<!tpu.dma_semaphore, #tpu.memory_space<semaphore_mem>>)
      %dma_wait3A = arith.constant 30720 : i32
      %dma_wait3A_438 = tpu.memref_slice %arg12[%dma_wait3A] : memref<35840xi32, #tpu.memory_space<vmem>> -> memref<304xi32, #tpu.memory_space<vmem>>
      %dma_wait3A_439 = tpu.memref_slice %arg18[%add3A_160] : memref<68096xi32, #tpu.memory_space<vmem_shared>> -> memref<304xi32, #tpu.memory_space<vmem_shared>>
      %dma_wait3A_440 = tpu.memref_slice %arg18[%add3A_160] : memref<68096xi32, #tpu.memory_space<vmem_shared>> -> memref<304xi32, #tpu.memory_space<vmem_shared>>
      %dma_wait3A_441 = arith.constant 30720 : i32
      %dma_wait3A_442 = tpu.memref_slice %arg12[%dma_wait3A_441] : memref<35840xi32, #tpu.memory_space<vmem>> -> memref<304xi32, #tpu.memory_space<vmem>>
      tpu.wait_dma2 semaphore(%run_scoped3A : memref<!tpu.dma_semaphore, #tpu.memory_space<semaphore_mem>>) src(%dma_wait3A_442 : memref<304xi32, #tpu.memory_space<vmem>>) dst(%dma_wait3A_440 : memref<304xi32, #tpu.memory_space<vmem_shared>>)
      tpu.yield
    }) : () -> ()
    %barrier3A = arith.constant 0 : index
    tpu.barrier barrier_id(%barrier3A)
    %jit3A_161 = arith.constant 4 : i32
    %div3A_162 = arith.divsi %arg1, %jit3A_161 : i32
    %sign3A_163 = arith.constant 0 : i32
    %sign3A_164 = arith.cmpi sgt, %arg1, %sign3A_163 : i32
    %sign3A_165 = arith.extui %sign3A_164 : i1 to i32
    %sign3A_166 = arith.constant 0 : i32
    %sign3A_167 = arith.cmpi slt, %arg1, %sign3A_166 : i32
    %sign3A_168 = arith.extui %sign3A_167 : i1 to i32
    %sign3A_169 = arith.subi %sign3A_165, %sign3A_168 : i32
    %sign3A_170 = arith.constant 0 : i32
    %sign3A_171 = arith.cmpi sgt, %jit3A_161, %sign3A_170 : i32
    %sign3A_172 = arith.extui %sign3A_171 : i1 to i32
    %sign3A_173 = arith.constant 0 : i32
    %sign3A_174 = arith.cmpi slt, %jit3A_161, %sign3A_173 : i32
    %sign3A_175 = arith.extui %sign3A_174 : i1 to i32
    %sign3A_176 = arith.subi %sign3A_172, %sign3A_175 : i32
    %ne3A_177 = arith.cmpi ne, %sign3A_169, %sign3A_176 : i32
    %rem3A_178 = arith.remsi %arg1, %jit3A_161 : i32
    %ne3A_179 = arith.constant 0 : i32
    %ne3A_180 = arith.cmpi ne, %rem3A_178, %ne3A_179 : i32
    %and3A_181 = arith.andi %ne3A_177, %ne3A_180 : i1
    %sub3A_182 = arith.constant 1 : i32
    %sub3A_183 = arith.subi %div3A_162, %sub3A_182 : i32
    %select_n3A_184 = arith.select %and3A_181, %sub3A_183, %div3A_162 : i32
    %mul3A_185 = arith.constant 4 : i32
    %mul3A_186 = arith.muli %select_n3A_184, %mul3A_185 : i32
    %mul3A_187 = arith.constant 16 : i32
    %mul3A_188 = arith.muli %mul3A_186, %mul3A_187 : i32
    "tpu.region"() ({
      %run_scoped3A = tpu.sem_alloc : memref<!tpu.dma_semaphore, #tpu.memory_space<semaphore_mem>>
      %dma_start3A = tpu.memref_slice %arg17[%mul3A_188] : memref<256xi32, #tpu.memory_space<vmem_shared>> -> memref<64xi32, #tpu.memory_space<vmem_shared>>
      %dma_start3A_433 = tpu.memref_slice %arg17[%mul3A_188] : memref<256xi32, #tpu.memory_space<vmem_shared>> -> memref<64xi32, #tpu.memory_space<vmem_shared>>
      tpu.enqueue_dma source(%dma_start3A_433 : memref<64xi32, #tpu.memory_space<vmem_shared>>) target(%arg14 : memref<64xi32, #tpu.memory_space<vmem>>) target_semaphore(%run_scoped3A : memref<!tpu.dma_semaphore, #tpu.memory_space<semaphore_mem>>)
      %dma_wait3A = tpu.memref_slice %arg17[%mul3A_188] : memref<256xi32, #tpu.memory_space<vmem_shared>> -> memref<64xi32, #tpu.memory_space<vmem_shared>>
      %dma_wait3A_434 = tpu.memref_slice %arg17[%mul3A_188] : memref<256xi32, #tpu.memory_space<vmem_shared>> -> memref<64xi32, #tpu.memory_space<vmem_shared>>
      tpu.wait_dma2 semaphore(%run_scoped3A : memref<!tpu.dma_semaphore, #tpu.memory_space<semaphore_mem>>) src(%dma_wait3A_434 : memref<64xi32, #tpu.memory_space<vmem_shared>>) dst(%arg14 : memref<64xi32, #tpu.memory_space<vmem>>)
      tpu.yield
    }) : () -> ()
    %get3A = arith.constant 0 : index
    %get3A_189 = tpu.vector_load %arg14[%get3A] {strides = array<i32>} : memref<64xi32, #tpu.memory_space<vmem>>, vector<16xi32>,
    %eq3A_190 = arith.constant 0 : i32
    %eq3A_191 = vector.broadcast %eq3A_190 : i32 to vector<16xi32>
    %eq3A_192 = arith.cmpi eq, %iota3A, %eq3A_191 : vector<16xi32>
    %jit3A_193 = arith.constant 0 : i32
    %broadcast_in_dim3A_194 = vector.broadcast %jit3A_193 : i32 to vector<16xi32>
    %select_n3A_195 = arith.select %eq3A_192, %get3A_189, %broadcast_in_dim3A_194 : vector<16xi1>, vector<16xi32>
    %reduce_sum3A = arith.constant true
    %reduce_sum3A_196 = vector.broadcast %reduce_sum3A : i1 to vector<16xi1>
    %reduce_sum3A_197 = tpu.scan <sum>, %select_n3A_195 masked %reduce_sum3A_196 : vector<16xi32>, vector<16xi1> -> vector<16xi32>
    %reduce_sum3A_198 = vector.extract %reduce_sum3A_197[15] : i32 from vector<16xi32>
    %eq3A_199 = arith.constant 1 : i32
    %eq3A_200 = vector.broadcast %eq3A_199 : i32 to vector<16xi32>
    %eq3A_201 = arith.cmpi eq, %iota3A, %eq3A_200 : vector<16xi32>
    %jit3A_202 = arith.constant 0 : i32
    %broadcast_in_dim3A_203 = vector.broadcast %jit3A_202 : i32 to vector<16xi32>
    %select_n3A_204 = arith.select %eq3A_201, %get3A_189, %broadcast_in_dim3A_203 : vector<16xi1>, vector<16xi32>
    %reduce_sum3A_205 = arith.constant true
    %reduce_sum3A_206 = vector.broadcast %reduce_sum3A_205 : i1 to vector<16xi1>
    %reduce_sum3A_207 = tpu.scan <sum>, %select_n3A_204 masked %reduce_sum3A_206 : vector<16xi32>, vector<16xi1> -> vector<16xi32>
    %reduce_sum3A_208 = vector.extract %reduce_sum3A_207[15] : i32 from vector<16xi32>
    %get3A_209 = arith.constant 16 : index
    %get3A_210 = tpu.vector_load %arg14[%get3A_209] {strides = array<i32>} : memref<64xi32, #tpu.memory_space<vmem>>, vector<16xi32>,
    %eq3A_211 = arith.constant 0 : i32
    %eq3A_212 = vector.broadcast %eq3A_211 : i32 to vector<16xi32>
    %eq3A_213 = arith.cmpi eq, %iota3A, %eq3A_212 : vector<16xi32>
    %jit3A_214 = arith.constant 0 : i32
    %broadcast_in_dim3A_215 = vector.broadcast %jit3A_214 : i32 to vector<16xi32>
    %select_n3A_216 = arith.select %eq3A_213, %get3A_210, %broadcast_in_dim3A_215 : vector<16xi1>, vector<16xi32>
    %reduce_sum3A_217 = arith.constant true
    %reduce_sum3A_218 = vector.broadcast %reduce_sum3A_217 : i1 to vector<16xi1>
    %reduce_sum3A_219 = tpu.scan <sum>, %select_n3A_216 masked %reduce_sum3A_218 : vector<16xi32>, vector<16xi1> -> vector<16xi32>
    %reduce_sum3A_220 = vector.extract %reduce_sum3A_219[15] : i32 from vector<16xi32>
    %eq3A_221 = arith.constant 1 : i32
    %eq3A_222 = vector.broadcast %eq3A_221 : i32 to vector<16xi32>
    %eq3A_223 = arith.cmpi eq, %iota3A, %eq3A_222 : vector<16xi32>
    %jit3A_224 = arith.constant 0 : i32
    %broadcast_in_dim3A_225 = vector.broadcast %jit3A_224 : i32 to vector<16xi32>
    %select_n3A_226 = arith.select %eq3A_223, %get3A_210, %broadcast_in_dim3A_225 : vector<16xi1>, vector<16xi32>
    %reduce_sum3A_227 = arith.constant true
    %reduce_sum3A_228 = vector.broadcast %reduce_sum3A_227 : i1 to vector<16xi1>
    %reduce_sum3A_229 = tpu.scan <sum>, %select_n3A_226 masked %reduce_sum3A_228 : vector<16xi32>, vector<16xi1> -> vector<16xi32>
    %reduce_sum3A_230 = vector.extract %reduce_sum3A_229[15] : i32 from vector<16xi32>
    %get3A_231 = arith.constant 32 : index
    %get3A_232 = tpu.vector_load %arg14[%get3A_231] {strides = array<i32>} : memref<64xi32, #tpu.memory_space<vmem>>, vector<16xi32>,
    %eq3A_233 = arith.constant 0 : i32
    %eq3A_234 = vector.broadcast %eq3A_233 : i32 to vector<16xi32>
    %eq3A_235 = arith.cmpi eq, %iota3A, %eq3A_234 : vector<16xi32>
    %jit3A_236 = arith.constant 0 : i32
    %broadcast_in_dim3A_237 = vector.broadcast %jit3A_236 : i32 to vector<16xi32>
    %select_n3A_238 = arith.select %eq3A_235, %get3A_232, %broadcast_in_dim3A_237 : vector<16xi1>, vector<16xi32>
    %reduce_sum3A_239 = arith.constant true
    %reduce_sum3A_240 = vector.broadcast %reduce_sum3A_239 : i1 to vector<16xi1>
    %reduce_sum3A_241 = tpu.scan <sum>, %select_n3A_238 masked %reduce_sum3A_240 : vector<16xi32>, vector<16xi1> -> vector<16xi32>
    %reduce_sum3A_242 = vector.extract %reduce_sum3A_241[15] : i32 from vector<16xi32>
    %eq3A_243 = arith.constant 1 : i32
    %eq3A_244 = vector.broadcast %eq3A_243 : i32 to vector<16xi32>
    %eq3A_245 = arith.cmpi eq, %iota3A, %eq3A_244 : vector<16xi32>
    %jit3A_246 = arith.constant 0 : i32
    %broadcast_in_dim3A_247 = vector.broadcast %jit3A_246 : i32 to vector<16xi32>
    %select_n3A_248 = arith.select %eq3A_245, %get3A_232, %broadcast_in_dim3A_247 : vector<16xi1>, vector<16xi32>
    %reduce_sum3A_249 = arith.constant true
    %reduce_sum3A_250 = vector.broadcast %reduce_sum3A_249 : i1 to vector<16xi1>
    %reduce_sum3A_251 = tpu.scan <sum>, %select_n3A_248 masked %reduce_sum3A_250 : vector<16xi32>, vector<16xi1> -> vector<16xi32>
    %reduce_sum3A_252 = vector.extract %reduce_sum3A_251[15] : i32 from vector<16xi32>
    %get3A_253 = arith.constant 48 : index
    %get3A_254 = tpu.vector_load %arg14[%get3A_253] {strides = array<i32>} : memref<64xi32, #tpu.memory_space<vmem>>, vector<16xi32>,
    %eq3A_255 = arith.constant 0 : i32
    %eq3A_256 = vector.broadcast %eq3A_255 : i32 to vector<16xi32>
    %eq3A_257 = arith.cmpi eq, %iota3A, %eq3A_256 : vector<16xi32>
    %jit3A_258 = arith.constant 0 : i32
    %broadcast_in_dim3A_259 = vector.broadcast %jit3A_258 : i32 to vector<16xi32>
    %select_n3A_260 = arith.select %eq3A_257, %get3A_254, %broadcast_in_dim3A_259 : vector<16xi1>, vector<16xi32>
    %reduce_sum3A_261 = arith.constant true
    %reduce_sum3A_262 = vector.broadcast %reduce_sum3A_261 : i1 to vector<16xi1>
    %reduce_sum3A_263 = tpu.scan <sum>, %select_n3A_260 masked %reduce_sum3A_262 : vector<16xi32>, vector<16xi1> -> vector<16xi32>
    %reduce_sum3A_264 = vector.extract %reduce_sum3A_263[15] : i32 from vector<16xi32>
    %eq3A_265 = arith.constant 1 : i32
    %eq3A_266 = vector.broadcast %eq3A_265 : i32 to vector<16xi32>
    %eq3A_267 = arith.cmpi eq, %iota3A, %eq3A_266 : vector<16xi32>
    %jit3A_268 = arith.constant 0 : i32
    %broadcast_in_dim3A_269 = vector.broadcast %jit3A_268 : i32 to vector<16xi32>
    %select_n3A_270 = arith.select %eq3A_267, %get3A_254, %broadcast_in_dim3A_269 : vector<16xi1>, vector<16xi32>
    %reduce_sum3A_271 = arith.constant true
    %reduce_sum3A_272 = vector.broadcast %reduce_sum3A_271 : i1 to vector<16xi1>
    %reduce_sum3A_273 = tpu.scan <sum>, %select_n3A_270 masked %reduce_sum3A_272 : vector<16xi32>, vector<16xi1> -> vector<16xi32>
    %reduce_sum3A_274 = vector.extract %reduce_sum3A_273[15] : i32 from vector<16xi32>
    %add3A_275 = arith.addi %reduce_sum3A_198, %reduce_sum3A_220 : i32
    %add3A_276 = arith.addi %add3A_275, %reduce_sum3A_242 : i32
    %add3A_277 = arith.addi %add3A_276, %reduce_sum3A_264 : i32
    %sub3A_278 = arith.constant 300 : i32
    %sub3A_279 = arith.subi %sub3A_278, %add3A_277 : i32
    %add3A_280 = arith.constant 0 : i32
    %add3A_281 = arith.addi %mul3A_186, %add3A_280 : i32
    %mul3A_282 = arith.constant 4256 : i32
    %mul3A_283 = arith.muli %add3A_281, %mul3A_282 : i32
    "tpu.region"() ({
      %run_scoped3A = tpu.sem_alloc : memref<!tpu.dma_semaphore, #tpu.memory_space<semaphore_mem>>
      %dma_start3A = tpu.memref_slice %arg18[%mul3A_283] : memref<68096xi32, #tpu.memory_space<vmem_shared>> -> memref<4256xi32, #tpu.memory_space<vmem_shared>>
      %dma_start3A_433 = tpu.memref_slice %arg18[%mul3A_283] : memref<68096xi32, #tpu.memory_space<vmem_shared>> -> memref<4256xi32, #tpu.memory_space<vmem_shared>>
      tpu.enqueue_dma source(%dma_start3A_433 : memref<4256xi32, #tpu.memory_space<vmem_shared>>) target(%arg15 : memref<4256xi32, #tpu.memory_space<vmem>>) target_semaphore(%run_scoped3A : memref<!tpu.dma_semaphore, #tpu.memory_space<semaphore_mem>>)
      %dma_wait3A = tpu.memref_slice %arg18[%mul3A_283] : memref<68096xi32, #tpu.memory_space<vmem_shared>> -> memref<4256xi32, #tpu.memory_space<vmem_shared>>
      %dma_wait3A_434 = tpu.memref_slice %arg18[%mul3A_283] : memref<68096xi32, #tpu.memory_space<vmem_shared>> -> memref<4256xi32, #tpu.memory_space<vmem_shared>>
      tpu.wait_dma2 semaphore(%run_scoped3A : memref<!tpu.dma_semaphore, #tpu.memory_space<semaphore_mem>>) src(%dma_wait3A_434 : memref<4256xi32, #tpu.memory_space<vmem_shared>>) dst(%arg15 : memref<4256xi32, #tpu.memory_space<vmem>>)
      tpu.yield
    }) : () -> ()
    %sub3A_284 = arith.constant 0 : i32
    %sub3A_285 = arith.subi %sub3A_279, %sub3A_284 : i32
    %jit3A_286 = arith.constant 0 : i32
    %max3A = arith.maxsi %jit3A_286, %sub3A_285 : i32
    %min3A_287 = arith.minsi %reduce_sum3A_208, %max3A : i32
    %add3A_288 = arith.constant 0 : i32
    %add3A_289 = arith.addi %add3A_277, %add3A_288 : i32
    %scan3A_290 = arith.constant 0 : i32
    %scan3A_291 = arith.constant 0 : i32
    %scan3A_292 = arith.constant 0 : i32
    %scan3A_293 = arith.constant 19 : i32
    %scan3A_294 = arith.addi %scan3A_292, %scan3A_293 : i32
    %scan3A_295 = arith.constant 1 : i32
    %scan3A_296 = scf.for %scan3A_433 = %scan3A_292 to %scan3A_294 step %scan3A_295 iter_args(%scan3A_434 = %scan3A_291) -> (i32)  : i32 {
      %mul3A_435 = arith.constant 16 : i32
      %mul3A_436 = arith.muli %scan3A_433, %mul3A_435 : i32
      %add3A_437 = vector.broadcast %mul3A_436 : i32 to vector<16xi32>
      %add3A_438 = arith.addi %add3A_437, %iota3A : vector<16xi32>
      %mul3A_439 = arith.constant 16 : i32
      %mul3A_440 = arith.muli %scan3A_433, %mul3A_439 : i32
      %add3A_441 = arith.constant 0 : i32
      %add3A_442 = arith.addi %add3A_441, %mul3A_440 : i32
      %get3A_443 = arith.index_cast %add3A_442 : i32 to index
      %get3A_444 = tpu.vector_load %arg15[%get3A_443] {strides = array<i32>} : memref<4256xi32, #tpu.memory_space<vmem>>, vector<16xi32>,
      %add3A_445 = arith.constant 0 : i32
      %add3A_446 = arith.addi %add3A_445, %scan3A_290 : i32
      %add3A_447 = vector.broadcast %add3A_446 : i32 to vector<16xi32>
      %add3A_448 = arith.addi %add3A_447, %add3A_438 : vector<16xi32>
      %lt3A_449 = vector.broadcast %reduce_sum3A_198 : i32 to vector<16xi32>
      %lt3A_450 = arith.cmpi slt, %add3A_438, %lt3A_449 : vector<16xi32>
      tpu.vector_store_idx %arg16[%add3A_448], %get3A_444 masked %lt3A_450 : memref<3584xi32, #tpu.memory_space<vmem>>[vector<16xi32>], vector<16xi32>, vector<16xi1>
      %mul3A_451 = arith.constant 16 : i32
      %mul3A_452 = arith.muli %scan3A_433, %mul3A_451 : i32
      %add3A_453 = arith.constant 2128 : i32
      %add3A_454 = arith.addi %add3A_453, %mul3A_452 : i32
      %get3A_455 = arith.index_cast %add3A_454 : i32 to index
      %get3A_456 = tpu.vector_load %arg15[%get3A_455] {strides = array<i32>} : memref<4256xi32, #tpu.memory_space<vmem>>, vector<16xi32>,
      %add3A_457 = arith.constant 0 : i32
      %add3A_458 = arith.addi %add3A_457, %add3A_289 : i32
      %add3A_459 = vector.broadcast %add3A_458 : i32 to vector<16xi32>
      %add3A_460 = arith.addi %add3A_459, %add3A_438 : vector<16xi32>
      %lt3A_461 = vector.broadcast %min3A_287 : i32 to vector<16xi32>
      %lt3A_462 = arith.cmpi slt, %add3A_438, %lt3A_461 : vector<16xi32>
      tpu.vector_store_idx %arg16[%add3A_460], %get3A_456 masked %lt3A_462 : memref<3584xi32, #tpu.memory_space<vmem>>[vector<16xi32>], vector<16xi32>, vector<16xi1>
      %mul3A_463 = arith.constant 16 : i32
      %mul3A_464 = arith.muli %scan3A_433, %mul3A_463 : i32
      %add3A_465 = arith.constant 304 : i32
      %add3A_466 = arith.addi %add3A_465, %mul3A_464 : i32
      %get3A_467 = arith.index_cast %add3A_466 : i32 to index
      %get3A_468 = tpu.vector_load %arg15[%get3A_467] {strides = array<i32>} : memref<4256xi32, #tpu.memory_space<vmem>>, vector<16xi32>,
      %add3A_469 = arith.constant 512 : i32
      %add3A_470 = arith.addi %add3A_469, %scan3A_290 : i32
      %add3A_471 = vector.broadcast %add3A_470 : i32 to vector<16xi32>
      %add3A_472 = arith.addi %add3A_471, %add3A_438 : vector<16xi32>
      %lt3A_473 = vector.broadcast %reduce_sum3A_198 : i32 to vector<16xi32>
      %lt3A_474 = arith.cmpi slt, %add3A_438, %lt3A_473 : vector<16xi32>
      tpu.vector_store_idx %arg16[%add3A_472], %get3A_468 masked %lt3A_474 : memref<3584xi32, #tpu.memory_space<vmem>>[vector<16xi32>], vector<16xi32>, vector<16xi1>
      %mul3A_475 = arith.constant 16 : i32
      %mul3A_476 = arith.muli %scan3A_433, %mul3A_475 : i32
      %add3A_477 = arith.constant 2432 : i32
      %add3A_478 = arith.addi %add3A_477, %mul3A_476 : i32
      %get3A_479 = arith.index_cast %add3A_478 : i32 to index
      %get3A_480 = tpu.vector_load %arg15[%get3A_479] {strides = array<i32>} : memref<4256xi32, #tpu.memory_space<vmem>>, vector<16xi32>,
      %add3A_481 = arith.constant 512 : i32
      %add3A_482 = arith.addi %add3A_481, %add3A_289 : i32
      %add3A_483 = vector.broadcast %add3A_482 : i32 to vector<16xi32>
      %add3A_484 = arith.addi %add3A_483, %add3A_438 : vector<16xi32>
      %lt3A_485 = vector.broadcast %min3A_287 : i32 to vector<16xi32>
      %lt3A_486 = arith.cmpi slt, %add3A_438, %lt3A_485 : vector<16xi32>
      tpu.vector_store_idx %arg16[%add3A_484], %get3A_480 masked %lt3A_486 : memref<3584xi32, #tpu.memory_space<vmem>>[vector<16xi32>], vector<16xi32>, vector<16xi1>
      %mul3A_487 = arith.constant 16 : i32
      %mul3A_488 = arith.muli %scan3A_433, %mul3A_487 : i32
      %add3A_489 = arith.constant 608 : i32
      %add3A_490 = arith.addi %add3A_489, %mul3A_488 : i32
      %get3A_491 = arith.index_cast %add3A_490 : i32 to index
      %get3A_492 = tpu.vector_load %arg15[%get3A_491] {strides = array<i32>} : memref<4256xi32, #tpu.memory_space<vmem>>, vector<16xi32>,
      %add3A_493 = arith.constant 1024 : i32
      %add3A_494 = arith.addi %add3A_493, %scan3A_290 : i32
      %add3A_495 = vector.broadcast %add3A_494 : i32 to vector<16xi32>
      %add3A_496 = arith.addi %add3A_495, %add3A_438 : vector<16xi32>
      %lt3A_497 = vector.broadcast %reduce_sum3A_198 : i32 to vector<16xi32>
      %lt3A_498 = arith.cmpi slt, %add3A_438, %lt3A_497 : vector<16xi32>
      tpu.vector_store_idx %arg16[%add3A_496], %get3A_492 masked %lt3A_498 : memref<3584xi32, #tpu.memory_space<vmem>>[vector<16xi32>], vector<16xi32>, vector<16xi1>
      %mul3A_499 = arith.constant 16 : i32
      %mul3A_500 = arith.muli %scan3A_433, %mul3A_499 : i32
      %add3A_501 = arith.constant 2736 : i32
      %add3A_502 = arith.addi %add3A_501, %mul3A_500 : i32
      %get3A_503 = arith.index_cast %add3A_502 : i32 to index
      %get3A_504 = tpu.vector_load %arg15[%get3A_503] {strides = array<i32>} : memref<4256xi32, #tpu.memory_space<vmem>>, vector<16xi32>,
      %add3A_505 = arith.constant 1024 : i32
      %add3A_506 = arith.addi %add3A_505, %add3A_289 : i32
      %add3A_507 = vector.broadcast %add3A_506 : i32 to vector<16xi32>
      %add3A_508 = arith.addi %add3A_507, %add3A_438 : vector<16xi32>
      %lt3A_509 = vector.broadcast %min3A_287 : i32 to vector<16xi32>
      %lt3A_510 = arith.cmpi slt, %add3A_438, %lt3A_509 : vector<16xi32>
      tpu.vector_store_idx %arg16[%add3A_508], %get3A_504 masked %lt3A_510 : memref<3584xi32, #tpu.memory_space<vmem>>[vector<16xi32>], vector<16xi32>, vector<16xi1>
      %mul3A_511 = arith.constant 16 : i32
      %mul3A_512 = arith.muli %scan3A_433, %mul3A_511 : i32
      %add3A_513 = arith.constant 912 : i32
      %add3A_514 = arith.addi %add3A_513, %mul3A_512 : i32
      %get3A_515 = arith.index_cast %add3A_514 : i32 to index
      %get3A_516 = tpu.vector_load %arg15[%get3A_515] {strides = array<i32>} : memref<4256xi32, #tpu.memory_space<vmem>>, vector<16xi32>,
      %add3A_517 = arith.constant 1536 : i32
      %add3A_518 = arith.addi %add3A_517, %scan3A_290 : i32
      %add3A_519 = vector.broadcast %add3A_518 : i32 to vector<16xi32>
      %add3A_520 = arith.addi %add3A_519, %add3A_438 : vector<16xi32>
      %lt3A_521 = vector.broadcast %reduce_sum3A_198 : i32 to vector<16xi32>
      %lt3A_522 = arith.cmpi slt, %add3A_438, %lt3A_521 : vector<16xi32>
      tpu.vector_store_idx %arg16[%add3A_520], %get3A_516 masked %lt3A_522 : memref<3584xi32, #tpu.memory_space<vmem>>[vector<16xi32>], vector<16xi32>, vector<16xi1>
      %mul3A_523 = arith.constant 16 : i32
      %mul3A_524 = arith.muli %scan3A_433, %mul3A_523 : i32
      %add3A_525 = arith.constant 3040 : i32
      %add3A_526 = arith.addi %add3A_525, %mul3A_524 : i32
      %get3A_527 = arith.index_cast %add3A_526 : i32 to index
      %get3A_528 = tpu.vector_load %arg15[%get3A_527] {strides = array<i32>} : memref<4256xi32, #tpu.memory_space<vmem>>, vector<16xi32>,
      %add3A_529 = arith.constant 1536 : i32
      %add3A_530 = arith.addi %add3A_529, %add3A_289 : i32
      %add3A_531 = vector.broadcast %add3A_530 : i32 to vector<16xi32>
      %add3A_532 = arith.addi %add3A_531, %add3A_438 : vector<16xi32>
      %lt3A_533 = vector.broadcast %min3A_287 : i32 to vector<16xi32>
      %lt3A_534 = arith.cmpi slt, %add3A_438, %lt3A_533 : vector<16xi32>
      tpu.vector_store_idx %arg16[%add3A_532], %get3A_528 masked %lt3A_534 : memref<3584xi32, #tpu.memory_space<vmem>>[vector<16xi32>], vector<16xi32>, vector<16xi1>
      %mul3A_535 = arith.constant 16 : i32
      %mul3A_536 = arith.muli %scan3A_433, %mul3A_535 : i32
      %add3A_537 = arith.constant 1216 : i32
      %add3A_538 = arith.addi %add3A_537, %mul3A_536 : i32
      %get3A_539 = arith.index_cast %add3A_538 : i32 to index
      %get3A_540 = tpu.vector_load %arg15[%get3A_539] {strides = array<i32>} : memref<4256xi32, #tpu.memory_space<vmem>>, vector<16xi32>,
      %add3A_541 = arith.constant 2048 : i32
      %add3A_542 = arith.addi %add3A_541, %scan3A_290 : i32
      %add3A_543 = vector.broadcast %add3A_542 : i32 to vector<16xi32>
      %add3A_544 = arith.addi %add3A_543, %add3A_438 : vector<16xi32>
      %lt3A_545 = vector.broadcast %reduce_sum3A_198 : i32 to vector<16xi32>
      %lt3A_546 = arith.cmpi slt, %add3A_438, %lt3A_545 : vector<16xi32>
      tpu.vector_store_idx %arg16[%add3A_544], %get3A_540 masked %lt3A_546 : memref<3584xi32, #tpu.memory_space<vmem>>[vector<16xi32>], vector<16xi32>, vector<16xi1>
      %mul3A_547 = arith.constant 16 : i32
      %mul3A_548 = arith.muli %scan3A_433, %mul3A_547 : i32
      %add3A_549 = arith.constant 3344 : i32
      %add3A_550 = arith.addi %add3A_549, %mul3A_548 : i32
      %get3A_551 = arith.index_cast %add3A_550 : i32 to index
      %get3A_552 = tpu.vector_load %arg15[%get3A_551] {strides = array<i32>} : memref<4256xi32, #tpu.memory_space<vmem>>, vector<16xi32>,
      %add3A_553 = arith.constant 2048 : i32
      %add3A_554 = arith.addi %add3A_553, %add3A_289 : i32
      %add3A_555 = vector.broadcast %add3A_554 : i32 to vector<16xi32>
      %add3A_556 = arith.addi %add3A_555, %add3A_438 : vector<16xi32>
      %lt3A_557 = vector.broadcast %min3A_287 : i32 to vector<16xi32>
      %lt3A_558 = arith.cmpi slt, %add3A_438, %lt3A_557 : vector<16xi32>
      tpu.vector_store_idx %arg16[%add3A_556], %get3A_552 masked %lt3A_558 : memref<3584xi32, #tpu.memory_space<vmem>>[vector<16xi32>], vector<16xi32>, vector<16xi1>
      %mul3A_559 = arith.constant 16 : i32
      %mul3A_560 = arith.muli %scan3A_433, %mul3A_559 : i32
      %add3A_561 = arith.constant 1520 : i32
      %add3A_562 = arith.addi %add3A_561, %mul3A_560 : i32
      %get3A_563 = arith.index_cast %add3A_562 : i32 to index
      %get3A_564 = tpu.vector_load %arg15[%get3A_563] {strides = array<i32>} : memref<4256xi32, #tpu.memory_space<vmem>>, vector<16xi32>,
      %add3A_565 = arith.constant 2560 : i32
      %add3A_566 = arith.addi %add3A_565, %scan3A_290 : i32
      %add3A_567 = vector.broadcast %add3A_566 : i32 to vector<16xi32>
      %add3A_568 = arith.addi %add3A_567, %add3A_438 : vector<16xi32>
      %lt3A_569 = vector.broadcast %reduce_sum3A_198 : i32 to vector<16xi32>
      %lt3A_570 = arith.cmpi slt, %add3A_438, %lt3A_569 : vector<16xi32>
      tpu.vector_store_idx %arg16[%add3A_568], %get3A_564 masked %lt3A_570 : memref<3584xi32, #tpu.memory_space<vmem>>[vector<16xi32>], vector<16xi32>, vector<16xi1>
      %mul3A_571 = arith.constant 16 : i32
      %mul3A_572 = arith.muli %scan3A_433, %mul3A_571 : i32
      %add3A_573 = arith.constant 3648 : i32
      %add3A_574 = arith.addi %add3A_573, %mul3A_572 : i32
      %get3A_575 = arith.index_cast %add3A_574 : i32 to index
      %get3A_576 = tpu.vector_load %arg15[%get3A_575] {strides = array<i32>} : memref<4256xi32, #tpu.memory_space<vmem>>, vector<16xi32>,
      %add3A_577 = arith.constant 2560 : i32
      %add3A_578 = arith.addi %add3A_577, %add3A_289 : i32
      %add3A_579 = vector.broadcast %add3A_578 : i32 to vector<16xi32>
      %add3A_580 = arith.addi %add3A_579, %add3A_438 : vector<16xi32>
      %lt3A_581 = vector.broadcast %min3A_287 : i32 to vector<16xi32>
      %lt3A_582 = arith.cmpi slt, %add3A_438, %lt3A_581 : vector<16xi32>
      tpu.vector_store_idx %arg16[%add3A_580], %get3A_576 masked %lt3A_582 : memref<3584xi32, #tpu.memory_space<vmem>>[vector<16xi32>], vector<16xi32>, vector<16xi1>
      %mul3A_583 = arith.constant 16 : i32
      %mul3A_584 = arith.muli %scan3A_433, %mul3A_583 : i32
      %add3A_585 = arith.constant 1824 : i32
      %add3A_586 = arith.addi %add3A_585, %mul3A_584 : i32
      %get3A_587 = arith.index_cast %add3A_586 : i32 to index
      %get3A_588 = tpu.vector_load %arg15[%get3A_587] {strides = array<i32>} : memref<4256xi32, #tpu.memory_space<vmem>>, vector<16xi32>,
      %add3A_589 = arith.constant 3072 : i32
      %add3A_590 = arith.addi %add3A_589, %scan3A_290 : i32
      %add3A_591 = vector.broadcast %add3A_590 : i32 to vector<16xi32>
      %add3A_592 = arith.addi %add3A_591, %add3A_438 : vector<16xi32>
      %lt3A_593 = vector.broadcast %reduce_sum3A_198 : i32 to vector<16xi32>
      %lt3A_594 = arith.cmpi slt, %add3A_438, %lt3A_593 : vector<16xi32>
      tpu.vector_store_idx %arg16[%add3A_592], %get3A_588 masked %lt3A_594 : memref<3584xi32, #tpu.memory_space<vmem>>[vector<16xi32>], vector<16xi32>, vector<16xi1>
      %mul3A_595 = arith.constant 16 : i32
      %mul3A_596 = arith.muli %scan3A_433, %mul3A_595 : i32
      %add3A_597 = arith.constant 3952 : i32
      %add3A_598 = arith.addi %add3A_597, %mul3A_596 : i32
      %get3A_599 = arith.index_cast %add3A_598 : i32 to index
      %get3A_600 = tpu.vector_load %arg15[%get3A_599] {strides = array<i32>} : memref<4256xi32, #tpu.memory_space<vmem>>, vector<16xi32>,
      %add3A_601 = arith.constant 3072 : i32
      %add3A_602 = arith.addi %add3A_601, %add3A_289 : i32
      %add3A_603 = vector.broadcast %add3A_602 : i32 to vector<16xi32>
      %add3A_604 = arith.addi %add3A_603, %add3A_438 : vector<16xi32>
      %lt3A_605 = vector.broadcast %min3A_287 : i32 to vector<16xi32>
      %lt3A_606 = arith.cmpi slt, %add3A_438, %lt3A_605 : vector<16xi32>
      tpu.vector_store_idx %arg16[%add3A_604], %get3A_600 masked %lt3A_606 : memref<3584xi32, #tpu.memory_space<vmem>>[vector<16xi32>], vector<16xi32>, vector<16xi1>
      %scan3A_607 = arith.constant 0 : i32
      scf.yield %scan3A_607 : i32
    }
    %scan3A_297 = arith.constant 19 : i32
    %add3A_298 = arith.constant 0 : i32
    %add3A_299 = arith.addi %add3A_298, %reduce_sum3A_198 : i32
    %add3A_300 = arith.constant 0 : i32
    %add3A_301 = arith.addi %add3A_300, %reduce_sum3A_208 : i32
    %add3A_302 = arith.constant 1 : i32
    %add3A_303 = arith.addi %mul3A_186, %add3A_302 : i32
    %mul3A_304 = arith.constant 4256 : i32
    %mul3A_305 = arith.muli %add3A_303, %mul3A_304 : i32
    "tpu.region"() ({
      %run_scoped3A = tpu.sem_alloc : memref<!tpu.dma_semaphore, #tpu.memory_space<semaphore_mem>>
      %dma_start3A = tpu.memref_slice %arg18[%mul3A_305] : memref<68096xi32, #tpu.memory_space<vmem_shared>> -> memref<4256xi32, #tpu.memory_space<vmem_shared>>
      %dma_start3A_433 = tpu.memref_slice %arg18[%mul3A_305] : memref<68096xi32, #tpu.memory_space<vmem_shared>> -> memref<4256xi32, #tpu.memory_space<vmem_shared>>
      tpu.enqueue_dma source(%dma_start3A_433 : memref<4256xi32, #tpu.memory_space<vmem_shared>>) target(%arg15 : memref<4256xi32, #tpu.memory_space<vmem>>) target_semaphore(%run_scoped3A : memref<!tpu.dma_semaphore, #tpu.memory_space<semaphore_mem>>)
      %dma_wait3A = tpu.memref_slice %arg18[%mul3A_305] : memref<68096xi32, #tpu.memory_space<vmem_shared>> -> memref<4256xi32, #tpu.memory_space<vmem_shared>>
      %dma_wait3A_434 = tpu.memref_slice %arg18[%mul3A_305] : memref<68096xi32, #tpu.memory_space<vmem_shared>> -> memref<4256xi32, #tpu.memory_space<vmem_shared>>
      tpu.wait_dma2 semaphore(%run_scoped3A : memref<!tpu.dma_semaphore, #tpu.memory_space<semaphore_mem>>) src(%dma_wait3A_434 : memref<4256xi32, #tpu.memory_space<vmem_shared>>) dst(%arg15 : memref<4256xi32, #tpu.memory_space<vmem>>)
      tpu.yield
    }) : () -> ()
    %sub3A_306 = arith.subi %sub3A_279, %add3A_301 : i32
    %jit3A_307 = arith.constant 0 : i32
    %max3A_308 = arith.maxsi %jit3A_307, %sub3A_306 : i32
    %min3A_309 = arith.minsi %reduce_sum3A_230, %max3A_308 : i32
    %add3A_310 = arith.addi %add3A_277, %add3A_301 : i32
    %scan3A_311 = arith.constant 0 : i32
    %scan3A_312 = arith.constant 0 : i32
    %scan3A_313 = arith.constant 19 : i32
    %scan3A_314 = arith.addi %scan3A_312, %scan3A_313 : i32
    %scan3A_315 = arith.constant 1 : i32
    %scan3A_316 = scf.for %scan3A_433 = %scan3A_312 to %scan3A_314 step %scan3A_315 iter_args(%scan3A_434 = %scan3A_311) -> (i32)  : i32 {
      %mul3A_435 = arith.constant 16 : i32
      %mul3A_436 = arith.muli %scan3A_433, %mul3A_435 : i32
      %add3A_437 = vector.broadcast %mul3A_436 : i32 to vector<16xi32>
      %add3A_438 = arith.addi %add3A_437, %iota3A : vector<16xi32>
      %mul3A_439 = arith.constant 16 : i32
      %mul3A_440 = arith.muli %scan3A_433, %mul3A_439 : i32
      %add3A_441 = arith.constant 0 : i32
      %add3A_442 = arith.addi %add3A_441, %mul3A_440 : i32
      %get3A_443 = arith.index_cast %add3A_442 : i32 to index
      %get3A_444 = tpu.vector_load %arg15[%get3A_443] {strides = array<i32>} : memref<4256xi32, #tpu.memory_space<vmem>>, vector<16xi32>,
      %add3A_445 = arith.constant 0 : i32
      %add3A_446 = arith.addi %add3A_445, %add3A_299 : i32
      %add3A_447 = vector.broadcast %add3A_446 : i32 to vector<16xi32>
      %add3A_448 = arith.addi %add3A_447, %add3A_438 : vector<16xi32>
      %lt3A_449 = vector.broadcast %reduce_sum3A_220 : i32 to vector<16xi32>
      %lt3A_450 = arith.cmpi slt, %add3A_438, %lt3A_449 : vector<16xi32>
      tpu.vector_store_idx %arg16[%add3A_448], %get3A_444 masked %lt3A_450 : memref<3584xi32, #tpu.memory_space<vmem>>[vector<16xi32>], vector<16xi32>, vector<16xi1>
      %mul3A_451 = arith.constant 16 : i32
      %mul3A_452 = arith.muli %scan3A_433, %mul3A_451 : i32
      %add3A_453 = arith.constant 2128 : i32
      %add3A_454 = arith.addi %add3A_453, %mul3A_452 : i32
      %get3A_455 = arith.index_cast %add3A_454 : i32 to index
      %get3A_456 = tpu.vector_load %arg15[%get3A_455] {strides = array<i32>} : memref<4256xi32, #tpu.memory_space<vmem>>, vector<16xi32>,
      %add3A_457 = arith.constant 0 : i32
      %add3A_458 = arith.addi %add3A_457, %add3A_310 : i32
      %add3A_459 = vector.broadcast %add3A_458 : i32 to vector<16xi32>
      %add3A_460 = arith.addi %add3A_459, %add3A_438 : vector<16xi32>
      %lt3A_461 = vector.broadcast %min3A_309 : i32 to vector<16xi32>
      %lt3A_462 = arith.cmpi slt, %add3A_438, %lt3A_461 : vector<16xi32>
      tpu.vector_store_idx %arg16[%add3A_460], %get3A_456 masked %lt3A_462 : memref<3584xi32, #tpu.memory_space<vmem>>[vector<16xi32>], vector<16xi32>, vector<16xi1>
      %mul3A_463 = arith.constant 16 : i32
      %mul3A_464 = arith.muli %scan3A_433, %mul3A_463 : i32
      %add3A_465 = arith.constant 304 : i32
      %add3A_466 = arith.addi %add3A_465, %mul3A_464 : i32
      %get3A_467 = arith.index_cast %add3A_466 : i32 to index
      %get3A_468 = tpu.vector_load %arg15[%get3A_467] {strides = array<i32>} : memref<4256xi32, #tpu.memory_space<vmem>>, vector<16xi32>,
      %add3A_469 = arith.constant 512 : i32
      %add3A_470 = arith.addi %add3A_469, %add3A_299 : i32
      %add3A_471 = vector.broadcast %add3A_470 : i32 to vector<16xi32>
      %add3A_472 = arith.addi %add3A_471, %add3A_438 : vector<16xi32>
      %lt3A_473 = vector.broadcast %reduce_sum3A_220 : i32 to vector<16xi32>
      %lt3A_474 = arith.cmpi slt, %add3A_438, %lt3A_473 : vector<16xi32>
      tpu.vector_store_idx %arg16[%add3A_472], %get3A_468 masked %lt3A_474 : memref<3584xi32, #tpu.memory_space<vmem>>[vector<16xi32>], vector<16xi32>, vector<16xi1>
      %mul3A_475 = arith.constant 16 : i32
      %mul3A_476 = arith.muli %scan3A_433, %mul3A_475 : i32
      %add3A_477 = arith.constant 2432 : i32
      %add3A_478 = arith.addi %add3A_477, %mul3A_476 : i32
      %get3A_479 = arith.index_cast %add3A_478 : i32 to index
      %get3A_480 = tpu.vector_load %arg15[%get3A_479] {strides = array<i32>} : memref<4256xi32, #tpu.memory_space<vmem>>, vector<16xi32>,
      %add3A_481 = arith.constant 512 : i32
      %add3A_482 = arith.addi %add3A_481, %add3A_310 : i32
      %add3A_483 = vector.broadcast %add3A_482 : i32 to vector<16xi32>
      %add3A_484 = arith.addi %add3A_483, %add3A_438 : vector<16xi32>
      %lt3A_485 = vector.broadcast %min3A_309 : i32 to vector<16xi32>
      %lt3A_486 = arith.cmpi slt, %add3A_438, %lt3A_485 : vector<16xi32>
      tpu.vector_store_idx %arg16[%add3A_484], %get3A_480 masked %lt3A_486 : memref<3584xi32, #tpu.memory_space<vmem>>[vector<16xi32>], vector<16xi32>, vector<16xi1>
      %mul3A_487 = arith.constant 16 : i32
      %mul3A_488 = arith.muli %scan3A_433, %mul3A_487 : i32
      %add3A_489 = arith.constant 608 : i32
      %add3A_490 = arith.addi %add3A_489, %mul3A_488 : i32
      %get3A_491 = arith.index_cast %add3A_490 : i32 to index
      %get3A_492 = tpu.vector_load %arg15[%get3A_491] {strides = array<i32>} : memref<4256xi32, #tpu.memory_space<vmem>>, vector<16xi32>,
      %add3A_493 = arith.constant 1024 : i32
      %add3A_494 = arith.addi %add3A_493, %add3A_299 : i32
      %add3A_495 = vector.broadcast %add3A_494 : i32 to vector<16xi32>
      %add3A_496 = arith.addi %add3A_495, %add3A_438 : vector<16xi32>
      %lt3A_497 = vector.broadcast %reduce_sum3A_220 : i32 to vector<16xi32>
      %lt3A_498 = arith.cmpi slt, %add3A_438, %lt3A_497 : vector<16xi32>
      tpu.vector_store_idx %arg16[%add3A_496], %get3A_492 masked %lt3A_498 : memref<3584xi32, #tpu.memory_space<vmem>>[vector<16xi32>], vector<16xi32>, vector<16xi1>
      %mul3A_499 = arith.constant 16 : i32
      %mul3A_500 = arith.muli %scan3A_433, %mul3A_499 : i32
      %add3A_501 = arith.constant 2736 : i32
      %add3A_502 = arith.addi %add3A_501, %mul3A_500 : i32
      %get3A_503 = arith.index_cast %add3A_502 : i32 to index
      %get3A_504 = tpu.vector_load %arg15[%get3A_503] {strides = array<i32>} : memref<4256xi32, #tpu.memory_space<vmem>>, vector<16xi32>,
      %add3A_505 = arith.constant 1024 : i32
      %add3A_506 = arith.addi %add3A_505, %add3A_310 : i32
      %add3A_507 = vector.broadcast %add3A_506 : i32 to vector<16xi32>
      %add3A_508 = arith.addi %add3A_507, %add3A_438 : vector<16xi32>
      %lt3A_509 = vector.broadcast %min3A_309 : i32 to vector<16xi32>
      %lt3A_510 = arith.cmpi slt, %add3A_438, %lt3A_509 : vector<16xi32>
      tpu.vector_store_idx %arg16[%add3A_508], %get3A_504 masked %lt3A_510 : memref<3584xi32, #tpu.memory_space<vmem>>[vector<16xi32>], vector<16xi32>, vector<16xi1>
      %mul3A_511 = arith.constant 16 : i32
      %mul3A_512 = arith.muli %scan3A_433, %mul3A_511 : i32
      %add3A_513 = arith.constant 912 : i32
      %add3A_514 = arith.addi %add3A_513, %mul3A_512 : i32
      %get3A_515 = arith.index_cast %add3A_514 : i32 to index
      %get3A_516 = tpu.vector_load %arg15[%get3A_515] {strides = array<i32>} : memref<4256xi32, #tpu.memory_space<vmem>>, vector<16xi32>,
      %add3A_517 = arith.constant 1536 : i32
      %add3A_518 = arith.addi %add3A_517, %add3A_299 : i32
      %add3A_519 = vector.broadcast %add3A_518 : i32 to vector<16xi32>
      %add3A_520 = arith.addi %add3A_519, %add3A_438 : vector<16xi32>
      %lt3A_521 = vector.broadcast %reduce_sum3A_220 : i32 to vector<16xi32>
      %lt3A_522 = arith.cmpi slt, %add3A_438, %lt3A_521 : vector<16xi32>
      tpu.vector_store_idx %arg16[%add3A_520], %get3A_516 masked %lt3A_522 : memref<3584xi32, #tpu.memory_space<vmem>>[vector<16xi32>], vector<16xi32>, vector<16xi1>
      %mul3A_523 = arith.constant 16 : i32
      %mul3A_524 = arith.muli %scan3A_433, %mul3A_523 : i32
      %add3A_525 = arith.constant 3040 : i32
      %add3A_526 = arith.addi %add3A_525, %mul3A_524 : i32
      %get3A_527 = arith.index_cast %add3A_526 : i32 to index
      %get3A_528 = tpu.vector_load %arg15[%get3A_527] {strides = array<i32>} : memref<4256xi32, #tpu.memory_space<vmem>>, vector<16xi32>,
      %add3A_529 = arith.constant 1536 : i32
      %add3A_530 = arith.addi %add3A_529, %add3A_310 : i32
      %add3A_531 = vector.broadcast %add3A_530 : i32 to vector<16xi32>
      %add3A_532 = arith.addi %add3A_531, %add3A_438 : vector<16xi32>
      %lt3A_533 = vector.broadcast %min3A_309 : i32 to vector<16xi32>
      %lt3A_534 = arith.cmpi slt, %add3A_438, %lt3A_533 : vector<16xi32>
      tpu.vector_store_idx %arg16[%add3A_532], %get3A_528 masked %lt3A_534 : memref<3584xi32, #tpu.memory_space<vmem>>[vector<16xi32>], vector<16xi32>, vector<16xi1>
      %mul3A_535 = arith.constant 16 : i32
      %mul3A_536 = arith.muli %scan3A_433, %mul3A_535 : i32
      %add3A_537 = arith.constant 1216 : i32
      %add3A_538 = arith.addi %add3A_537, %mul3A_536 : i32
      %get3A_539 = arith.index_cast %add3A_538 : i32 to index
      %get3A_540 = tpu.vector_load %arg15[%get3A_539] {strides = array<i32>} : memref<4256xi32, #tpu.memory_space<vmem>>, vector<16xi32>,
      %add3A_541 = arith.constant 2048 : i32
      %add3A_542 = arith.addi %add3A_541, %add3A_299 : i32
      %add3A_543 = vector.broadcast %add3A_542 : i32 to vector<16xi32>
      %add3A_544 = arith.addi %add3A_543, %add3A_438 : vector<16xi32>
      %lt3A_545 = vector.broadcast %reduce_sum3A_220 : i32 to vector<16xi32>
      %lt3A_546 = arith.cmpi slt, %add3A_438, %lt3A_545 : vector<16xi32>
      tpu.vector_store_idx %arg16[%add3A_544], %get3A_540 masked %lt3A_546 : memref<3584xi32, #tpu.memory_space<vmem>>[vector<16xi32>], vector<16xi32>, vector<16xi1>
      %mul3A_547 = arith.constant 16 : i32
      %mul3A_548 = arith.muli %scan3A_433, %mul3A_547 : i32
      %add3A_549 = arith.constant 3344 : i32
      %add3A_550 = arith.addi %add3A_549, %mul3A_548 : i32
      %get3A_551 = arith.index_cast %add3A_550 : i32 to index
      %get3A_552 = tpu.vector_load %arg15[%get3A_551] {strides = array<i32>} : memref<4256xi32, #tpu.memory_space<vmem>>, vector<16xi32>,
      %add3A_553 = arith.constant 2048 : i32
      %add3A_554 = arith.addi %add3A_553, %add3A_310 : i32
      %add3A_555 = vector.broadcast %add3A_554 : i32 to vector<16xi32>
      %add3A_556 = arith.addi %add3A_555, %add3A_438 : vector<16xi32>
      %lt3A_557 = vector.broadcast %min3A_309 : i32 to vector<16xi32>
      %lt3A_558 = arith.cmpi slt, %add3A_438, %lt3A_557 : vector<16xi32>
      tpu.vector_store_idx %arg16[%add3A_556], %get3A_552 masked %lt3A_558 : memref<3584xi32, #tpu.memory_space<vmem>>[vector<16xi32>], vector<16xi32>, vector<16xi1>
      %mul3A_559 = arith.constant 16 : i32
      %mul3A_560 = arith.muli %scan3A_433, %mul3A_559 : i32
      %add3A_561 = arith.constant 1520 : i32
      %add3A_562 = arith.addi %add3A_561, %mul3A_560 : i32
      %get3A_563 = arith.index_cast %add3A_562 : i32 to index
      %get3A_564 = tpu.vector_load %arg15[%get3A_563] {strides = array<i32>} : memref<4256xi32, #tpu.memory_space<vmem>>, vector<16xi32>,
      %add3A_565 = arith.constant 2560 : i32
      %add3A_566 = arith.addi %add3A_565, %add3A_299 : i32
      %add3A_567 = vector.broadcast %add3A_566 : i32 to vector<16xi32>
      %add3A_568 = arith.addi %add3A_567, %add3A_438 : vector<16xi32>
      %lt3A_569 = vector.broadcast %reduce_sum3A_220 : i32 to vector<16xi32>
      %lt3A_570 = arith.cmpi slt, %add3A_438, %lt3A_569 : vector<16xi32>
      tpu.vector_store_idx %arg16[%add3A_568], %get3A_564 masked %lt3A_570 : memref<3584xi32, #tpu.memory_space<vmem>>[vector<16xi32>], vector<16xi32>, vector<16xi1>
      %mul3A_571 = arith.constant 16 : i32
      %mul3A_572 = arith.muli %scan3A_433, %mul3A_571 : i32
      %add3A_573 = arith.constant 3648 : i32
      %add3A_574 = arith.addi %add3A_573, %mul3A_572 : i32
      %get3A_575 = arith.index_cast %add3A_574 : i32 to index
      %get3A_576 = tpu.vector_load %arg15[%get3A_575] {strides = array<i32>} : memref<4256xi32, #tpu.memory_space<vmem>>, vector<16xi32>,
      %add3A_577 = arith.constant 2560 : i32
      %add3A_578 = arith.addi %add3A_577, %add3A_310 : i32
      %add3A_579 = vector.broadcast %add3A_578 : i32 to vector<16xi32>
      %add3A_580 = arith.addi %add3A_579, %add3A_438 : vector<16xi32>
      %lt3A_581 = vector.broadcast %min3A_309 : i32 to vector<16xi32>
      %lt3A_582 = arith.cmpi slt, %add3A_438, %lt3A_581 : vector<16xi32>
      tpu.vector_store_idx %arg16[%add3A_580], %get3A_576 masked %lt3A_582 : memref<3584xi32, #tpu.memory_space<vmem>>[vector<16xi32>], vector<16xi32>, vector<16xi1>
      %mul3A_583 = arith.constant 16 : i32
      %mul3A_584 = arith.muli %scan3A_433, %mul3A_583 : i32
      %add3A_585 = arith.constant 1824 : i32
      %add3A_586 = arith.addi %add3A_585, %mul3A_584 : i32
      %get3A_587 = arith.index_cast %add3A_586 : i32 to index
      %get3A_588 = tpu.vector_load %arg15[%get3A_587] {strides = array<i32>} : memref<4256xi32, #tpu.memory_space<vmem>>, vector<16xi32>,
      %add3A_589 = arith.constant 3072 : i32
      %add3A_590 = arith.addi %add3A_589, %add3A_299 : i32
      %add3A_591 = vector.broadcast %add3A_590 : i32 to vector<16xi32>
      %add3A_592 = arith.addi %add3A_591, %add3A_438 : vector<16xi32>
      %lt3A_593 = vector.broadcast %reduce_sum3A_220 : i32 to vector<16xi32>
      %lt3A_594 = arith.cmpi slt, %add3A_438, %lt3A_593 : vector<16xi32>
      tpu.vector_store_idx %arg16[%add3A_592], %get3A_588 masked %lt3A_594 : memref<3584xi32, #tpu.memory_space<vmem>>[vector<16xi32>], vector<16xi32>, vector<16xi1>
      %mul3A_595 = arith.constant 16 : i32
      %mul3A_596 = arith.muli %scan3A_433, %mul3A_595 : i32
      %add3A_597 = arith.constant 3952 : i32
      %add3A_598 = arith.addi %add3A_597, %mul3A_596 : i32
      %get3A_599 = arith.index_cast %add3A_598 : i32 to index
      %get3A_600 = tpu.vector_load %arg15[%get3A_599] {strides = array<i32>} : memref<4256xi32, #tpu.memory_space<vmem>>, vector<16xi32>,
      %add3A_601 = arith.constant 3072 : i32
      %add3A_602 = arith.addi %add3A_601, %add3A_310 : i32
      %add3A_603 = vector.broadcast %add3A_602 : i32 to vector<16xi32>
      %add3A_604 = arith.addi %add3A_603, %add3A_438 : vector<16xi32>
      %lt3A_605 = vector.broadcast %min3A_309 : i32 to vector<16xi32>
      %lt3A_606 = arith.cmpi slt, %add3A_438, %lt3A_605 : vector<16xi32>
      tpu.vector_store_idx %arg16[%add3A_604], %get3A_600 masked %lt3A_606 : memref<3584xi32, #tpu.memory_space<vmem>>[vector<16xi32>], vector<16xi32>, vector<16xi1>
      %scan3A_607 = arith.constant 0 : i32
      scf.yield %scan3A_607 : i32
    }
    %scan3A_317 = arith.constant 19 : i32
    %add3A_318 = arith.addi %add3A_299, %reduce_sum3A_220 : i32
    %add3A_319 = arith.addi %add3A_301, %reduce_sum3A_230 : i32
    %add3A_320 = arith.constant 2 : i32
    %add3A_321 = arith.addi %mul3A_186, %add3A_320 : i32
    %mul3A_322 = arith.constant 4256 : i32
    %mul3A_323 = arith.muli %add3A_321, %mul3A_322 : i32
    "tpu.region"() ({
      %run_scoped3A = tpu.sem_alloc : memref<!tpu.dma_semaphore, #tpu.memory_space<semaphore_mem>>
      %dma_start3A = tpu.memref_slice %arg18[%mul3A_323] : memref<68096xi32, #tpu.memory_space<vmem_shared>> -> memref<4256xi32, #tpu.memory_space<vmem_shared>>
      %dma_start3A_433 = tpu.memref_slice %arg18[%mul3A_323] : memref<68096xi32, #tpu.memory_space<vmem_shared>> -> memref<4256xi32, #tpu.memory_space<vmem_shared>>
      tpu.enqueue_dma source(%dma_start3A_433 : memref<4256xi32, #tpu.memory_space<vmem_shared>>) target(%arg15 : memref<4256xi32, #tpu.memory_space<vmem>>) target_semaphore(%run_scoped3A : memref<!tpu.dma_semaphore, #tpu.memory_space<semaphore_mem>>)
      %dma_wait3A = tpu.memref_slice %arg18[%mul3A_323] : memref<68096xi32, #tpu.memory_space<vmem_shared>> -> memref<4256xi32, #tpu.memory_space<vmem_shared>>
      %dma_wait3A_434 = tpu.memref_slice %arg18[%mul3A_323] : memref<68096xi32, #tpu.memory_space<vmem_shared>> -> memref<4256xi32, #tpu.memory_space<vmem_shared>>
      tpu.wait_dma2 semaphore(%run_scoped3A : memref<!tpu.dma_semaphore, #tpu.memory_space<semaphore_mem>>) src(%dma_wait3A_434 : memref<4256xi32, #tpu.memory_space<vmem_shared>>) dst(%arg15 : memref<4256xi32, #tpu.memory_space<vmem>>)
      tpu.yield
    }) : () -> ()
    %sub3A_324 = arith.subi %sub3A_279, %add3A_319 : i32
    %jit3A_325 = arith.constant 0 : i32
    %max3A_326 = arith.maxsi %jit3A_325, %sub3A_324 : i32
    %min3A_327 = arith.minsi %reduce_sum3A_252, %max3A_326 : i32
    %add3A_328 = arith.addi %add3A_277, %add3A_319 : i32
    %scan3A_329 = arith.constant 0 : i32
    %scan3A_330 = arith.constant 0 : i32
    %scan3A_331 = arith.constant 19 : i32
    %scan3A_332 = arith.addi %scan3A_330, %scan3A_331 : i32
    %scan3A_333 = arith.constant 1 : i32
    %scan3A_334 = scf.for %scan3A_433 = %scan3A_330 to %scan3A_332 step %scan3A_333 iter_args(%scan3A_434 = %scan3A_329) -> (i32)  : i32 {
      %mul3A_435 = arith.constant 16 : i32
      %mul3A_436 = arith.muli %scan3A_433, %mul3A_435 : i32
      %add3A_437 = vector.broadcast %mul3A_436 : i32 to vector<16xi32>
      %add3A_438 = arith.addi %add3A_437, %iota3A : vector<16xi32>
      %mul3A_439 = arith.constant 16 : i32
      %mul3A_440 = arith.muli %scan3A_433, %mul3A_439 : i32
      %add3A_441 = arith.constant 0 : i32
      %add3A_442 = arith.addi %add3A_441, %mul3A_440 : i32
      %get3A_443 = arith.index_cast %add3A_442 : i32 to index
      %get3A_444 = tpu.vector_load %arg15[%get3A_443] {strides = array<i32>} : memref<4256xi32, #tpu.memory_space<vmem>>, vector<16xi32>,
      %add3A_445 = arith.constant 0 : i32
      %add3A_446 = arith.addi %add3A_445, %add3A_318 : i32
      %add3A_447 = vector.broadcast %add3A_446 : i32 to vector<16xi32>
      %add3A_448 = arith.addi %add3A_447, %add3A_438 : vector<16xi32>
      %lt3A_449 = vector.broadcast %reduce_sum3A_242 : i32 to vector<16xi32>
      %lt3A_450 = arith.cmpi slt, %add3A_438, %lt3A_449 : vector<16xi32>
      tpu.vector_store_idx %arg16[%add3A_448], %get3A_444 masked %lt3A_450 : memref<3584xi32, #tpu.memory_space<vmem>>[vector<16xi32>], vector<16xi32>, vector<16xi1>
      %mul3A_451 = arith.constant 16 : i32
      %mul3A_452 = arith.muli %scan3A_433, %mul3A_451 : i32
      %add3A_453 = arith.constant 2128 : i32
      %add3A_454 = arith.addi %add3A_453, %mul3A_452 : i32
      %get3A_455 = arith.index_cast %add3A_454 : i32 to index
      %get3A_456 = tpu.vector_load %arg15[%get3A_455] {strides = array<i32>} : memref<4256xi32, #tpu.memory_space<vmem>>, vector<16xi32>,
      %add3A_457 = arith.constant 0 : i32
      %add3A_458 = arith.addi %add3A_457, %add3A_328 : i32
      %add3A_459 = vector.broadcast %add3A_458 : i32 to vector<16xi32>
      %add3A_460 = arith.addi %add3A_459, %add3A_438 : vector<16xi32>
      %lt3A_461 = vector.broadcast %min3A_327 : i32 to vector<16xi32>
      %lt3A_462 = arith.cmpi slt, %add3A_438, %lt3A_461 : vector<16xi32>
      tpu.vector_store_idx %arg16[%add3A_460], %get3A_456 masked %lt3A_462 : memref<3584xi32, #tpu.memory_space<vmem>>[vector<16xi32>], vector<16xi32>, vector<16xi1>
      %mul3A_463 = arith.constant 16 : i32
      %mul3A_464 = arith.muli %scan3A_433, %mul3A_463 : i32
      %add3A_465 = arith.constant 304 : i32
      %add3A_466 = arith.addi %add3A_465, %mul3A_464 : i32
      %get3A_467 = arith.index_cast %add3A_466 : i32 to index
      %get3A_468 = tpu.vector_load %arg15[%get3A_467] {strides = array<i32>} : memref<4256xi32, #tpu.memory_space<vmem>>, vector<16xi32>,
      %add3A_469 = arith.constant 512 : i32
      %add3A_470 = arith.addi %add3A_469, %add3A_318 : i32
      %add3A_471 = vector.broadcast %add3A_470 : i32 to vector<16xi32>
      %add3A_472 = arith.addi %add3A_471, %add3A_438 : vector<16xi32>
      %lt3A_473 = vector.broadcast %reduce_sum3A_242 : i32 to vector<16xi32>
      %lt3A_474 = arith.cmpi slt, %add3A_438, %lt3A_473 : vector<16xi32>
      tpu.vector_store_idx %arg16[%add3A_472], %get3A_468 masked %lt3A_474 : memref<3584xi32, #tpu.memory_space<vmem>>[vector<16xi32>], vector<16xi32>, vector<16xi1>
      %mul3A_475 = arith.constant 16 : i32
      %mul3A_476 = arith.muli %scan3A_433, %mul3A_475 : i32
      %add3A_477 = arith.constant 2432 : i32
      %add3A_478 = arith.addi %add3A_477, %mul3A_476 : i32
      %get3A_479 = arith.index_cast %add3A_478 : i32 to index
      %get3A_480 = tpu.vector_load %arg15[%get3A_479] {strides = array<i32>} : memref<4256xi32, #tpu.memory_space<vmem>>, vector<16xi32>,
      %add3A_481 = arith.constant 512 : i32
      %add3A_482 = arith.addi %add3A_481, %add3A_328 : i32
      %add3A_483 = vector.broadcast %add3A_482 : i32 to vector<16xi32>
      %add3A_484 = arith.addi %add3A_483, %add3A_438 : vector<16xi32>
      %lt3A_485 = vector.broadcast %min3A_327 : i32 to vector<16xi32>
      %lt3A_486 = arith.cmpi slt, %add3A_438, %lt3A_485 : vector<16xi32>
      tpu.vector_store_idx %arg16[%add3A_484], %get3A_480 masked %lt3A_486 : memref<3584xi32, #tpu.memory_space<vmem>>[vector<16xi32>], vector<16xi32>, vector<16xi1>
      %mul3A_487 = arith.constant 16 : i32
      %mul3A_488 = arith.muli %scan3A_433, %mul3A_487 : i32
      %add3A_489 = arith.constant 608 : i32
      %add3A_490 = arith.addi %add3A_489, %mul3A_488 : i32
      %get3A_491 = arith.index_cast %add3A_490 : i32 to index
      %get3A_492 = tpu.vector_load %arg15[%get3A_491] {strides = array<i32>} : memref<4256xi32, #tpu.memory_space<vmem>>, vector<16xi32>,
      %add3A_493 = arith.constant 1024 : i32
      %add3A_494 = arith.addi %add3A_493, %add3A_318 : i32
      %add3A_495 = vector.broadcast %add3A_494 : i32 to vector<16xi32>
      %add3A_496 = arith.addi %add3A_495, %add3A_438 : vector<16xi32>
      %lt3A_497 = vector.broadcast %reduce_sum3A_242 : i32 to vector<16xi32>
      %lt3A_498 = arith.cmpi slt, %add3A_438, %lt3A_497 : vector<16xi32>
      tpu.vector_store_idx %arg16[%add3A_496], %get3A_492 masked %lt3A_498 : memref<3584xi32, #tpu.memory_space<vmem>>[vector<16xi32>], vector<16xi32>, vector<16xi1>
      %mul3A_499 = arith.constant 16 : i32
      %mul3A_500 = arith.muli %scan3A_433, %mul3A_499 : i32
      %add3A_501 = arith.constant 2736 : i32
      %add3A_502 = arith.addi %add3A_501, %mul3A_500 : i32
      %get3A_503 = arith.index_cast %add3A_502 : i32 to index
      %get3A_504 = tpu.vector_load %arg15[%get3A_503] {strides = array<i32>} : memref<4256xi32, #tpu.memory_space<vmem>>, vector<16xi32>,
      %add3A_505 = arith.constant 1024 : i32
      %add3A_506 = arith.addi %add3A_505, %add3A_328 : i32
      %add3A_507 = vector.broadcast %add3A_506 : i32 to vector<16xi32>
      %add3A_508 = arith.addi %add3A_507, %add3A_438 : vector<16xi32>
      %lt3A_509 = vector.broadcast %min3A_327 : i32 to vector<16xi32>
      %lt3A_510 = arith.cmpi slt, %add3A_438, %lt3A_509 : vector<16xi32>
      tpu.vector_store_idx %arg16[%add3A_508], %get3A_504 masked %lt3A_510 : memref<3584xi32, #tpu.memory_space<vmem>>[vector<16xi32>], vector<16xi32>, vector<16xi1>
      %mul3A_511 = arith.constant 16 : i32
      %mul3A_512 = arith.muli %scan3A_433, %mul3A_511 : i32
      %add3A_513 = arith.constant 912 : i32
      %add3A_514 = arith.addi %add3A_513, %mul3A_512 : i32
      %get3A_515 = arith.index_cast %add3A_514 : i32 to index
      %get3A_516 = tpu.vector_load %arg15[%get3A_515] {strides = array<i32>} : memref<4256xi32, #tpu.memory_space<vmem>>, vector<16xi32>,
      %add3A_517 = arith.constant 1536 : i32
      %add3A_518 = arith.addi %add3A_517, %add3A_318 : i32
      %add3A_519 = vector.broadcast %add3A_518 : i32 to vector<16xi32>
      %add3A_520 = arith.addi %add3A_519, %add3A_438 : vector<16xi32>
      %lt3A_521 = vector.broadcast %reduce_sum3A_242 : i32 to vector<16xi32>
      %lt3A_522 = arith.cmpi slt, %add3A_438, %lt3A_521 : vector<16xi32>
      tpu.vector_store_idx %arg16[%add3A_520], %get3A_516 masked %lt3A_522 : memref<3584xi32, #tpu.memory_space<vmem>>[vector<16xi32>], vector<16xi32>, vector<16xi1>
      %mul3A_523 = arith.constant 16 : i32
      %mul3A_524 = arith.muli %scan3A_433, %mul3A_523 : i32
      %add3A_525 = arith.constant 3040 : i32
      %add3A_526 = arith.addi %add3A_525, %mul3A_524 : i32
      %get3A_527 = arith.index_cast %add3A_526 : i32 to index
      %get3A_528 = tpu.vector_load %arg15[%get3A_527] {strides = array<i32>} : memref<4256xi32, #tpu.memory_space<vmem>>, vector<16xi32>,
      %add3A_529 = arith.constant 1536 : i32
      %add3A_530 = arith.addi %add3A_529, %add3A_328 : i32
      %add3A_531 = vector.broadcast %add3A_530 : i32 to vector<16xi32>
      %add3A_532 = arith.addi %add3A_531, %add3A_438 : vector<16xi32>
      %lt3A_533 = vector.broadcast %min3A_327 : i32 to vector<16xi32>
      %lt3A_534 = arith.cmpi slt, %add3A_438, %lt3A_533 : vector<16xi32>
      tpu.vector_store_idx %arg16[%add3A_532], %get3A_528 masked %lt3A_534 : memref<3584xi32, #tpu.memory_space<vmem>>[vector<16xi32>], vector<16xi32>, vector<16xi1>
      %mul3A_535 = arith.constant 16 : i32
      %mul3A_536 = arith.muli %scan3A_433, %mul3A_535 : i32
      %add3A_537 = arith.constant 1216 : i32
      %add3A_538 = arith.addi %add3A_537, %mul3A_536 : i32
      %get3A_539 = arith.index_cast %add3A_538 : i32 to index
      %get3A_540 = tpu.vector_load %arg15[%get3A_539] {strides = array<i32>} : memref<4256xi32, #tpu.memory_space<vmem>>, vector<16xi32>,
      %add3A_541 = arith.constant 2048 : i32
      %add3A_542 = arith.addi %add3A_541, %add3A_318 : i32
      %add3A_543 = vector.broadcast %add3A_542 : i32 to vector<16xi32>
      %add3A_544 = arith.addi %add3A_543, %add3A_438 : vector<16xi32>
      %lt3A_545 = vector.broadcast %reduce_sum3A_242 : i32 to vector<16xi32>
      %lt3A_546 = arith.cmpi slt, %add3A_438, %lt3A_545 : vector<16xi32>
      tpu.vector_store_idx %arg16[%add3A_544], %get3A_540 masked %lt3A_546 : memref<3584xi32, #tpu.memory_space<vmem>>[vector<16xi32>], vector<16xi32>, vector<16xi1>
      %mul3A_547 = arith.constant 16 : i32
      %mul3A_548 = arith.muli %scan3A_433, %mul3A_547 : i32
      %add3A_549 = arith.constant 3344 : i32
      %add3A_550 = arith.addi %add3A_549, %mul3A_548 : i32
      %get3A_551 = arith.index_cast %add3A_550 : i32 to index
      %get3A_552 = tpu.vector_load %arg15[%get3A_551] {strides = array<i32>} : memref<4256xi32, #tpu.memory_space<vmem>>, vector<16xi32>,
      %add3A_553 = arith.constant 2048 : i32
      %add3A_554 = arith.addi %add3A_553, %add3A_328 : i32
      %add3A_555 = vector.broadcast %add3A_554 : i32 to vector<16xi32>
      %add3A_556 = arith.addi %add3A_555, %add3A_438 : vector<16xi32>
      %lt3A_557 = vector.broadcast %min3A_327 : i32 to vector<16xi32>
      %lt3A_558 = arith.cmpi slt, %add3A_438, %lt3A_557 : vector<16xi32>
      tpu.vector_store_idx %arg16[%add3A_556], %get3A_552 masked %lt3A_558 : memref<3584xi32, #tpu.memory_space<vmem>>[vector<16xi32>], vector<16xi32>, vector<16xi1>
      %mul3A_559 = arith.constant 16 : i32
      %mul3A_560 = arith.muli %scan3A_433, %mul3A_559 : i32
      %add3A_561 = arith.constant 1520 : i32
      %add3A_562 = arith.addi %add3A_561, %mul3A_560 : i32
      %get3A_563 = arith.index_cast %add3A_562 : i32 to index
      %get3A_564 = tpu.vector_load %arg15[%get3A_563] {strides = array<i32>} : memref<4256xi32, #tpu.memory_space<vmem>>, vector<16xi32>,
      %add3A_565 = arith.constant 2560 : i32
      %add3A_566 = arith.addi %add3A_565, %add3A_318 : i32
      %add3A_567 = vector.broadcast %add3A_566 : i32 to vector<16xi32>
      %add3A_568 = arith.addi %add3A_567, %add3A_438 : vector<16xi32>
      %lt3A_569 = vector.broadcast %reduce_sum3A_242 : i32 to vector<16xi32>
      %lt3A_570 = arith.cmpi slt, %add3A_438, %lt3A_569 : vector<16xi32>
      tpu.vector_store_idx %arg16[%add3A_568], %get3A_564 masked %lt3A_570 : memref<3584xi32, #tpu.memory_space<vmem>>[vector<16xi32>], vector<16xi32>, vector<16xi1>
      %mul3A_571 = arith.constant 16 : i32
      %mul3A_572 = arith.muli %scan3A_433, %mul3A_571 : i32
      %add3A_573 = arith.constant 3648 : i32
      %add3A_574 = arith.addi %add3A_573, %mul3A_572 : i32
      %get3A_575 = arith.index_cast %add3A_574 : i32 to index
      %get3A_576 = tpu.vector_load %arg15[%get3A_575] {strides = array<i32>} : memref<4256xi32, #tpu.memory_space<vmem>>, vector<16xi32>,
      %add3A_577 = arith.constant 2560 : i32
      %add3A_578 = arith.addi %add3A_577, %add3A_328 : i32
      %add3A_579 = vector.broadcast %add3A_578 : i32 to vector<16xi32>
      %add3A_580 = arith.addi %add3A_579, %add3A_438 : vector<16xi32>
      %lt3A_581 = vector.broadcast %min3A_327 : i32 to vector<16xi32>
      %lt3A_582 = arith.cmpi slt, %add3A_438, %lt3A_581 : vector<16xi32>
      tpu.vector_store_idx %arg16[%add3A_580], %get3A_576 masked %lt3A_582 : memref<3584xi32, #tpu.memory_space<vmem>>[vector<16xi32>], vector<16xi32>, vector<16xi1>
      %mul3A_583 = arith.constant 16 : i32
      %mul3A_584 = arith.muli %scan3A_433, %mul3A_583 : i32
      %add3A_585 = arith.constant 1824 : i32
      %add3A_586 = arith.addi %add3A_585, %mul3A_584 : i32
      %get3A_587 = arith.index_cast %add3A_586 : i32 to index
      %get3A_588 = tpu.vector_load %arg15[%get3A_587] {strides = array<i32>} : memref<4256xi32, #tpu.memory_space<vmem>>, vector<16xi32>,
      %add3A_589 = arith.constant 3072 : i32
      %add3A_590 = arith.addi %add3A_589, %add3A_318 : i32
      %add3A_591 = vector.broadcast %add3A_590 : i32 to vector<16xi32>
      %add3A_592 = arith.addi %add3A_591, %add3A_438 : vector<16xi32>
      %lt3A_593 = vector.broadcast %reduce_sum3A_242 : i32 to vector<16xi32>
      %lt3A_594 = arith.cmpi slt, %add3A_438, %lt3A_593 : vector<16xi32>
      tpu.vector_store_idx %arg16[%add3A_592], %get3A_588 masked %lt3A_594 : memref<3584xi32, #tpu.memory_space<vmem>>[vector<16xi32>], vector<16xi32>, vector<16xi1>
      %mul3A_595 = arith.constant 16 : i32
      %mul3A_596 = arith.muli %scan3A_433, %mul3A_595 : i32
      %add3A_597 = arith.constant 3952 : i32
      %add3A_598 = arith.addi %add3A_597, %mul3A_596 : i32
      %get3A_599 = arith.index_cast %add3A_598 : i32 to index
      %get3A_600 = tpu.vector_load %arg15[%get3A_599] {strides = array<i32>} : memref<4256xi32, #tpu.memory_space<vmem>>, vector<16xi32>,
      %add3A_601 = arith.constant 3072 : i32
      %add3A_602 = arith.addi %add3A_601, %add3A_328 : i32
      %add3A_603 = vector.broadcast %add3A_602 : i32 to vector<16xi32>
      %add3A_604 = arith.addi %add3A_603, %add3A_438 : vector<16xi32>
      %lt3A_605 = vector.broadcast %min3A_327 : i32 to vector<16xi32>
      %lt3A_606 = arith.cmpi slt, %add3A_438, %lt3A_605 : vector<16xi32>
      tpu.vector_store_idx %arg16[%add3A_604], %get3A_600 masked %lt3A_606 : memref<3584xi32, #tpu.memory_space<vmem>>[vector<16xi32>], vector<16xi32>, vector<16xi1>
      %scan3A_607 = arith.constant 0 : i32
      scf.yield %scan3A_607 : i32
    }
    %scan3A_335 = arith.constant 19 : i32
    %add3A_336 = arith.addi %add3A_318, %reduce_sum3A_242 : i32
    %add3A_337 = arith.addi %add3A_319, %reduce_sum3A_252 : i32
    %add3A_338 = arith.constant 3 : i32
    %add3A_339 = arith.addi %mul3A_186, %add3A_338 : i32
    %mul3A_340 = arith.constant 4256 : i32
    %mul3A_341 = arith.muli %add3A_339, %mul3A_340 : i32
    "tpu.region"() ({
      %run_scoped3A = tpu.sem_alloc : memref<!tpu.dma_semaphore, #tpu.memory_space<semaphore_mem>>
      %dma_start3A = tpu.memref_slice %arg18[%mul3A_341] : memref<68096xi32, #tpu.memory_space<vmem_shared>> -> memref<4256xi32, #tpu.memory_space<vmem_shared>>
      %dma_start3A_433 = tpu.memref_slice %arg18[%mul3A_341] : memref<68096xi32, #tpu.memory_space<vmem_shared>> -> memref<4256xi32, #tpu.memory_space<vmem_shared>>
      tpu.enqueue_dma source(%dma_start3A_433 : memref<4256xi32, #tpu.memory_space<vmem_shared>>) target(%arg15 : memref<4256xi32, #tpu.memory_space<vmem>>) target_semaphore(%run_scoped3A : memref<!tpu.dma_semaphore, #tpu.memory_space<semaphore_mem>>)
      %dma_wait3A = tpu.memref_slice %arg18[%mul3A_341] : memref<68096xi32, #tpu.memory_space<vmem_shared>> -> memref<4256xi32, #tpu.memory_space<vmem_shared>>
      %dma_wait3A_434 = tpu.memref_slice %arg18[%mul3A_341] : memref<68096xi32, #tpu.memory_space<vmem_shared>> -> memref<4256xi32, #tpu.memory_space<vmem_shared>>
      tpu.wait_dma2 semaphore(%run_scoped3A : memref<!tpu.dma_semaphore, #tpu.memory_space<semaphore_mem>>) src(%dma_wait3A_434 : memref<4256xi32, #tpu.memory_space<vmem_shared>>) dst(%arg15 : memref<4256xi32, #tpu.memory_space<vmem>>)
      tpu.yield
    }) : () -> ()
    %sub3A_342 = arith.subi %sub3A_279, %add3A_337 : i32
    %jit3A_343 = arith.constant 0 : i32
    %max3A_344 = arith.maxsi %jit3A_343, %sub3A_342 : i32
    %min3A_345 = arith.minsi %reduce_sum3A_274, %max3A_344 : i32
    %add3A_346 = arith.addi %add3A_277, %add3A_337 : i32
    %scan3A_347 = arith.constant 0 : i32
    %scan3A_348 = arith.constant 0 : i32
    %scan3A_349 = arith.constant 19 : i32
    %scan3A_350 = arith.addi %scan3A_348, %scan3A_349 : i32
    %scan3A_351 = arith.constant 1 : i32
    %scan3A_352 = scf.for %scan3A_433 = %scan3A_348 to %scan3A_350 step %scan3A_351 iter_args(%scan3A_434 = %scan3A_347) -> (i32)  : i32 {
      %mul3A_435 = arith.constant 16 : i32
      %mul3A_436 = arith.muli %scan3A_433, %mul3A_435 : i32
      %add3A_437 = vector.broadcast %mul3A_436 : i32 to vector<16xi32>
      %add3A_438 = arith.addi %add3A_437, %iota3A : vector<16xi32>
      %mul3A_439 = arith.constant 16 : i32
      %mul3A_440 = arith.muli %scan3A_433, %mul3A_439 : i32
      %add3A_441 = arith.constant 0 : i32
      %add3A_442 = arith.addi %add3A_441, %mul3A_440 : i32
      %get3A_443 = arith.index_cast %add3A_442 : i32 to index
      %get3A_444 = tpu.vector_load %arg15[%get3A_443] {strides = array<i32>} : memref<4256xi32, #tpu.memory_space<vmem>>, vector<16xi32>,
      %add3A_445 = arith.constant 0 : i32
      %add3A_446 = arith.addi %add3A_445, %add3A_336 : i32
      %add3A_447 = vector.broadcast %add3A_446 : i32 to vector<16xi32>
      %add3A_448 = arith.addi %add3A_447, %add3A_438 : vector<16xi32>
      %lt3A_449 = vector.broadcast %reduce_sum3A_264 : i32 to vector<16xi32>
      %lt3A_450 = arith.cmpi slt, %add3A_438, %lt3A_449 : vector<16xi32>
      tpu.vector_store_idx %arg16[%add3A_448], %get3A_444 masked %lt3A_450 : memref<3584xi32, #tpu.memory_space<vmem>>[vector<16xi32>], vector<16xi32>, vector<16xi1>
      %mul3A_451 = arith.constant 16 : i32
      %mul3A_452 = arith.muli %scan3A_433, %mul3A_451 : i32
      %add3A_453 = arith.constant 2128 : i32
      %add3A_454 = arith.addi %add3A_453, %mul3A_452 : i32
      %get3A_455 = arith.index_cast %add3A_454 : i32 to index
      %get3A_456 = tpu.vector_load %arg15[%get3A_455] {strides = array<i32>} : memref<4256xi32, #tpu.memory_space<vmem>>, vector<16xi32>,
      %add3A_457 = arith.constant 0 : i32
      %add3A_458 = arith.addi %add3A_457, %add3A_346 : i32
      %add3A_459 = vector.broadcast %add3A_458 : i32 to vector<16xi32>
      %add3A_460 = arith.addi %add3A_459, %add3A_438 : vector<16xi32>
      %lt3A_461 = vector.broadcast %min3A_345 : i32 to vector<16xi32>
      %lt3A_462 = arith.cmpi slt, %add3A_438, %lt3A_461 : vector<16xi32>
      tpu.vector_store_idx %arg16[%add3A_460], %get3A_456 masked %lt3A_462 : memref<3584xi32, #tpu.memory_space<vmem>>[vector<16xi32>], vector<16xi32>, vector<16xi1>
      %mul3A_463 = arith.constant 16 : i32
      %mul3A_464 = arith.muli %scan3A_433, %mul3A_463 : i32
      %add3A_465 = arith.constant 304 : i32
      %add3A_466 = arith.addi %add3A_465, %mul3A_464 : i32
      %get3A_467 = arith.index_cast %add3A_466 : i32 to index
      %get3A_468 = tpu.vector_load %arg15[%get3A_467] {strides = array<i32>} : memref<4256xi32, #tpu.memory_space<vmem>>, vector<16xi32>,
      %add3A_469 = arith.constant 512 : i32
      %add3A_470 = arith.addi %add3A_469, %add3A_336 : i32
      %add3A_471 = vector.broadcast %add3A_470 : i32 to vector<16xi32>
      %add3A_472 = arith.addi %add3A_471, %add3A_438 : vector<16xi32>
      %lt3A_473 = vector.broadcast %reduce_sum3A_264 : i32 to vector<16xi32>
      %lt3A_474 = arith.cmpi slt, %add3A_438, %lt3A_473 : vector<16xi32>
      tpu.vector_store_idx %arg16[%add3A_472], %get3A_468 masked %lt3A_474 : memref<3584xi32, #tpu.memory_space<vmem>>[vector<16xi32>], vector<16xi32>, vector<16xi1>
      %mul3A_475 = arith.constant 16 : i32
      %mul3A_476 = arith.muli %scan3A_433, %mul3A_475 : i32
      %add3A_477 = arith.constant 2432 : i32
      %add3A_478 = arith.addi %add3A_477, %mul3A_476 : i32
      %get3A_479 = arith.index_cast %add3A_478 : i32 to index
      %get3A_480 = tpu.vector_load %arg15[%get3A_479] {strides = array<i32>} : memref<4256xi32, #tpu.memory_space<vmem>>, vector<16xi32>,
      %add3A_481 = arith.constant 512 : i32
      %add3A_482 = arith.addi %add3A_481, %add3A_346 : i32
      %add3A_483 = vector.broadcast %add3A_482 : i32 to vector<16xi32>
      %add3A_484 = arith.addi %add3A_483, %add3A_438 : vector<16xi32>
      %lt3A_485 = vector.broadcast %min3A_345 : i32 to vector<16xi32>
      %lt3A_486 = arith.cmpi slt, %add3A_438, %lt3A_485 : vector<16xi32>
      tpu.vector_store_idx %arg16[%add3A_484], %get3A_480 masked %lt3A_486 : memref<3584xi32, #tpu.memory_space<vmem>>[vector<16xi32>], vector<16xi32>, vector<16xi1>
      %mul3A_487 = arith.constant 16 : i32
      %mul3A_488 = arith.muli %scan3A_433, %mul3A_487 : i32
      %add3A_489 = arith.constant 608 : i32
      %add3A_490 = arith.addi %add3A_489, %mul3A_488 : i32
      %get3A_491 = arith.index_cast %add3A_490 : i32 to index
      %get3A_492 = tpu.vector_load %arg15[%get3A_491] {strides = array<i32>} : memref<4256xi32, #tpu.memory_space<vmem>>, vector<16xi32>,
      %add3A_493 = arith.constant 1024 : i32
      %add3A_494 = arith.addi %add3A_493, %add3A_336 : i32
      %add3A_495 = vector.broadcast %add3A_494 : i32 to vector<16xi32>
      %add3A_496 = arith.addi %add3A_495, %add3A_438 : vector<16xi32>
      %lt3A_497 = vector.broadcast %reduce_sum3A_264 : i32 to vector<16xi32>
      %lt3A_498 = arith.cmpi slt, %add3A_438, %lt3A_497 : vector<16xi32>
      tpu.vector_store_idx %arg16[%add3A_496], %get3A_492 masked %lt3A_498 : memref<3584xi32, #tpu.memory_space<vmem>>[vector<16xi32>], vector<16xi32>, vector<16xi1>
      %mul3A_499 = arith.constant 16 : i32
      %mul3A_500 = arith.muli %scan3A_433, %mul3A_499 : i32
      %add3A_501 = arith.constant 2736 : i32
      %add3A_502 = arith.addi %add3A_501, %mul3A_500 : i32
      %get3A_503 = arith.index_cast %add3A_502 : i32 to index
      %get3A_504 = tpu.vector_load %arg15[%get3A_503] {strides = array<i32>} : memref<4256xi32, #tpu.memory_space<vmem>>, vector<16xi32>,
      %add3A_505 = arith.constant 1024 : i32
      %add3A_506 = arith.addi %add3A_505, %add3A_346 : i32
      %add3A_507 = vector.broadcast %add3A_506 : i32 to vector<16xi32>
      %add3A_508 = arith.addi %add3A_507, %add3A_438 : vector<16xi32>
      %lt3A_509 = vector.broadcast %min3A_345 : i32 to vector<16xi32>
      %lt3A_510 = arith.cmpi slt, %add3A_438, %lt3A_509 : vector<16xi32>
      tpu.vector_store_idx %arg16[%add3A_508], %get3A_504 masked %lt3A_510 : memref<3584xi32, #tpu.memory_space<vmem>>[vector<16xi32>], vector<16xi32>, vector<16xi1>
      %mul3A_511 = arith.constant 16 : i32
      %mul3A_512 = arith.muli %scan3A_433, %mul3A_511 : i32
      %add3A_513 = arith.constant 912 : i32
      %add3A_514 = arith.addi %add3A_513, %mul3A_512 : i32
      %get3A_515 = arith.index_cast %add3A_514 : i32 to index
      %get3A_516 = tpu.vector_load %arg15[%get3A_515] {strides = array<i32>} : memref<4256xi32, #tpu.memory_space<vmem>>, vector<16xi32>,
      %add3A_517 = arith.constant 1536 : i32
      %add3A_518 = arith.addi %add3A_517, %add3A_336 : i32
      %add3A_519 = vector.broadcast %add3A_518 : i32 to vector<16xi32>
      %add3A_520 = arith.addi %add3A_519, %add3A_438 : vector<16xi32>
      %lt3A_521 = vector.broadcast %reduce_sum3A_264 : i32 to vector<16xi32>
      %lt3A_522 = arith.cmpi slt, %add3A_438, %lt3A_521 : vector<16xi32>
      tpu.vector_store_idx %arg16[%add3A_520], %get3A_516 masked %lt3A_522 : memref<3584xi32, #tpu.memory_space<vmem>>[vector<16xi32>], vector<16xi32>, vector<16xi1>
      %mul3A_523 = arith.constant 16 : i32
      %mul3A_524 = arith.muli %scan3A_433, %mul3A_523 : i32
      %add3A_525 = arith.constant 3040 : i32
      %add3A_526 = arith.addi %add3A_525, %mul3A_524 : i32
      %get3A_527 = arith.index_cast %add3A_526 : i32 to index
      %get3A_528 = tpu.vector_load %arg15[%get3A_527] {strides = array<i32>} : memref<4256xi32, #tpu.memory_space<vmem>>, vector<16xi32>,
      %add3A_529 = arith.constant 1536 : i32
      %add3A_530 = arith.addi %add3A_529, %add3A_346 : i32
      %add3A_531 = vector.broadcast %add3A_530 : i32 to vector<16xi32>
      %add3A_532 = arith.addi %add3A_531, %add3A_438 : vector<16xi32>
      %lt3A_533 = vector.broadcast %min3A_345 : i32 to vector<16xi32>
      %lt3A_534 = arith.cmpi slt, %add3A_438, %lt3A_533 : vector<16xi32>
      tpu.vector_store_idx %arg16[%add3A_532], %get3A_528 masked %lt3A_534 : memref<3584xi32, #tpu.memory_space<vmem>>[vector<16xi32>], vector<16xi32>, vector<16xi1>
      %mul3A_535 = arith.constant 16 : i32
      %mul3A_536 = arith.muli %scan3A_433, %mul3A_535 : i32
      %add3A_537 = arith.constant 1216 : i32
      %add3A_538 = arith.addi %add3A_537, %mul3A_536 : i32
      %get3A_539 = arith.index_cast %add3A_538 : i32 to index
      %get3A_540 = tpu.vector_load %arg15[%get3A_539] {strides = array<i32>} : memref<4256xi32, #tpu.memory_space<vmem>>, vector<16xi32>,
      %add3A_541 = arith.constant 2048 : i32
      %add3A_542 = arith.addi %add3A_541, %add3A_336 : i32
      %add3A_543 = vector.broadcast %add3A_542 : i32 to vector<16xi32>
      %add3A_544 = arith.addi %add3A_543, %add3A_438 : vector<16xi32>
      %lt3A_545 = vector.broadcast %reduce_sum3A_264 : i32 to vector<16xi32>
      %lt3A_546 = arith.cmpi slt, %add3A_438, %lt3A_545 : vector<16xi32>
      tpu.vector_store_idx %arg16[%add3A_544], %get3A_540 masked %lt3A_546 : memref<3584xi32, #tpu.memory_space<vmem>>[vector<16xi32>], vector<16xi32>, vector<16xi1>
      %mul3A_547 = arith.constant 16 : i32
      %mul3A_548 = arith.muli %scan3A_433, %mul3A_547 : i32
      %add3A_549 = arith.constant 3344 : i32
      %add3A_550 = arith.addi %add3A_549, %mul3A_548 : i32
      %get3A_551 = arith.index_cast %add3A_550 : i32 to index
      %get3A_552 = tpu.vector_load %arg15[%get3A_551] {strides = array<i32>} : memref<4256xi32, #tpu.memory_space<vmem>>, vector<16xi32>,
      %add3A_553 = arith.constant 2048 : i32
      %add3A_554 = arith.addi %add3A_553, %add3A_346 : i32
      %add3A_555 = vector.broadcast %add3A_554 : i32 to vector<16xi32>
      %add3A_556 = arith.addi %add3A_555, %add3A_438 : vector<16xi32>
      %lt3A_557 = vector.broadcast %min3A_345 : i32 to vector<16xi32>
      %lt3A_558 = arith.cmpi slt, %add3A_438, %lt3A_557 : vector<16xi32>
      tpu.vector_store_idx %arg16[%add3A_556], %get3A_552 masked %lt3A_558 : memref<3584xi32, #tpu.memory_space<vmem>>[vector<16xi32>], vector<16xi32>, vector<16xi1>
      %mul3A_559 = arith.constant 16 : i32
      %mul3A_560 = arith.muli %scan3A_433, %mul3A_559 : i32
      %add3A_561 = arith.constant 1520 : i32
      %add3A_562 = arith.addi %add3A_561, %mul3A_560 : i32
      %get3A_563 = arith.index_cast %add3A_562 : i32 to index
      %get3A_564 = tpu.vector_load %arg15[%get3A_563] {strides = array<i32>} : memref<4256xi32, #tpu.memory_space<vmem>>, vector<16xi32>,
      %add3A_565 = arith.constant 2560 : i32
      %add3A_566 = arith.addi %add3A_565, %add3A_336 : i32
      %add3A_567 = vector.broadcast %add3A_566 : i32 to vector<16xi32>
      %add3A_568 = arith.addi %add3A_567, %add3A_438 : vector<16xi32>
      %lt3A_569 = vector.broadcast %reduce_sum3A_264 : i32 to vector<16xi32>
      %lt3A_570 = arith.cmpi slt, %add3A_438, %lt3A_569 : vector<16xi32>
      tpu.vector_store_idx %arg16[%add3A_568], %get3A_564 masked %lt3A_570 : memref<3584xi32, #tpu.memory_space<vmem>>[vector<16xi32>], vector<16xi32>, vector<16xi1>
      %mul3A_571 = arith.constant 16 : i32
      %mul3A_572 = arith.muli %scan3A_433, %mul3A_571 : i32
      %add3A_573 = arith.constant 3648 : i32
      %add3A_574 = arith.addi %add3A_573, %mul3A_572 : i32
      %get3A_575 = arith.index_cast %add3A_574 : i32 to index
      %get3A_576 = tpu.vector_load %arg15[%get3A_575] {strides = array<i32>} : memref<4256xi32, #tpu.memory_space<vmem>>, vector<16xi32>,
      %add3A_577 = arith.constant 2560 : i32
      %add3A_578 = arith.addi %add3A_577, %add3A_346 : i32
      %add3A_579 = vector.broadcast %add3A_578 : i32 to vector<16xi32>
      %add3A_580 = arith.addi %add3A_579, %add3A_438 : vector<16xi32>
      %lt3A_581 = vector.broadcast %min3A_345 : i32 to vector<16xi32>
      %lt3A_582 = arith.cmpi slt, %add3A_438, %lt3A_581 : vector<16xi32>
      tpu.vector_store_idx %arg16[%add3A_580], %get3A_576 masked %lt3A_582 : memref<3584xi32, #tpu.memory_space<vmem>>[vector<16xi32>], vector<16xi32>, vector<16xi1>
      %mul3A_583 = arith.constant 16 : i32
      %mul3A_584 = arith.muli %scan3A_433, %mul3A_583 : i32
      %add3A_585 = arith.constant 1824 : i32
      %add3A_586 = arith.addi %add3A_585, %mul3A_584 : i32
      %get3A_587 = arith.index_cast %add3A_586 : i32 to index
      %get3A_588 = tpu.vector_load %arg15[%get3A_587] {strides = array<i32>} : memref<4256xi32, #tpu.memory_space<vmem>>, vector<16xi32>,
      %add3A_589 = arith.constant 3072 : i32
      %add3A_590 = arith.addi %add3A_589, %add3A_336 : i32
      %add3A_591 = vector.broadcast %add3A_590 : i32 to vector<16xi32>
      %add3A_592 = arith.addi %add3A_591, %add3A_438 : vector<16xi32>
      %lt3A_593 = vector.broadcast %reduce_sum3A_264 : i32 to vector<16xi32>
      %lt3A_594 = arith.cmpi slt, %add3A_438, %lt3A_593 : vector<16xi32>
      tpu.vector_store_idx %arg16[%add3A_592], %get3A_588 masked %lt3A_594 : memref<3584xi32, #tpu.memory_space<vmem>>[vector<16xi32>], vector<16xi32>, vector<16xi1>
      %mul3A_595 = arith.constant 16 : i32
      %mul3A_596 = arith.muli %scan3A_433, %mul3A_595 : i32
      %add3A_597 = arith.constant 3952 : i32
      %add3A_598 = arith.addi %add3A_597, %mul3A_596 : i32
      %get3A_599 = arith.index_cast %add3A_598 : i32 to index
      %get3A_600 = tpu.vector_load %arg15[%get3A_599] {strides = array<i32>} : memref<4256xi32, #tpu.memory_space<vmem>>, vector<16xi32>,
      %add3A_601 = arith.constant 3072 : i32
      %add3A_602 = arith.addi %add3A_601, %add3A_346 : i32
      %add3A_603 = vector.broadcast %add3A_602 : i32 to vector<16xi32>
      %add3A_604 = arith.addi %add3A_603, %add3A_438 : vector<16xi32>
      %lt3A_605 = vector.broadcast %min3A_345 : i32 to vector<16xi32>
      %lt3A_606 = arith.cmpi slt, %add3A_438, %lt3A_605 : vector<16xi32>
      tpu.vector_store_idx %arg16[%add3A_604], %get3A_600 masked %lt3A_606 : memref<3584xi32, #tpu.memory_space<vmem>>[vector<16xi32>], vector<16xi32>, vector<16xi1>
      %scan3A_607 = arith.constant 0 : i32
      scf.yield %scan3A_607 : i32
    }
    %scan3A_353 = arith.constant 19 : i32
    %add3A_354 = arith.addi %add3A_336, %reduce_sum3A_264 : i32
    %add3A_355 = arith.addi %add3A_337, %reduce_sum3A_274 : i32
    %mul3A_356 = arith.constant 128 : i32
    %mul3A_357 = arith.muli %select_n3A_30, %mul3A_356 : i32
    %add3A_358 = arith.constant 0 : i32
    %add3A_359 = arith.addi %add3A_358, %mul3A_357 : i32
    %add3A_360 = arith.constant 0 : i32
    %add3A_361 = arith.addi %add3A_360, %add3A : i32
    %mul3A_362 = arith.constant 512 : i32
    %mul3A_363 = arith.muli %add3A_361, %mul3A_362 : i32
    %mul3A_364 = arith.constant 128 : i32
    %mul3A_365 = arith.muli %select_n3A_30, %mul3A_364 : i32
    %add3A_366 = arith.addi %mul3A_363, %mul3A_365 : i32
    "tpu.region"() ({
      %run_scoped3A = tpu.sem_alloc : memref<!tpu.dma_semaphore, #tpu.memory_space<semaphore_mem>>
      %dma_start3A = tpu.memref_slice %arg16[%add3A_359] : memref<3584xi32, #tpu.memory_space<vmem>> -> memref<128xi32, #tpu.memory_space<vmem>>
      %dma_start3A_433 = tpu.memref_slice %arg6[%add3A_366] : memref<28672xi32, #tpu.memory_space<hbm>> -> memref<128xi32, #tpu.memory_space<hbm>>
      %dma_start3A_434 = tpu.memref_slice %arg6[%add3A_366] : memref<28672xi32, #tpu.memory_space<hbm>> -> memref<128xi32, #tpu.memory_space<hbm>>
      %dma_start3A_435 = tpu.memref_slice %arg16[%add3A_359] : memref<3584xi32, #tpu.memory_space<vmem>> -> memref<128xi32, #tpu.memory_space<vmem>>
      tpu.enqueue_dma source(%dma_start3A_435 : memref<128xi32, #tpu.memory_space<vmem>>) target(%dma_start3A_434 : memref<128xi32, #tpu.memory_space<hbm>>) target_semaphore(%run_scoped3A : memref<!tpu.dma_semaphore, #tpu.memory_space<semaphore_mem>>)
      %dma_wait3A = tpu.memref_slice %arg16[%add3A_359] : memref<3584xi32, #tpu.memory_space<vmem>> -> memref<128xi32, #tpu.memory_space<vmem>>
      %dma_wait3A_436 = tpu.memref_slice %arg6[%add3A_366] : memref<28672xi32, #tpu.memory_space<hbm>> -> memref<128xi32, #tpu.memory_space<hbm>>
      %dma_wait3A_437 = tpu.memref_slice %arg6[%add3A_366] : memref<28672xi32, #tpu.memory_space<hbm>> -> memref<128xi32, #tpu.memory_space<hbm>>
      %dma_wait3A_438 = tpu.memref_slice %arg16[%add3A_359] : memref<3584xi32, #tpu.memory_space<vmem>> -> memref<128xi32, #tpu.memory_space<vmem>>
      tpu.wait_dma2 semaphore(%run_scoped3A : memref<!tpu.dma_semaphore, #tpu.memory_space<semaphore_mem>>) src(%dma_wait3A_438 : memref<128xi32, #tpu.memory_space<vmem>>) dst(%dma_wait3A_437 : memref<128xi32, #tpu.memory_space<hbm>>)
      tpu.yield
    }) : () -> ()
    %mul3A_367 = arith.constant 128 : i32
    %mul3A_368 = arith.muli %select_n3A_30, %mul3A_367 : i32
    %add3A_369 = arith.constant 512 : i32
    %add3A_370 = arith.addi %add3A_369, %mul3A_368 : i32
    %add3A_371 = arith.constant 8 : i32
    %add3A_372 = arith.addi %add3A_371, %add3A : i32
    %mul3A_373 = arith.constant 512 : i32
    %mul3A_374 = arith.muli %add3A_372, %mul3A_373 : i32
    %mul3A_375 = arith.constant 128 : i32
    %mul3A_376 = arith.muli %select_n3A_30, %mul3A_375 : i32
    %add3A_377 = arith.addi %mul3A_374, %mul3A_376 : i32
    "tpu.region"() ({
      %run_scoped3A = tpu.sem_alloc : memref<!tpu.dma_semaphore, #tpu.memory_space<semaphore_mem>>
      %dma_start3A = tpu.memref_slice %arg16[%add3A_370] : memref<3584xi32, #tpu.memory_space<vmem>> -> memref<128xi32, #tpu.memory_space<vmem>>
      %dma_start3A_433 = tpu.memref_slice %arg6[%add3A_377] : memref<28672xi32, #tpu.memory_space<hbm>> -> memref<128xi32, #tpu.memory_space<hbm>>
      %dma_start3A_434 = tpu.memref_slice %arg6[%add3A_377] : memref<28672xi32, #tpu.memory_space<hbm>> -> memref<128xi32, #tpu.memory_space<hbm>>
      %dma_start3A_435 = tpu.memref_slice %arg16[%add3A_370] : memref<3584xi32, #tpu.memory_space<vmem>> -> memref<128xi32, #tpu.memory_space<vmem>>
      tpu.enqueue_dma source(%dma_start3A_435 : memref<128xi32, #tpu.memory_space<vmem>>) target(%dma_start3A_434 : memref<128xi32, #tpu.memory_space<hbm>>) target_semaphore(%run_scoped3A : memref<!tpu.dma_semaphore, #tpu.memory_space<semaphore_mem>>)
      %dma_wait3A = tpu.memref_slice %arg16[%add3A_370] : memref<3584xi32, #tpu.memory_space<vmem>> -> memref<128xi32, #tpu.memory_space<vmem>>
      %dma_wait3A_436 = tpu.memref_slice %arg6[%add3A_377] : memref<28672xi32, #tpu.memory_space<hbm>> -> memref<128xi32, #tpu.memory_space<hbm>>
      %dma_wait3A_437 = tpu.memref_slice %arg6[%add3A_377] : memref<28672xi32, #tpu.memory_space<hbm>> -> memref<128xi32, #tpu.memory_space<hbm>>
      %dma_wait3A_438 = tpu.memref_slice %arg16[%add3A_370] : memref<3584xi32, #tpu.memory_space<vmem>> -> memref<128xi32, #tpu.memory_space<vmem>>
      tpu.wait_dma2 semaphore(%run_scoped3A : memref<!tpu.dma_semaphore, #tpu.memory_space<semaphore_mem>>) src(%dma_wait3A_438 : memref<128xi32, #tpu.memory_space<vmem>>) dst(%dma_wait3A_437 : memref<128xi32, #tpu.memory_space<hbm>>)
      tpu.yield
    }) : () -> ()
    %mul3A_378 = arith.constant 128 : i32
    %mul3A_379 = arith.muli %select_n3A_30, %mul3A_378 : i32
    %add3A_380 = arith.constant 1024 : i32
    %add3A_381 = arith.addi %add3A_380, %mul3A_379 : i32
    %add3A_382 = arith.constant 16 : i32
    %add3A_383 = arith.addi %add3A_382, %add3A : i32
    %mul3A_384 = arith.constant 512 : i32
    %mul3A_385 = arith.muli %add3A_383, %mul3A_384 : i32
    %mul3A_386 = arith.constant 128 : i32
    %mul3A_387 = arith.muli %select_n3A_30, %mul3A_386 : i32
    %add3A_388 = arith.addi %mul3A_385, %mul3A_387 : i32
    "tpu.region"() ({
      %run_scoped3A = tpu.sem_alloc : memref<!tpu.dma_semaphore, #tpu.memory_space<semaphore_mem>>
      %dma_start3A = tpu.memref_slice %arg16[%add3A_381] : memref<3584xi32, #tpu.memory_space<vmem>> -> memref<128xi32, #tpu.memory_space<vmem>>
      %dma_start3A_433 = tpu.memref_slice %arg6[%add3A_388] : memref<28672xi32, #tpu.memory_space<hbm>> -> memref<128xi32, #tpu.memory_space<hbm>>
      %dma_start3A_434 = tpu.memref_slice %arg6[%add3A_388] : memref<28672xi32, #tpu.memory_space<hbm>> -> memref<128xi32, #tpu.memory_space<hbm>>
      %dma_start3A_435 = tpu.memref_slice %arg16[%add3A_381] : memref<3584xi32, #tpu.memory_space<vmem>> -> memref<128xi32, #tpu.memory_space<vmem>>
      tpu.enqueue_dma source(%dma_start3A_435 : memref<128xi32, #tpu.memory_space<vmem>>) target(%dma_start3A_434 : memref<128xi32, #tpu.memory_space<hbm>>) target_semaphore(%run_scoped3A : memref<!tpu.dma_semaphore, #tpu.memory_space<semaphore_mem>>)
      %dma_wait3A = tpu.memref_slice %arg16[%add3A_381] : memref<3584xi32, #tpu.memory_space<vmem>> -> memref<128xi32, #tpu.memory_space<vmem>>
      %dma_wait3A_436 = tpu.memref_slice %arg6[%add3A_388] : memref<28672xi32, #tpu.memory_space<hbm>> -> memref<128xi32, #tpu.memory_space<hbm>>
      %dma_wait3A_437 = tpu.memref_slice %arg6[%add3A_388] : memref<28672xi32, #tpu.memory_space<hbm>> -> memref<128xi32, #tpu.memory_space<hbm>>
      %dma_wait3A_438 = tpu.memref_slice %arg16[%add3A_381] : memref<3584xi32, #tpu.memory_space<vmem>> -> memref<128xi32, #tpu.memory_space<vmem>>
      tpu.wait_dma2 semaphore(%run_scoped3A : memref<!tpu.dma_semaphore, #tpu.memory_space<semaphore_mem>>) src(%dma_wait3A_438 : memref<128xi32, #tpu.memory_space<vmem>>) dst(%dma_wait3A_437 : memref<128xi32, #tpu.memory_space<hbm>>)
      tpu.yield
    }) : () -> ()
    %mul3A_389 = arith.constant 128 : i32
    %mul3A_390 = arith.muli %select_n3A_30, %mul3A_389 : i32
    %add3A_391 = arith.constant 1536 : i32
    %add3A_392 = arith.addi %add3A_391, %mul3A_390 : i32
    %add3A_393 = arith.constant 24 : i32
    %add3A_394 = arith.addi %add3A_393, %add3A : i32
    %mul3A_395 = arith.constant 512 : i32
    %mul3A_396 = arith.muli %add3A_394, %mul3A_395 : i32
    %mul3A_397 = arith.constant 128 : i32
    %mul3A_398 = arith.muli %select_n3A_30, %mul3A_397 : i32
    %add3A_399 = arith.addi %mul3A_396, %mul3A_398 : i32
    "tpu.region"() ({
      %run_scoped3A = tpu.sem_alloc : memref<!tpu.dma_semaphore, #tpu.memory_space<semaphore_mem>>
      %dma_start3A = tpu.memref_slice %arg16[%add3A_392] : memref<3584xi32, #tpu.memory_space<vmem>> -> memref<128xi32, #tpu.memory_space<vmem>>
      %dma_start3A_433 = tpu.memref_slice %arg6[%add3A_399] : memref<28672xi32, #tpu.memory_space<hbm>> -> memref<128xi32, #tpu.memory_space<hbm>>
      %dma_start3A_434 = tpu.memref_slice %arg6[%add3A_399] : memref<28672xi32, #tpu.memory_space<hbm>> -> memref<128xi32, #tpu.memory_space<hbm>>
      %dma_start3A_435 = tpu.memref_slice %arg16[%add3A_392] : memref<3584xi32, #tpu.memory_space<vmem>> -> memref<128xi32, #tpu.memory_space<vmem>>
      tpu.enqueue_dma source(%dma_start3A_435 : memref<128xi32, #tpu.memory_space<vmem>>) target(%dma_start3A_434 : memref<128xi32, #tpu.memory_space<hbm>>) target_semaphore(%run_scoped3A : memref<!tpu.dma_semaphore, #tpu.memory_space<semaphore_mem>>)
      %dma_wait3A = tpu.memref_slice %arg16[%add3A_392] : memref<3584xi32, #tpu.memory_space<vmem>> -> memref<128xi32, #tpu.memory_space<vmem>>
      %dma_wait3A_436 = tpu.memref_slice %arg6[%add3A_399] : memref<28672xi32, #tpu.memory_space<hbm>> -> memref<128xi32, #tpu.memory_space<hbm>>
      %dma_wait3A_437 = tpu.memref_slice %arg6[%add3A_399] : memref<28672xi32, #tpu.memory_space<hbm>> -> memref<128xi32, #tpu.memory_space<hbm>>
      %dma_wait3A_438 = tpu.memref_slice %arg16[%add3A_392] : memref<3584xi32, #tpu.memory_space<vmem>> -> memref<128xi32, #tpu.memory_space<vmem>>
      tpu.wait_dma2 semaphore(%run_scoped3A : memref<!tpu.dma_semaphore, #tpu.memory_space<semaphore_mem>>) src(%dma_wait3A_438 : memref<128xi32, #tpu.memory_space<vmem>>) dst(%dma_wait3A_437 : memref<128xi32, #tpu.memory_space<hbm>>)
      tpu.yield
    }) : () -> ()
    %mul3A_400 = arith.constant 128 : i32
    %mul3A_401 = arith.muli %select_n3A_30, %mul3A_400 : i32
    %add3A_402 = arith.constant 2048 : i32
    %add3A_403 = arith.addi %add3A_402, %mul3A_401 : i32
    %add3A_404 = arith.constant 32 : i32
    %add3A_405 = arith.addi %add3A_404, %add3A : i32
    %mul3A_406 = arith.constant 512 : i32
    %mul3A_407 = arith.muli %add3A_405, %mul3A_406 : i32
    %mul3A_408 = arith.constant 128 : i32
    %mul3A_409 = arith.muli %select_n3A_30, %mul3A_408 : i32
    %add3A_410 = arith.addi %mul3A_407, %mul3A_409 : i32
    "tpu.region"() ({
      %run_scoped3A = tpu.sem_alloc : memref<!tpu.dma_semaphore, #tpu.memory_space<semaphore_mem>>
      %dma_start3A = tpu.memref_slice %arg16[%add3A_403] : memref<3584xi32, #tpu.memory_space<vmem>> -> memref<128xi32, #tpu.memory_space<vmem>>
      %dma_start3A_433 = tpu.memref_slice %arg6[%add3A_410] : memref<28672xi32, #tpu.memory_space<hbm>> -> memref<128xi32, #tpu.memory_space<hbm>>
      %dma_start3A_434 = tpu.memref_slice %arg6[%add3A_410] : memref<28672xi32, #tpu.memory_space<hbm>> -> memref<128xi32, #tpu.memory_space<hbm>>
      %dma_start3A_435 = tpu.memref_slice %arg16[%add3A_403] : memref<3584xi32, #tpu.memory_space<vmem>> -> memref<128xi32, #tpu.memory_space<vmem>>
      tpu.enqueue_dma source(%dma_start3A_435 : memref<128xi32, #tpu.memory_space<vmem>>) target(%dma_start3A_434 : memref<128xi32, #tpu.memory_space<hbm>>) target_semaphore(%run_scoped3A : memref<!tpu.dma_semaphore, #tpu.memory_space<semaphore_mem>>)
      %dma_wait3A = tpu.memref_slice %arg16[%add3A_403] : memref<3584xi32, #tpu.memory_space<vmem>> -> memref<128xi32, #tpu.memory_space<vmem>>
      %dma_wait3A_436 = tpu.memref_slice %arg6[%add3A_410] : memref<28672xi32, #tpu.memory_space<hbm>> -> memref<128xi32, #tpu.memory_space<hbm>>
      %dma_wait3A_437 = tpu.memref_slice %arg6[%add3A_410] : memref<28672xi32, #tpu.memory_space<hbm>> -> memref<128xi32, #tpu.memory_space<hbm>>
      %dma_wait3A_438 = tpu.memref_slice %arg16[%add3A_403] : memref<3584xi32, #tpu.memory_space<vmem>> -> memref<128xi32, #tpu.memory_space<vmem>>
      tpu.wait_dma2 semaphore(%run_scoped3A : memref<!tpu.dma_semaphore, #tpu.memory_space<semaphore_mem>>) src(%dma_wait3A_438 : memref<128xi32, #tpu.memory_space<vmem>>) dst(%dma_wait3A_437 : memref<128xi32, #tpu.memory_space<hbm>>)
      tpu.yield
    }) : () -> ()
    %mul3A_411 = arith.constant 128 : i32
    %mul3A_412 = arith.muli %select_n3A_30, %mul3A_411 : i32
    %add3A_413 = arith.constant 2560 : i32
    %add3A_414 = arith.addi %add3A_413, %mul3A_412 : i32
    %add3A_415 = arith.constant 40 : i32
    %add3A_416 = arith.addi %add3A_415, %add3A : i32
    %mul3A_417 = arith.constant 512 : i32
    %mul3A_418 = arith.muli %add3A_416, %mul3A_417 : i32
    %mul3A_419 = arith.constant 128 : i32
    %mul3A_420 = arith.muli %select_n3A_30, %mul3A_419 : i32
    %add3A_421 = arith.addi %mul3A_418, %mul3A_420 : i32
    "tpu.region"() ({
      %run_scoped3A = tpu.sem_alloc : memref<!tpu.dma_semaphore, #tpu.memory_space<semaphore_mem>>
      %dma_start3A = tpu.memref_slice %arg16[%add3A_414] : memref<3584xi32, #tpu.memory_space<vmem>> -> memref<128xi32, #tpu.memory_space<vmem>>
      %dma_start3A_433 = tpu.memref_slice %arg6[%add3A_421] : memref<28672xi32, #tpu.memory_space<hbm>> -> memref<128xi32, #tpu.memory_space<hbm>>
      %dma_start3A_434 = tpu.memref_slice %arg6[%add3A_421] : memref<28672xi32, #tpu.memory_space<hbm>> -> memref<128xi32, #tpu.memory_space<hbm>>
      %dma_start3A_435 = tpu.memref_slice %arg16[%add3A_414] : memref<3584xi32, #tpu.memory_space<vmem>> -> memref<128xi32, #tpu.memory_space<vmem>>
      tpu.enqueue_dma source(%dma_start3A_435 : memref<128xi32, #tpu.memory_space<vmem>>) target(%dma_start3A_434 : memref<128xi32, #tpu.memory_space<hbm>>) target_semaphore(%run_scoped3A : memref<!tpu.dma_semaphore, #tpu.memory_space<semaphore_mem>>)
      %dma_wait3A = tpu.memref_slice %arg16[%add3A_414] : memref<3584xi32, #tpu.memory_space<vmem>> -> memref<128xi32, #tpu.memory_space<vmem>>
      %dma_wait3A_436 = tpu.memref_slice %arg6[%add3A_421] : memref<28672xi32, #tpu.memory_space<hbm>> -> memref<128xi32, #tpu.memory_space<hbm>>
      %dma_wait3A_437 = tpu.memref_slice %arg6[%add3A_421] : memref<28672xi32, #tpu.memory_space<hbm>> -> memref<128xi32, #tpu.memory_space<hbm>>
      %dma_wait3A_438 = tpu.memref_slice %arg16[%add3A_414] : memref<3584xi32, #tpu.memory_space<vmem>> -> memref<128xi32, #tpu.memory_space<vmem>>
      tpu.wait_dma2 semaphore(%run_scoped3A : memref<!tpu.dma_semaphore, #tpu.memory_space<semaphore_mem>>) src(%dma_wait3A_438 : memref<128xi32, #tpu.memory_space<vmem>>) dst(%dma_wait3A_437 : memref<128xi32, #tpu.memory_space<hbm>>)
      tpu.yield
    }) : () -> ()
    %mul3A_422 = arith.constant 128 : i32
    %mul3A_423 = arith.muli %select_n3A_30, %mul3A_422 : i32
    %add3A_424 = arith.constant 3072 : i32
    %add3A_425 = arith.addi %add3A_424, %mul3A_423 : i32
    %add3A_426 = arith.constant 48 : i32
    %add3A_427 = arith.addi %add3A_426, %add3A : i32
    %mul3A_428 = arith.constant 512 : i32
    %mul3A_429 = arith.muli %add3A_427, %mul3A_428 : i32
    %mul3A_430 = arith.constant 128 : i32
    %mul3A_431 = arith.muli %select_n3A_30, %mul3A_430 : i32
    %add3A_432 = arith.addi %mul3A_429, %mul3A_431 : i32
    "tpu.region"() ({
      %run_scoped3A = tpu.sem_alloc : memref<!tpu.dma_semaphore, #tpu.memory_space<semaphore_mem>>
      %dma_start3A = tpu.memref_slice %arg16[%add3A_425] : memref<3584xi32, #tpu.memory_space<vmem>> -> memref<128xi32, #tpu.memory_space<vmem>>
      %dma_start3A_433 = tpu.memref_slice %arg6[%add3A_432] : memref<28672xi32, #tpu.memory_space<hbm>> -> memref<128xi32, #tpu.memory_space<hbm>>
      %dma_start3A_434 = tpu.memref_slice %arg6[%add3A_432] : memref<28672xi32, #tpu.memory_space<hbm>> -> memref<128xi32, #tpu.memory_space<hbm>>
      %dma_start3A_435 = tpu.memref_slice %arg16[%add3A_425] : memref<3584xi32, #tpu.memory_space<vmem>> -> memref<128xi32, #tpu.memory_space<vmem>>
      tpu.enqueue_dma source(%dma_start3A_435 : memref<128xi32, #tpu.memory_space<vmem>>) target(%dma_start3A_434 : memref<128xi32, #tpu.memory_space<hbm>>) target_semaphore(%run_scoped3A : memref<!tpu.dma_semaphore, #tpu.memory_space<semaphore_mem>>)
      %dma_wait3A = tpu.memref_slice %arg16[%add3A_425] : memref<3584xi32, #tpu.memory_space<vmem>> -> memref<128xi32, #tpu.memory_space<vmem>>
      %dma_wait3A_436 = tpu.memref_slice %arg6[%add3A_432] : memref<28672xi32, #tpu.memory_space<hbm>> -> memref<128xi32, #tpu.memory_space<hbm>>
      %dma_wait3A_437 = tpu.memref_slice %arg6[%add3A_432] : memref<28672xi32, #tpu.memory_space<hbm>> -> memref<128xi32, #tpu.memory_space<hbm>>
      %dma_wait3A_438 = tpu.memref_slice %arg16[%add3A_425] : memref<3584xi32, #tpu.memory_space<vmem>> -> memref<128xi32, #tpu.memory_space<vmem>>
      tpu.wait_dma2 semaphore(%run_scoped3A : memref<!tpu.dma_semaphore, #tpu.memory_space<semaphore_mem>>) src(%dma_wait3A_438 : memref<128xi32, #tpu.memory_space<vmem>>) dst(%dma_wait3A_437 : memref<128xi32, #tpu.memory_space<hbm>>)
      tpu.yield
    }) : () -> ()
    return
  }
}

module attributes {stable_mosaic.version = 14 : i64} {
  func.func @_body_a(%arg0: i32, %arg1: i32, %arg2: memref<1x4000x91xf32, #tpu.memory_space<vmem>>, %arg3: memref<1x1x1x4096xi32, #tpu.memory_space<vmem>>, %arg4: memref<1x1x1x4096xi32, #tpu.memory_space<vmem>>) attributes {dimension_semantics = [#tpu.dimension_semantics<arbitrary>, #tpu.dimension_semantics<arbitrary>], iteration_bounds = array<i64: 8, 5>, scalar_prefetch = 0 : i64, scratch_operands = 0 : i64, tpu.core_type = #tpu.core_type<tc>, window_params = [{transform_indices = @transform_0, window_bounds = array<i64: 1, 4000, 91>}, {transform_indices = @transform_1, window_bounds = array<i64: 1, 1, 1, 4096>}, {transform_indices = @transform_2, window_bounds = array<i64: 1, 1, 1, 4096>}]} {
    %get3A = arith.constant 0 : index
    %get3A_0 = arith.constant 0 : index
    %get3A_1 = arith.constant 0 : index
    %get3A_2 = vector.load %arg2[%get3A, %get3A_0, %get3A_1] : memref<1x4000x91xf32, #tpu.memory_space<vmem>>, vector<1x4000x91xf32>
    %get3A_3 = vector.shape_cast %get3A_2 : vector<1x4000x91xf32> to vector<4000x91xf32>
    %transpose3A = tpu.transpose %get3A_3, [1, 0] : vector<4000x91xf32> -> vector<91x4000xf32>
    %slice3A = vector.extract_strided_slice %transpose3A {offsets = [0, 0], sizes = [90, 4000], strides = [1, 1]} : vector<91x4000xf32> to vector<90x4000xf32>
    %reduce_max3A = arith.constant dense<0xFF800000> : vector<4000xf32>
    %reduce_max3A_4 = vector.multi_reduction <maximumf>, %slice3A, %reduce_max3A [0] : vector<90x4000xf32> to vector<4000xf32>
    %broadcast_in_dim3A = vector.shape_cast %reduce_max3A_4 : vector<4000xf32> to vector<1x4000xf32>
    %iota3A = tpu.iota {dimensions = array<i32: 0>} : vector<90x4000xi32>
    %eq3A = vector.broadcast %broadcast_in_dim3A : vector<1x4000xf32> to vector<90x4000xf32>
    %eq3A_5 = arith.cmpf oeq, %slice3A, %eq3A : vector<90x4000xf32>
    %jit3A = arith.constant 90 : i32
    %broadcast_in_dim3A_6 = vector.broadcast %jit3A : i32 to vector<90x4000xi32>
    %select_n3A = arith.select %eq3A_5, %iota3A, %broadcast_in_dim3A_6 : vector<90x4000xi1>, vector<90x4000xi32>
    %reduce_min3A = arith.constant dense<2147483647> : vector<4000xi32>
    %reduce_min3A_7 = vector.multi_reduction <minsi>, %select_n3A, %reduce_min3A [0] : vector<90x4000xi32> to vector<4000xi32>
    %broadcast_in_dim3A_8 = vector.shape_cast %reduce_min3A_7 : vector<4000xi32> to vector<1x4000xi32>
    %squeeze3A = vector.shape_cast %broadcast_in_dim3A : vector<1x4000xf32> to vector<4000xf32>
    %bitcast_convert_type3A = tpu.bitcast %squeeze3A : vector<4000xf32> -> vector<4000xi32>
    %ge3A = arith.constant 0 : i32
    %ge3A_9 = vector.broadcast %ge3A : i32 to vector<4000xi32>
    %ge3A_10 = arith.cmpi sge, %bitcast_convert_type3A, %ge3A_9 : vector<4000xi32>
    %xor3A = arith.constant 2147483647 : i32
    %xor3A_11 = vector.broadcast %xor3A : i32 to vector<4000xi32>
    %xor3A_12 = arith.xori %bitcast_convert_type3A, %xor3A_11 : vector<4000xi32>
    %select_n3A_13 = arith.select %ge3A_10, %bitcast_convert_type3A, %xor3A_12 : vector<4000xi1>, vector<4000xi32>
    %broadcast_in_dim3A_14 = arith.constant -2147483648 : i32
    %broadcast_in_dim3A_15 = vector.broadcast %broadcast_in_dim3A_14 : i32 to vector<96xi32>
    %concatenate3A = tpu.concatenate %select_n3A_13, %broadcast_in_dim3A_15 in 0 : vector<4000xi32>, vector<96xi32> -> vector<4096xi32>
    %swap3A = arith.constant 0 : index
    %swap3A_16 = arith.constant 0 : index
    %swap3A_17 = arith.constant 0 : index
    %swap3A_18 = arith.constant 0 : index
    %swap3A_19 = vector.load %arg3[%swap3A, %swap3A_16, %swap3A_17, %swap3A_18] : memref<1x1x1x4096xi32, #tpu.memory_space<vmem>>, vector<1x1x1x4096xi32>
    %swap3A_20 = vector.shape_cast %swap3A_19 : vector<1x1x1x4096xi32> to vector<4096xi32>
    %swap3A_21 = vector.shape_cast %concatenate3A : vector<4096xi32> to vector<1x1x1x4096xi32>
    tpu.vector_store %arg3[%swap3A, %swap3A_16, %swap3A_17, %swap3A_18], %swap3A_21 {strides = array<i32>} : memref<1x1x1x4096xi32, #tpu.memory_space<vmem>>, vector<1x1x1x4096xi32>,
    %squeeze3A_22 = vector.shape_cast %broadcast_in_dim3A_8 : vector<1x4000xi32> to vector<4000xi32>
    %broadcast_in_dim3A_23 = arith.constant 0 : i32
    %broadcast_in_dim3A_24 = vector.broadcast %broadcast_in_dim3A_23 : i32 to vector<96xi32>
    %concatenate3A_25 = tpu.concatenate %squeeze3A_22, %broadcast_in_dim3A_24 in 0 : vector<4000xi32>, vector<96xi32> -> vector<4096xi32>
    %swap3A_26 = arith.constant 0 : index
    %swap3A_27 = arith.constant 0 : index
    %swap3A_28 = arith.constant 0 : index
    %swap3A_29 = arith.constant 0 : index
    %swap3A_30 = vector.load %arg4[%swap3A_26, %swap3A_27, %swap3A_28, %swap3A_29] : memref<1x1x1x4096xi32, #tpu.memory_space<vmem>>, vector<1x1x1x4096xi32>
    %swap3A_31 = vector.shape_cast %swap3A_30 : vector<1x1x1x4096xi32> to vector<4096xi32>
    %swap3A_32 = vector.shape_cast %concatenate3A_25 : vector<4096xi32> to vector<1x1x1x4096xi32>
    tpu.vector_store %arg4[%swap3A_26, %swap3A_27, %swap3A_28, %swap3A_29], %swap3A_32 {strides = array<i32>} : memref<1x1x1x4096xi32, #tpu.memory_space<vmem>>, vector<1x1x1x4096xi32>,
    return
  }
  func.func @transform_0(%arg0: i32, %arg1: i32) -> (i32, i32, i32) {
    %c0_i32 = arith.constant 0 : i32
    %c0_i32_0 = arith.constant 0 : i32
    return %arg0, %arg1, %c0_i32 : i32, i32, i32
  }
  func.func @transform_1(%arg0: i32, %arg1: i32) -> (i32, i32, i32, i32) {
    %c0_i32 = arith.constant 0 : i32
    %c0_i32_0 = arith.constant 0 : i32
    %c0_i32_1 = arith.constant 0 : i32
    return %arg0, %arg1, %c0_i32, %c0_i32_0 : i32, i32, i32, i32
  }
  func.func @transform_2(%arg0: i32, %arg1: i32) -> (i32, i32, i32, i32) {
    %c0_i32 = arith.constant 0 : i32
    %c0_i32_0 = arith.constant 0 : i32
    %c0_i32_1 = arith.constant 0 : i32
    return %arg0, %arg1, %c0_i32, %c0_i32_0 : i32, i32, i32, i32
  }
}

module attributes {stable_mosaic.version = 14 : i64} {
  func.func @_body_b(%arg0: memref<8x5x4096xi32, #tpu.memory_space<vmem>>, %arg1: memref<1x8xi32, #tpu.memory_space<vmem>>, %arg2: memref<1x8xi32, #tpu.memory_space<vmem>>) attributes {dimension_semantics = [], scalar_prefetch = 0 : i64, scratch_operands = 0 : i64, tpu.core_type = #tpu.core_type<tc>} {
    %get3A = arith.constant 0 : index
    %get3A_0 = arith.constant 0 : index
    %get3A_1 = arith.constant 0 : index
    %get3A_2 = vector.load %arg0[%get3A, %get3A_0, %get3A_1] : memref<8x5x4096xi32, #tpu.memory_space<vmem>>, vector<8x5x4096xi32>
    %broadcast_in_dim3A = arith.constant 0 : i32
    %broadcast_in_dim3A_3 = vector.broadcast %broadcast_in_dim3A : i32 to vector<8xi32>
    %scan3A = arith.constant -2147483648 : i32
    %scan3A_4 = arith.constant 0 : i32
    %scan3A_5 = arith.constant 32 : i32
    %scan3A_6 = arith.addi %scan3A_4, %scan3A_5 : i32
    %scan3A_7 = arith.constant 1 : i32
    %scan3A_8 = scf.for %scan3A_24 = %scan3A_4 to %scan3A_6 step %scan3A_7 iter_args(%scan3A_25 = %broadcast_in_dim3A_3) -> (vector<8xi32>)  : i32 {
      %sub3A = arith.constant 31 : i32
      %sub3A_26 = arith.subi %sub3A, %scan3A_24 : i32
      %shift_left3A = arith.constant 1 : i32
      %shift_left3A_27 = arith.shli %shift_left3A, %sub3A_26 : i32
      %or3A = vector.broadcast %shift_left3A_27 : i32 to vector<8xi32>
      %or3A_28 = arith.ori %scan3A_25, %or3A : vector<8xi32>
      %xor3A_29 = vector.broadcast %scan3A : i32 to vector<8xi32>
      %xor3A_30 = arith.xori %or3A_28, %xor3A_29 : vector<8xi32>
      %broadcast_in_dim3A_31 = vector.shape_cast %xor3A_30 : vector<8xi32> to vector<8x1x1xi32>
      %ge3A = vector.broadcast %broadcast_in_dim3A_31 : vector<8x1x1xi32> to vector<8x5x4096xi32>
      %ge3A_32 = arith.cmpi sge, %get3A_2, %ge3A : vector<8x5x4096xi32>
      %convert_element_type3A_33 = arith.extui %ge3A_32 : vector<8x5x4096xi1> to vector<8x5x4096xi32>
      %reduce_sum3A_34 = arith.constant dense<0> : vector<8xi32>
      %reduce_sum3A_35 = vector.multi_reduction <add>, %convert_element_type3A_33, %reduce_sum3A_34 [1, 2] : vector<8x5x4096xi32> to vector<8xi32>
      %ge3A_36 = arith.constant 300 : i32
      %ge3A_37 = vector.broadcast %ge3A_36 : i32 to vector<8xi32>
      %ge3A_38 = arith.cmpi sge, %reduce_sum3A_35, %ge3A_37 : vector<8xi32>
      %select_n3A = arith.select %ge3A_38, %or3A_28, %scan3A_25 : vector<8xi1>, vector<8xi32>
      scf.yield %select_n3A : vector<8xi32>
    }
    %scan3A_9 = arith.constant 32 : i32
    %xor3A = arith.constant -2147483648 : i32
    %xor3A_10 = vector.broadcast %xor3A : i32 to vector<8xi32>
    %xor3A_11 = arith.xori %scan3A_8, %xor3A_10 : vector<8xi32>
    %broadcast_in_dim3A_12 = vector.shape_cast %xor3A_11 : vector<8xi32> to vector<8x1x1xi32>
    %gt3A = vector.broadcast %broadcast_in_dim3A_12 : vector<8x1x1xi32> to vector<8x5x4096xi32>
    %gt3A_13 = arith.cmpi sgt, %get3A_2, %gt3A : vector<8x5x4096xi32>
    %convert_element_type3A = arith.extui %gt3A_13 : vector<8x5x4096xi1> to vector<8x5x4096xi32>
    %reduce_sum3A = arith.constant dense<0> : vector<8xi32>
    %reduce_sum3A_14 = vector.multi_reduction <add>, %convert_element_type3A, %reduce_sum3A [1, 2] : vector<8x5x4096xi32> to vector<8xi32>
    %swap3A = arith.constant 0 : index
    %swap3A_15 = arith.constant 0 : index
    %swap3A_16 = vector.load %arg1[%swap3A, %swap3A_15] : memref<1x8xi32, #tpu.memory_space<vmem>>, vector<1x8xi32>
    %swap3A_17 = vector.shape_cast %swap3A_16 : vector<1x8xi32> to vector<8xi32>
    %swap3A_18 = vector.shape_cast %xor3A_11 : vector<8xi32> to vector<1x8xi32>
    tpu.vector_store %arg1[%swap3A, %swap3A_15], %swap3A_18 {strides = array<i32>} : memref<1x8xi32, #tpu.memory_space<vmem>>, vector<1x8xi32>,
    %swap3A_19 = arith.constant 0 : index
    %swap3A_20 = arith.constant 0 : index
    %swap3A_21 = vector.load %arg2[%swap3A_19, %swap3A_20] : memref<1x8xi32, #tpu.memory_space<vmem>>, vector<1x8xi32>
    %swap3A_22 = vector.shape_cast %swap3A_21 : vector<1x8xi32> to vector<8xi32>
    %swap3A_23 = vector.shape_cast %reduce_sum3A_14 : vector<8xi32> to vector<1x8xi32>
    tpu.vector_store %arg2[%swap3A_19, %swap3A_20], %swap3A_23 {strides = array<i32>} : memref<1x8xi32, #tpu.memory_space<vmem>>, vector<1x8xi32>,
    return
  }
}

module attributes {stable_mosaic.version = 14 : i64} {
  func.func @_body_d1(%arg0: i32, %arg1: memref<1x1x300xi32, #tpu.memory_space<vmem>>, %arg2: memref<1x1x300xi32, #tpu.memory_space<vmem>>, %arg3: memref<1x1x300xi32, #tpu.memory_space<vmem>>, %arg4: memref<1x1x300xf32, #tpu.memory_space<vmem>>, %arg5: memref<1x1x300xf32, #tpu.memory_space<vmem>>, %arg6: memref<1x1x300xf32, #tpu.memory_space<vmem>>, %arg7: memref<1x1x300xf32, #tpu.memory_space<vmem>>, %arg8: memref<1x1x2xi32, #tpu.memory_space<vmem>>, %arg9: memref<1x300x1xf32, #tpu.memory_space<vmem>>, %arg10: memref<1x300x4xf32, #tpu.memory_space<vmem>>, %arg11: memref<1x300x1xi32, #tpu.memory_space<vmem>>, %arg12: memref<1x1x300xi32, #tpu.memory_space<vmem>>, %arg13: memref<300x1x1x300xf32, #tpu.memory_space<vmem>>) attributes {dimension_semantics = [#tpu.dimension_semantics<arbitrary>], iteration_bounds = array<i64: 8>, scalar_prefetch = 0 : i64, scratch_operands = 0 : i64, tpu.core_type = #tpu.core_type<tc>, window_params = [{transform_indices = @transform_0, window_bounds = array<i64: 1, 1, 300>}, {transform_indices = @transform_1, window_bounds = array<i64: 1, 1, 300>}, {transform_indices = @transform_2, window_bounds = array<i64: 1, 1, 300>}, {transform_indices = @transform_3, window_bounds = array<i64: 1, 1, 300>}, {transform_indices = @transform_4, window_bounds = array<i64: 1, 1, 300>}, {transform_indices = @transform_5, window_bounds = array<i64: 1, 1, 300>}, {transform_indices = @transform_6, window_bounds = array<i64: 1, 1, 300>}, {transform_indices = @transform_7, window_bounds = array<i64: 1, 1, 2>}, {transform_indices = @transform_8, window_bounds = array<i64: 1, 300, 1>}, {transform_indices = @transform_9, window_bounds = array<i64: 1, 300, 4>}, {transform_indices = @transform_10, window_bounds = array<i64: 1, 300, 1>}, {transform_indices = @transform_11, window_bounds = array<i64: 1, 1, 300>}, {transform_indices = @transform_12, window_bounds = array<i64: 300, 1, 1, 300>}]} {
    %get3A = arith.constant 0 : index
    %get3A_0 = arith.constant 0 : index
    %get3A_1 = arith.constant 0 : index
    %get3A_2 = vector.load %arg2[%get3A, %get3A_0, %get3A_1] : memref<1x1x300xi32, #tpu.memory_space<vmem>>, vector<1x1x300xi32>
    %get3A_3 = vector.shape_cast %get3A_2 : vector<1x1x300xi32> to vector<1x300xi32>
    %get3A_4 = arith.constant 0 : index
    %get3A_5 = arith.constant 0 : index
    %get3A_6 = arith.constant 0 : index
    %get3A_7 = vector.load %arg1[%get3A_4, %get3A_5, %get3A_6] : memref<1x1x300xi32, #tpu.memory_space<vmem>>, vector<1x1x300xi32>
    %get3A_8 = vector.shape_cast %get3A_7 : vector<1x1x300xi32> to vector<1x300xi32>
    %get3A_9 = arith.constant 0 : index
    %get3A_10 = arith.constant 0 : index
    %get3A_11 = arith.constant 0 : index
    %get3A_12 = vector.load %arg3[%get3A_9, %get3A_10, %get3A_11] : memref<1x1x300xi32, #tpu.memory_space<vmem>>, vector<1x1x300xi32>
    %get3A_13 = vector.shape_cast %get3A_12 : vector<1x1x300xi32> to vector<1x300xi32>
    %convert_element_type3A = arith.sitofp %get3A_13 : vector<1x300xi32> to vector<1x300xf32>
    %transpose3A = tpu.transpose %get3A_3, [1, 0] : vector<1x300xi32> -> vector<300x1xi32>
    %transpose3A_14 = tpu.transpose %get3A_8, [1, 0] : vector<1x300xi32> -> vector<300x1xi32>
    %gt3A = vector.broadcast %get3A_3 : vector<1x300xi32> to vector<300x300xi32>
    %gt3A_15 = vector.broadcast %transpose3A : vector<300x1xi32> to vector<300x300xi32>
    %gt3A_16 = arith.cmpi sgt, %gt3A, %gt3A_15 : vector<300x300xi32>
    %eq3A = vector.broadcast %get3A_3 : vector<1x300xi32> to vector<300x300xi32>
    %eq3A_17 = vector.broadcast %transpose3A : vector<300x1xi32> to vector<300x300xi32>
    %eq3A_18 = arith.cmpi eq, %eq3A, %eq3A_17 : vector<300x300xi32>
    %lt3A = vector.broadcast %get3A_8 : vector<1x300xi32> to vector<300x300xi32>
    %lt3A_19 = vector.broadcast %transpose3A_14 : vector<300x1xi32> to vector<300x300xi32>
    %lt3A_20 = arith.cmpi slt, %lt3A, %lt3A_19 : vector<300x300xi32>
    %and3A = arith.andi %eq3A_18, %lt3A_20 : vector<300x300xi1>
    %or3A = arith.ori %gt3A_16, %and3A : vector<300x300xi1>
    %convert_element_type3A_21 = arith.extui %or3A : vector<300x300xi1> to vector<300x300xi32>
    %reduce_sum3A = arith.constant dense<0> : vector<300xi32>
    %reduce_sum3A_22 = vector.multi_reduction <add>, %convert_element_type3A_21, %reduce_sum3A [1] : vector<300x300xi32> to vector<300xi32>
    %broadcast_in_dim3A = vector.shape_cast %reduce_sum3A_22 : vector<300xi32> to vector<300x1xi32>
    %transpose3A_23 = tpu.transpose %broadcast_in_dim3A, [1, 0] : vector<300x1xi32> -> vector<1x300xi32>
    %iota3A = tpu.iota {dimensions = array<i32: 0>} : vector<300x1xi32>
    %eq3A_24 = vector.broadcast %transpose3A_23 : vector<1x300xi32> to vector<300x300xi32>
    %eq3A_25 = vector.broadcast %iota3A : vector<300x1xi32> to vector<300x300xi32>
    %eq3A_26 = arith.cmpi eq, %eq3A_24, %eq3A_25 : vector<300x300xi32>
    %ge3A = arith.constant 0 : i32
    %ge3A_27 = vector.broadcast %ge3A : i32 to vector<1x300xi32>
    %ge3A_28 = arith.cmpi sge, %get3A_3, %ge3A_27 : vector<1x300xi32>
    %xor3A = arith.constant 2147483647 : i32
    %xor3A_29 = vector.broadcast %xor3A : i32 to vector<1x300xi32>
    %xor3A_30 = arith.xori %get3A_3, %xor3A_29 : vector<1x300xi32>
    %select_n3A = arith.select %ge3A_28, %get3A_3, %xor3A_30 : vector<1x300xi1>, vector<1x300xi32>
    %bitcast_convert_type3A = tpu.bitcast %select_n3A : vector<1x300xi32> -> vector<1x300xf32>
    %jit3A = arith.constant 0.000000e+00 : f32
    %broadcast_in_dim3A_31 = vector.shape_cast %bitcast_convert_type3A : vector<1x300xf32> to vector<1x300xf32>
    %broadcast_in_dim3A_32 = vector.broadcast %broadcast_in_dim3A_31 : vector<1x300xf32> to vector<300x300xf32>
    %broadcast_in_dim3A_33 = vector.broadcast %jit3A : f32 to vector<300x300xf32>
    %select_n3A_34 = arith.select %eq3A_26, %broadcast_in_dim3A_32, %broadcast_in_dim3A_33 : vector<300x300xi1>, vector<300x300xf32>
    %reduce_sum3A_35 = arith.constant dense<0.000000e+00> : vector<300xf32>
    %reduce_sum3A_36 = vector.multi_reduction <add>, %select_n3A_34, %reduce_sum3A_35 [1] : vector<300x300xf32> to vector<300xf32>
    %broadcast_in_dim3A_37 = vector.shape_cast %reduce_sum3A_36 : vector<300xf32> to vector<300x1xf32>
    %logistic3A = arith.negf %broadcast_in_dim3A_37 : vector<300x1xf32>
    %logistic3A_38 = math.exp %logistic3A : vector<300x1xf32>
    %logistic3A_39 = arith.constant 1.000000e+00 : f32
    %logistic3A_40 = vector.broadcast %logistic3A_39 : f32 to vector<300x1xf32>
    %logistic3A_41 = arith.addf %logistic3A_40, %logistic3A_38 : vector<300x1xf32>
    %logistic3A_42 = arith.divf %logistic3A_40, %logistic3A_41 : vector<300x1xf32>
    %jit3A_43 = arith.constant 0.000000e+00 : f32
    %broadcast_in_dim3A_44 = vector.shape_cast %convert_element_type3A : vector<1x300xf32> to vector<1x300xf32>
    %broadcast_in_dim3A_45 = vector.broadcast %broadcast_in_dim3A_44 : vector<1x300xf32> to vector<300x300xf32>
    %broadcast_in_dim3A_46 = vector.broadcast %jit3A_43 : f32 to vector<300x300xf32>
    %select_n3A_47 = arith.select %eq3A_26, %broadcast_in_dim3A_45, %broadcast_in_dim3A_46 : vector<300x300xi1>, vector<300x300xf32>
    %reduce_sum3A_48 = arith.constant dense<0.000000e+00> : vector<300xf32>
    %reduce_sum3A_49 = vector.multi_reduction <add>, %select_n3A_47, %reduce_sum3A_48 [1] : vector<300x300xf32> to vector<300xf32>
    %broadcast_in_dim3A_50 = vector.shape_cast %reduce_sum3A_49 : vector<300xf32> to vector<300x1xf32>
    %get3A_51 = arith.constant 0 : index
    %get3A_52 = arith.constant 0 : index
    %get3A_53 = arith.constant 0 : index
    %get3A_54 = vector.load %arg4[%get3A_51, %get3A_52, %get3A_53] : memref<1x1x300xf32, #tpu.memory_space<vmem>>, vector<1x1x300xf32>
    %get3A_55 = vector.shape_cast %get3A_54 : vector<1x1x300xf32> to vector<1x300xf32>
    %jit3A_56 = arith.constant 0.000000e+00 : f32
    %broadcast_in_dim3A_57 = vector.shape_cast %get3A_55 : vector<1x300xf32> to vector<1x300xf32>
    %broadcast_in_dim3A_58 = vector.broadcast %broadcast_in_dim3A_57 : vector<1x300xf32> to vector<300x300xf32>
    %broadcast_in_dim3A_59 = vector.broadcast %jit3A_56 : f32 to vector<300x300xf32>
    %select_n3A_60 = arith.select %eq3A_26, %broadcast_in_dim3A_58, %broadcast_in_dim3A_59 : vector<300x300xi1>, vector<300x300xf32>
    %reduce_sum3A_61 = arith.constant dense<0.000000e+00> : vector<300xf32>
    %reduce_sum3A_62 = vector.multi_reduction <add>, %select_n3A_60, %reduce_sum3A_61 [1] : vector<300x300xf32> to vector<300xf32>
    %broadcast_in_dim3A_63 = vector.shape_cast %reduce_sum3A_62 : vector<300xf32> to vector<300x1xf32>
    %get3A_64 = arith.constant 0 : index
    %get3A_65 = arith.constant 0 : index
    %get3A_66 = arith.constant 0 : index
    %get3A_67 = vector.load %arg5[%get3A_64, %get3A_65, %get3A_66] : memref<1x1x300xf32, #tpu.memory_space<vmem>>, vector<1x1x300xf32>
    %get3A_68 = vector.shape_cast %get3A_67 : vector<1x1x300xf32> to vector<1x300xf32>
    %jit3A_69 = arith.constant 0.000000e+00 : f32
    %broadcast_in_dim3A_70 = vector.shape_cast %get3A_68 : vector<1x300xf32> to vector<1x300xf32>
    %broadcast_in_dim3A_71 = vector.broadcast %broadcast_in_dim3A_70 : vector<1x300xf32> to vector<300x300xf32>
    %broadcast_in_dim3A_72 = vector.broadcast %jit3A_69 : f32 to vector<300x300xf32>
    %select_n3A_73 = arith.select %eq3A_26, %broadcast_in_dim3A_71, %broadcast_in_dim3A_72 : vector<300x300xi1>, vector<300x300xf32>
    %reduce_sum3A_74 = arith.constant dense<0.000000e+00> : vector<300xf32>
    %reduce_sum3A_75 = vector.multi_reduction <add>, %select_n3A_73, %reduce_sum3A_74 [1] : vector<300x300xf32> to vector<300xf32>
    %broadcast_in_dim3A_76 = vector.shape_cast %reduce_sum3A_75 : vector<300xf32> to vector<300x1xf32>
    %get3A_77 = arith.constant 0 : index
    %get3A_78 = arith.constant 0 : index
    %get3A_79 = arith.constant 0 : index
    %get3A_80 = vector.load %arg6[%get3A_77, %get3A_78, %get3A_79] : memref<1x1x300xf32, #tpu.memory_space<vmem>>, vector<1x1x300xf32>
    %get3A_81 = vector.shape_cast %get3A_80 : vector<1x1x300xf32> to vector<1x300xf32>
    %jit3A_82 = arith.constant 0.000000e+00 : f32
    %broadcast_in_dim3A_83 = vector.shape_cast %get3A_81 : vector<1x300xf32> to vector<1x300xf32>
    %broadcast_in_dim3A_84 = vector.broadcast %broadcast_in_dim3A_83 : vector<1x300xf32> to vector<300x300xf32>
    %broadcast_in_dim3A_85 = vector.broadcast %jit3A_82 : f32 to vector<300x300xf32>
    %select_n3A_86 = arith.select %eq3A_26, %broadcast_in_dim3A_84, %broadcast_in_dim3A_85 : vector<300x300xi1>, vector<300x300xf32>
    %reduce_sum3A_87 = arith.constant dense<0.000000e+00> : vector<300xf32>
    %reduce_sum3A_88 = vector.multi_reduction <add>, %select_n3A_86, %reduce_sum3A_87 [1] : vector<300x300xf32> to vector<300xf32>
    %broadcast_in_dim3A_89 = vector.shape_cast %reduce_sum3A_88 : vector<300xf32> to vector<300x1xf32>
    %get3A_90 = arith.constant 0 : index
    %get3A_91 = arith.constant 0 : index
    %get3A_92 = arith.constant 0 : index
    %get3A_93 = vector.load %arg7[%get3A_90, %get3A_91, %get3A_92] : memref<1x1x300xf32, #tpu.memory_space<vmem>>, vector<1x1x300xf32>
    %get3A_94 = vector.shape_cast %get3A_93 : vector<1x1x300xf32> to vector<1x300xf32>
    %jit3A_95 = arith.constant 0.000000e+00 : f32
    %broadcast_in_dim3A_96 = vector.shape_cast %get3A_94 : vector<1x300xf32> to vector<1x300xf32>
    %broadcast_in_dim3A_97 = vector.broadcast %broadcast_in_dim3A_96 : vector<1x300xf32> to vector<300x300xf32>
    %broadcast_in_dim3A_98 = vector.broadcast %jit3A_95 : f32 to vector<300x300xf32>
    %select_n3A_99 = arith.select %eq3A_26, %broadcast_in_dim3A_97, %broadcast_in_dim3A_98 : vector<300x300xi1>, vector<300x300xf32>
    %reduce_sum3A_100 = arith.constant dense<0.000000e+00> : vector<300xf32>
    %reduce_sum3A_101 = vector.multi_reduction <add>, %select_n3A_99, %reduce_sum3A_100 [1] : vector<300x300xf32> to vector<300xf32>
    %broadcast_in_dim3A_102 = vector.shape_cast %reduce_sum3A_101 : vector<300xf32> to vector<300x1xf32>
    %mul3A = arith.constant 5.000000e-01 : f32
    %mul3A_103 = vector.broadcast %mul3A : f32 to vector<300x1xf32>
    %mul3A_104 = arith.mulf %broadcast_in_dim3A_89, %mul3A_103 : vector<300x1xf32>
    %sub3A = arith.subf %broadcast_in_dim3A_63, %mul3A_104 : vector<300x1xf32>
    %mul3A_105 = arith.constant 5.000000e-01 : f32
    %mul3A_106 = vector.broadcast %mul3A_105 : f32 to vector<300x1xf32>
    %mul3A_107 = arith.mulf %broadcast_in_dim3A_102, %mul3A_106 : vector<300x1xf32>
    %sub3A_108 = arith.subf %broadcast_in_dim3A_76, %mul3A_107 : vector<300x1xf32>
    %mul3A_109 = arith.constant 5.000000e-01 : f32
    %mul3A_110 = vector.broadcast %mul3A_109 : f32 to vector<300x1xf32>
    %mul3A_111 = arith.mulf %broadcast_in_dim3A_89, %mul3A_110 : vector<300x1xf32>
    %add3A = arith.addf %broadcast_in_dim3A_63, %mul3A_111 : vector<300x1xf32>
    %mul3A_112 = arith.constant 5.000000e-01 : f32
    %mul3A_113 = vector.broadcast %mul3A_112 : f32 to vector<300x1xf32>
    %mul3A_114 = arith.mulf %broadcast_in_dim3A_102, %mul3A_113 : vector<300x1xf32>
    %add3A_115 = arith.addf %broadcast_in_dim3A_76, %mul3A_114 : vector<300x1xf32>
    %get3A_116 = arith.constant 0 : index
    %get3A_117 = arith.constant 0 : index
    %get3A_118 = arith.constant 0 : index
    %get3A_119 = vector.load %arg8[%get3A_116, %get3A_117, %get3A_118] : memref<1x1x2xi32, #tpu.memory_space<vmem>>, vector<1x1x2xi32>
    %get3A_120 = vector.shape_cast %get3A_119 : vector<1x1x2xi32> to vector<1x2xi32>
    %convert_element_type3A_121 = arith.sitofp %get3A_120 : vector<1x2xi32> to vector<1x2xf32>
    %slice3A = vector.extract_strided_slice %convert_element_type3A_121 {offsets = [0, 0], sizes = [1, 1], strides = [1, 1]} : vector<1x2xf32> to vector<1x1xf32>
    %slice3A_122 = vector.extract_strided_slice %convert_element_type3A_121 {offsets = [0, 1], sizes = [1, 1], strides = [1, 1]} : vector<1x2xf32> to vector<1x1xf32>
    %mul3A_123 = vector.broadcast %slice3A_122 : vector<1x1xf32> to vector<300x1xf32>
    %mul3A_124 = arith.mulf %sub3A, %mul3A_123 : vector<300x1xf32>
    %jit3A_125 = arith.constant 0.000000e+00 : f32
    %max3A = vector.broadcast %jit3A_125 : f32 to vector<300x1xf32>
    %max3A_126 = arith.maximumf %max3A, %mul3A_124 : vector<300x1xf32>
    %min3A = vector.broadcast %slice3A_122 : vector<1x1xf32> to vector<300x1xf32>
    %min3A_127 = arith.minimumf %min3A, %max3A_126 : vector<300x1xf32>
    %mul3A_128 = vector.broadcast %slice3A : vector<1x1xf32> to vector<300x1xf32>
    %mul3A_129 = arith.mulf %sub3A_108, %mul3A_128 : vector<300x1xf32>
    %jit3A_130 = arith.constant 0.000000e+00 : f32
    %max3A_131 = vector.broadcast %jit3A_130 : f32 to vector<300x1xf32>
    %max3A_132 = arith.maximumf %max3A_131, %mul3A_129 : vector<300x1xf32>
    %min3A_133 = vector.broadcast %slice3A : vector<1x1xf32> to vector<300x1xf32>
    %min3A_134 = arith.minimumf %min3A_133, %max3A_132 : vector<300x1xf32>
    %mul3A_135 = vector.broadcast %slice3A_122 : vector<1x1xf32> to vector<300x1xf32>
    %mul3A_136 = arith.mulf %add3A, %mul3A_135 : vector<300x1xf32>
    %jit3A_137 = arith.constant 0.000000e+00 : f32
    %max3A_138 = vector.broadcast %jit3A_137 : f32 to vector<300x1xf32>
    %max3A_139 = arith.maximumf %max3A_138, %mul3A_136 : vector<300x1xf32>
    %min3A_140 = vector.broadcast %slice3A_122 : vector<1x1xf32> to vector<300x1xf32>
    %min3A_141 = arith.minimumf %min3A_140, %max3A_139 : vector<300x1xf32>
    %mul3A_142 = vector.broadcast %slice3A : vector<1x1xf32> to vector<300x1xf32>
    %mul3A_143 = arith.mulf %add3A_115, %mul3A_142 : vector<300x1xf32>
    %jit3A_144 = arith.constant 0.000000e+00 : f32
    %max3A_145 = vector.broadcast %jit3A_144 : f32 to vector<300x1xf32>
    %max3A_146 = arith.maximumf %max3A_145, %mul3A_143 : vector<300x1xf32>
    %min3A_147 = vector.broadcast %slice3A : vector<1x1xf32> to vector<300x1xf32>
    %min3A_148 = arith.minimumf %min3A_147, %max3A_146 : vector<300x1xf32>
    %gt3A_149 = arith.constant 5.000000e-02 : f32
    %gt3A_150 = vector.broadcast %gt3A_149 : f32 to vector<300x1xf32>
    %gt3A_151 = arith.cmpf ogt, %logistic3A_42, %gt3A_150 : vector<300x1xf32>
    %gt3A_152 = arith.cmpf ogt, %min3A_141, %min3A_127 : vector<300x1xf32>
    %and3A_153 = arith.andi %gt3A_151, %gt3A_152 : vector<300x1xi1>
    %gt3A_154 = arith.cmpf ogt, %min3A_148, %min3A_134 : vector<300x1xf32>
    %and3A_155 = arith.andi %and3A_153, %gt3A_154 : vector<300x1xi1>
    %max3A_156 = arith.maximumf %min3A_127, %min3A_134 : vector<300x1xf32>
    %max3A_157 = arith.maximumf %min3A_141, %min3A_148 : vector<300x1xf32>
    %max3A_158 = arith.maximumf %max3A_156, %max3A_157 : vector<300x1xf32>
    %reduce_max3A = vector.shape_cast %max3A_158 : vector<300x1xf32> to vector<1x300x1xf32>
    %reduce_max3A_159 = arith.constant dense<0xFF800000> : vector<1xf32>
    %reduce_max3A_160 = vector.multi_reduction <maximumf>, %reduce_max3A, %reduce_max3A_159 [1, 2] : vector<1x300x1xf32> to vector<1xf32>
    %reduce_max3A_161 = vector.shape_cast %reduce_max3A_160 : vector<1xf32> to vector<1x1x1xf32>
    %reduce_max3A_162 = vector.extract %reduce_max3A_161[0, 0, 0] : f32 from vector<1x1x1xf32>
    %broadcast_in_dim3A_163 = vector.broadcast %reduce_max3A_162 : f32 to vector<1x1xf32>
    %add3A_164 = arith.constant 1.000000e+00 : f32
    %add3A_165 = vector.broadcast %add3A_164 : f32 to vector<1x1xf32>
    %add3A_166 = arith.addf %broadcast_in_dim3A_163, %add3A_165 : vector<1x1xf32>
    %mul3A_167 = vector.broadcast %add3A_166 : vector<1x1xf32> to vector<300x1xf32>
    %mul3A_168 = arith.mulf %broadcast_in_dim3A_50, %mul3A_167 : vector<300x1xf32>
    %add3A_169 = arith.addf %min3A_127, %mul3A_168 : vector<300x1xf32>
    %add3A_170 = arith.addf %min3A_134, %mul3A_168 : vector<300x1xf32>
    %add3A_171 = arith.addf %min3A_141, %mul3A_168 : vector<300x1xf32>
    %add3A_172 = arith.addf %min3A_148, %mul3A_168 : vector<300x1xf32>
    %sub3A_173 = arith.subf %add3A_171, %add3A_169 : vector<300x1xf32>
    %sub3A_174 = arith.subf %add3A_172, %add3A_170 : vector<300x1xf32>
    %mul3A_175 = arith.mulf %sub3A_173, %sub3A_174 : vector<300x1xf32>
    %transpose3A_176 = tpu.transpose %add3A_169, [1, 0] : vector<300x1xf32> -> vector<1x300xf32>
    %transpose3A_177 = tpu.transpose %add3A_170, [1, 0] : vector<300x1xf32> -> vector<1x300xf32>
    %transpose3A_178 = tpu.transpose %add3A_171, [1, 0] : vector<300x1xf32> -> vector<1x300xf32>
    %transpose3A_179 = tpu.transpose %add3A_172, [1, 0] : vector<300x1xf32> -> vector<1x300xf32>
    %max3A_180 = vector.broadcast %add3A_169 : vector<300x1xf32> to vector<300x300xf32>
    %max3A_181 = vector.broadcast %transpose3A_176 : vector<1x300xf32> to vector<300x300xf32>
    %max3A_182 = arith.maximumf %max3A_180, %max3A_181 : vector<300x300xf32>
    %max3A_183 = vector.broadcast %add3A_170 : vector<300x1xf32> to vector<300x300xf32>
    %max3A_184 = vector.broadcast %transpose3A_177 : vector<1x300xf32> to vector<300x300xf32>
    %max3A_185 = arith.maximumf %max3A_183, %max3A_184 : vector<300x300xf32>
    %min3A_186 = vector.broadcast %add3A_171 : vector<300x1xf32> to vector<300x300xf32>
    %min3A_187 = vector.broadcast %transpose3A_178 : vector<1x300xf32> to vector<300x300xf32>
    %min3A_188 = arith.minimumf %min3A_186, %min3A_187 : vector<300x300xf32>
    %min3A_189 = vector.broadcast %add3A_172 : vector<300x1xf32> to vector<300x300xf32>
    %min3A_190 = vector.broadcast %transpose3A_179 : vector<1x300xf32> to vector<300x300xf32>
    %min3A_191 = arith.minimumf %min3A_189, %min3A_190 : vector<300x300xf32>
    %sub3A_192 = arith.subf %min3A_188, %max3A_182 : vector<300x300xf32>
    %max3A_193 = arith.constant 0.000000e+00 : f32
    %max3A_194 = vector.broadcast %max3A_193 : f32 to vector<300x300xf32>
    %max3A_195 = arith.maximumf %sub3A_192, %max3A_194 : vector<300x300xf32>
    %sub3A_196 = arith.subf %min3A_191, %max3A_185 : vector<300x300xf32>
    %max3A_197 = arith.constant 0.000000e+00 : f32
    %max3A_198 = vector.broadcast %max3A_197 : f32 to vector<300x300xf32>
    %max3A_199 = arith.maximumf %sub3A_196, %max3A_198 : vector<300x300xf32>
    %mul3A_200 = arith.mulf %max3A_195, %max3A_199 : vector<300x300xf32>
    %transpose3A_201 = tpu.transpose %mul3A_175, [1, 0] : vector<300x1xf32> -> vector<1x300xf32>
    %add3A_202 = vector.broadcast %mul3A_175 : vector<300x1xf32> to vector<300x300xf32>
    %add3A_203 = vector.broadcast %transpose3A_201 : vector<1x300xf32> to vector<300x300xf32>
    %add3A_204 = arith.addf %add3A_202, %add3A_203 : vector<300x300xf32>
    %sub3A_205 = arith.subf %add3A_204, %mul3A_200 : vector<300x300xf32>
    %add3A_206 = arith.constant 9.99999971E-10 : f32
    %add3A_207 = vector.broadcast %add3A_206 : f32 to vector<300x300xf32>
    %add3A_208 = arith.addf %sub3A_205, %add3A_207 : vector<300x300xf32>
    %div3A = arith.divf %mul3A_200, %add3A_208 : vector<300x300xf32>
    %swap3A = arith.constant 0 : index
    %swap3A_209 = arith.constant 0 : index
    %swap3A_210 = arith.constant 0 : index
    %swap3A_211 = vector.load %arg9[%swap3A, %swap3A_209, %swap3A_210] : memref<1x300x1xf32, #tpu.memory_space<vmem>>, vector<1x300x1xf32>
    %swap3A_212 = vector.shape_cast %swap3A_211 : vector<1x300x1xf32> to vector<300x1xf32>
    %swap3A_213 = vector.shape_cast %logistic3A_42 : vector<300x1xf32> to vector<1x300x1xf32>
    tpu.vector_store %arg9[%swap3A, %swap3A_209, %swap3A_210], %swap3A_213 {strides = array<i32>} : memref<1x300x1xf32, #tpu.memory_space<vmem>>, vector<1x300x1xf32>,
    %convert_element_type3A_214 = arith.fptosi %broadcast_in_dim3A_50 : vector<300x1xf32> to vector<300x1xi32>
    %add3A_215 = arith.constant 1 : i32
    %add3A_216 = vector.broadcast %add3A_215 : i32 to vector<300x1xi32>
    %add3A_217 = arith.addi %convert_element_type3A_214, %add3A_216 : vector<300x1xi32>
    %swap3A_218 = arith.constant 0 : index
    %swap3A_219 = arith.constant 0 : index
    %swap3A_220 = arith.constant 0 : index
    %swap3A_221 = vector.load %arg11[%swap3A_218, %swap3A_219, %swap3A_220] : memref<1x300x1xi32, #tpu.memory_space<vmem>>, vector<1x300x1xi32>
    %swap3A_222 = vector.shape_cast %swap3A_221 : vector<1x300x1xi32> to vector<300x1xi32>
    %swap3A_223 = vector.shape_cast %add3A_217 : vector<300x1xi32> to vector<1x300x1xi32>
    tpu.vector_store %arg11[%swap3A_218, %swap3A_219, %swap3A_220], %swap3A_223 {strides = array<i32>} : memref<1x300x1xi32, #tpu.memory_space<vmem>>, vector<1x300x1xi32>,
    %concatenate3A = tpu.concatenate %min3A_127, %min3A_134, %min3A_141, %min3A_148 in 1 : vector<300x1xf32>, vector<300x1xf32>, vector<300x1xf32>, vector<300x1xf32> -> vector<300x4xf32>
    %swap3A_224 = arith.constant 0 : index
    %swap3A_225 = arith.constant 0 : index
    %swap3A_226 = arith.constant 0 : index
    %swap3A_227 = vector.load %arg10[%swap3A_224, %swap3A_225, %swap3A_226] : memref<1x300x4xf32, #tpu.memory_space<vmem>>, vector<1x300x4xf32>
    %swap3A_228 = vector.shape_cast %swap3A_227 : vector<1x300x4xf32> to vector<300x4xf32>
    %swap3A_229 = vector.shape_cast %concatenate3A : vector<300x4xf32> to vector<1x300x4xf32>
    tpu.vector_store %arg10[%swap3A_224, %swap3A_225, %swap3A_226], %swap3A_229 {strides = array<i32>} : memref<1x300x4xf32, #tpu.memory_space<vmem>>, vector<1x300x4xf32>,
    %transpose3A_230 = tpu.transpose %and3A_155, [1, 0] : vector<300x1xi1> -> vector<1x300xi1>
    %swap3A_231 = arith.constant 0 : index
    %swap3A_232 = arith.constant 0 : index
    %swap3A_233 = arith.constant 0 : index
    %swap3A_234 = vector.load %arg12[%swap3A_231, %swap3A_232, %swap3A_233] : memref<1x1x300xi32, #tpu.memory_space<vmem>>, vector<1x1x300xi32>
    %swap3A_235 = arith.extui %transpose3A_230 : vector<1x300xi1> to vector<1x300xi32>
    %swap3A_236 = vector.shape_cast %swap3A_234 : vector<1x1x300xi32> to vector<1x300xi32>
    %swap3A_237 = vector.shape_cast %swap3A_235 : vector<1x300xi32> to vector<1x1x300xi32>
    %swap3A_238 = arith.constant dense<0> : vector<1x300xi32>
    %swap3A_239 = arith.cmpi ne, %swap3A_236, %swap3A_238 : vector<1x300xi32>
    tpu.vector_store %arg12[%swap3A_231, %swap3A_232, %swap3A_233], %swap3A_237 {strides = array<i32>} : memref<1x1x300xi32, #tpu.memory_space<vmem>>, vector<1x1x300xi32>,
    %reshape3A = vector.shape_cast %div3A : vector<300x300xf32> to vector<300x1x1x300xf32>
    %swap3A_240 = arith.constant 0 : index
    %swap3A_241 = arith.constant 0 : index
    %swap3A_242 = arith.constant 0 : index
    %swap3A_243 = arith.constant 0 : index
    %swap3A_244 = vector.load %arg13[%swap3A_240, %swap3A_241, %swap3A_242, %swap3A_243] : memref<300x1x1x300xf32, #tpu.memory_space<vmem>>, vector<300x1x1x300xf32>
    tpu.vector_store %arg13[%swap3A_240, %swap3A_241, %swap3A_242, %swap3A_243], %reshape3A {strides = array<i32>} : memref<300x1x1x300xf32, #tpu.memory_space<vmem>>, vector<300x1x1x300xf32>,
    return
  }
  func.func @transform_0(%arg0: i32) -> (i32, i32, i32) {
    %c0_i32 = arith.constant 0 : i32
    %c0_i32_0 = arith.constant 0 : i32
    %c0_i32_1 = arith.constant 0 : i32
    return %arg0, %c0_i32, %c0_i32_0 : i32, i32, i32
  }
  func.func @transform_1(%arg0: i32) -> (i32, i32, i32) {
    %c0_i32 = arith.constant 0 : i32
    %c0_i32_0 = arith.constant 0 : i32
    %c0_i32_1 = arith.constant 0 : i32
    return %arg0, %c0_i32, %c0_i32_0 : i32, i32, i32
  }
  func.func @transform_2(%arg0: i32) -> (i32, i32, i32) {
    %c0_i32 = arith.constant 0 : i32
    %c0_i32_0 = arith.constant 0 : i32
    %c0_i32_1 = arith.constant 0 : i32
    return %arg0, %c0_i32, %c0_i32_0 : i32, i32, i32
  }
  func.func @transform_3(%arg0: i32) -> (i32, i32, i32) {
    %c0_i32 = arith.constant 0 : i32
    %c0_i32_0 = arith.constant 0 : i32
    %c0_i32_1 = arith.constant 0 : i32
    return %arg0, %c0_i32, %c0_i32_0 : i32, i32, i32
  }
  func.func @transform_4(%arg0: i32) -> (i32, i32, i32) {
    %c0_i32 = arith.constant 0 : i32
    %c0_i32_0 = arith.constant 0 : i32
    %c0_i32_1 = arith.constant 0 : i32
    return %arg0, %c0_i32, %c0_i32_0 : i32, i32, i32
  }
  func.func @transform_5(%arg0: i32) -> (i32, i32, i32) {
    %c0_i32 = arith.constant 0 : i32
    %c0_i32_0 = arith.constant 0 : i32
    %c0_i32_1 = arith.constant 0 : i32
    return %arg0, %c0_i32, %c0_i32_0 : i32, i32, i32
  }
  func.func @transform_6(%arg0: i32) -> (i32, i32, i32) {
    %c0_i32 = arith.constant 0 : i32
    %c0_i32_0 = arith.constant 0 : i32
    %c0_i32_1 = arith.constant 0 : i32
    return %arg0, %c0_i32, %c0_i32_0 : i32, i32, i32
  }
  func.func @transform_7(%arg0: i32) -> (i32, i32, i32) {
    %c0_i32 = arith.constant 0 : i32
    %c0_i32_0 = arith.constant 0 : i32
    %c0_i32_1 = arith.constant 0 : i32
    return %arg0, %c0_i32, %c0_i32_0 : i32, i32, i32
  }
  func.func @transform_8(%arg0: i32) -> (i32, i32, i32) {
    %c0_i32 = arith.constant 0 : i32
    %c0_i32_0 = arith.constant 0 : i32
    %c0_i32_1 = arith.constant 0 : i32
    return %arg0, %c0_i32, %c0_i32_0 : i32, i32, i32
  }
  func.func @transform_9(%arg0: i32) -> (i32, i32, i32) {
    %c0_i32 = arith.constant 0 : i32
    %c0_i32_0 = arith.constant 0 : i32
    %c0_i32_1 = arith.constant 0 : i32
    return %arg0, %c0_i32, %c0_i32_0 : i32, i32, i32
  }
  func.func @transform_10(%arg0: i32) -> (i32, i32, i32) {
    %c0_i32 = arith.constant 0 : i32
    %c0_i32_0 = arith.constant 0 : i32
    %c0_i32_1 = arith.constant 0 : i32
    return %arg0, %c0_i32, %c0_i32_0 : i32, i32, i32
  }
  func.func @transform_11(%arg0: i32) -> (i32, i32, i32) {
    %c0_i32 = arith.constant 0 : i32
    %c0_i32_0 = arith.constant 0 : i32
    %c0_i32_1 = arith.constant 0 : i32
    return %arg0, %c0_i32, %c0_i32_0 : i32, i32, i32
  }
  func.func @transform_12(%arg0: i32) -> (i32, i32, i32, i32) {
    %c0_i32 = arith.constant 0 : i32
    %c0_i32_0 = arith.constant 0 : i32
    %c0_i32_1 = arith.constant 0 : i32
    %c0_i32_2 = arith.constant 0 : i32
    return %c0_i32, %arg0, %c0_i32_0, %c0_i32_1 : i32, i32, i32, i32
  }
}

module attributes {stable_mosaic.version = 14 : i64} {
  func.func @_body_d2(%arg0: memref<8x1x300xi32, #tpu.memory_space<vmem>>, %arg1: memref<300x8x1x300xf32, #tpu.memory_space<vmem>>, %arg2: memref<8x300xi32, #tpu.memory_space<vmem>>) attributes {dimension_semantics = [], scalar_prefetch = 0 : i64, scratch_operands = 0 : i64, tpu.core_type = #tpu.core_type<tc>} {
    %get3A = arith.constant 0 : index
    %get3A_0 = arith.constant 0 : index
    %get3A_1 = arith.constant 0 : index
    %get3A_2 = vector.load %arg0[%get3A, %get3A_0, %get3A_1] : memref<8x1x300xi32, #tpu.memory_space<vmem>>, vector<8x1x300xi32>
    %get3A_3 = vector.shape_cast %get3A_2 : vector<8x1x300xi32> to vector<8x300xi32>
    %get3A_4 = arith.constant dense<0> : vector<8x300xi32>
    %get3A_5 = arith.cmpi ne, %get3A_3, %get3A_4 : vector<8x300xi32>
    %iota3A = tpu.iota {dimensions = array<i32: 1>} : vector<1x300xi32>
    %broadcast_in_dim3A = arith.constant 0 : i32
    %broadcast_in_dim3A_6 = vector.broadcast %broadcast_in_dim3A : i32 to vector<8x300xi32>
    %scan3A = arith.constant 0 : i32
    %scan3A_7 = arith.constant 300 : i32
    %scan3A_8 = arith.addi %scan3A, %scan3A_7 : i32
    %scan3A_9 = arith.constant 4 : i32
    %scan3A_10 = scf.for %scan3A_19 = %scan3A to %scan3A_8 step %scan3A_9 iter_args(%scan3A_20 = %broadcast_in_dim3A_6) -> (vector<8x300xi32>)  : i32 {
      %eq3A_21 = vector.broadcast %scan3A_19 : i32 to vector<1x300xi32>
      %eq3A_22 = arith.cmpi eq, %iota3A, %eq3A_21 : vector<1x300xi32>
      %jit3A = arith.constant 0 : i32
      %broadcast_in_dim3A_23 = vector.shape_cast %eq3A_22 : vector<1x300xi1> to vector<1x300xi1>
      %broadcast_in_dim3A_24 = vector.broadcast %broadcast_in_dim3A_23 : vector<1x300xi1> to vector<8x300xi1>
      %broadcast_in_dim3A_25 = vector.broadcast %jit3A : i32 to vector<8x300xi32>
      %select_n3A = arith.select %broadcast_in_dim3A_24, %scan3A_20, %broadcast_in_dim3A_25 : vector<8x300xi1>, vector<8x300xi32>
      %reduce_sum3A = arith.constant dense<0> : vector<8xi32>
      %reduce_sum3A_26 = vector.multi_reduction <add>, %select_n3A, %reduce_sum3A [1] : vector<8x300xi32> to vector<8xi32>
      %broadcast_in_dim3A_27 = vector.shape_cast %reduce_sum3A_26 : vector<8xi32> to vector<8x1xi32>
      %eq3A_28 = vector.broadcast %scan3A_19 : i32 to vector<1x300xi32>
      %eq3A_29 = arith.cmpi eq, %iota3A, %eq3A_28 : vector<1x300xi32>
      %convert_element_type3A = arith.extui %get3A_5 : vector<8x300xi1> to vector<8x300xi32>
      %jit3A_30 = arith.constant 0 : i32
      %broadcast_in_dim3A_31 = vector.shape_cast %eq3A_29 : vector<1x300xi1> to vector<1x300xi1>
      %broadcast_in_dim3A_32 = vector.broadcast %broadcast_in_dim3A_31 : vector<1x300xi1> to vector<8x300xi1>
      %broadcast_in_dim3A_33 = vector.broadcast %jit3A_30 : i32 to vector<8x300xi32>
      %select_n3A_34 = arith.select %broadcast_in_dim3A_32, %convert_element_type3A, %broadcast_in_dim3A_33 : vector<8x300xi1>, vector<8x300xi32>
      %reduce_sum3A_35 = arith.constant dense<0> : vector<8xi32>
      %reduce_sum3A_36 = vector.multi_reduction <add>, %select_n3A_34, %reduce_sum3A_35 [1] : vector<8x300xi32> to vector<8xi32>
      %broadcast_in_dim3A_37 = vector.shape_cast %reduce_sum3A_36 : vector<8xi32> to vector<8x1xi32>
      %gt3A = arith.constant 0 : i32
      %gt3A_38 = vector.broadcast %gt3A : i32 to vector<8x1xi32>
      %gt3A_39 = arith.cmpi sgt, %broadcast_in_dim3A_37, %gt3A_38 : vector<8x1xi32>
      %eq3A_40 = arith.constant 0 : i32
      %eq3A_41 = vector.broadcast %eq3A_40 : i32 to vector<8x1xi32>
      %eq3A_42 = arith.cmpi eq, %broadcast_in_dim3A_27, %eq3A_41 : vector<8x1xi32>
      %and3A_43 = arith.andi %gt3A_39, %eq3A_42 : vector<8x1xi1>
      %get3A_44 = arith.index_cast %scan3A_19 : i32 to index
      %get3A_45 = arith.constant 0 : index
      %get3A_46 = arith.constant 0 : index
      %get3A_47 = arith.constant 0 : index
      %get3A_48 = vector.load %arg1[%get3A_44, %get3A_45, %get3A_46, %get3A_47] : memref<300x8x1x300xf32, #tpu.memory_space<vmem>>, vector<1x8x1x300xf32>
      %squeeze3A = vector.shape_cast %get3A_48 : vector<1x8x1x300xf32> to vector<8x300xf32>
      %gt3A_49 = arith.constant 8.500000e-01 : f32
      %gt3A_50 = vector.broadcast %gt3A_49 : f32 to vector<8x300xf32>
      %gt3A_51 = arith.cmpf ogt, %squeeze3A, %gt3A_50 : vector<8x300xf32>
      %and3A_52 = vector.broadcast %and3A_43 : vector<8x1xi1> to vector<8x300xi1>
      %and3A_53 = arith.andi %and3A_52, %gt3A_51 : vector<8x300xi1>
      %gt3A_54 = vector.broadcast %scan3A_19 : i32 to vector<1x300xi32>
      %gt3A_55 = arith.cmpi sgt, %iota3A, %gt3A_54 : vector<1x300xi32>
      %and3A_56 = vector.broadcast %gt3A_55 : vector<1x300xi1> to vector<8x300xi1>
      %and3A_57 = arith.andi %and3A_53, %and3A_56 : vector<8x300xi1>
      %convert_element_type3A_58 = arith.extui %and3A_57 : vector<8x300xi1> to vector<8x300xi32>
      %or3A = arith.ori %scan3A_20, %convert_element_type3A_58 : vector<8x300xi32>
      %scan3A_59 = arith.constant 1 : i32
      %scan3A_60 = arith.addi %scan3A_19, %scan3A_59 : i32
      %eq3A_61 = vector.broadcast %scan3A_60 : i32 to vector<1x300xi32>
      %eq3A_62 = arith.cmpi eq, %iota3A, %eq3A_61 : vector<1x300xi32>
      %jit3A_63 = arith.constant 0 : i32
      %broadcast_in_dim3A_64 = vector.shape_cast %eq3A_62 : vector<1x300xi1> to vector<1x300xi1>
      %broadcast_in_dim3A_65 = vector.broadcast %broadcast_in_dim3A_64 : vector<1x300xi1> to vector<8x300xi1>
      %broadcast_in_dim3A_66 = vector.broadcast %jit3A_63 : i32 to vector<8x300xi32>
      %select_n3A_67 = arith.select %broadcast_in_dim3A_65, %or3A, %broadcast_in_dim3A_66 : vector<8x300xi1>, vector<8x300xi32>
      %reduce_sum3A_68 = arith.constant dense<0> : vector<8xi32>
      %reduce_sum3A_69 = vector.multi_reduction <add>, %select_n3A_67, %reduce_sum3A_68 [1] : vector<8x300xi32> to vector<8xi32>
      %broadcast_in_dim3A_70 = vector.shape_cast %reduce_sum3A_69 : vector<8xi32> to vector<8x1xi32>
      %eq3A_71 = vector.broadcast %scan3A_60 : i32 to vector<1x300xi32>
      %eq3A_72 = arith.cmpi eq, %iota3A, %eq3A_71 : vector<1x300xi32>
      %convert_element_type3A_73 = arith.extui %get3A_5 : vector<8x300xi1> to vector<8x300xi32>
      %jit3A_74 = arith.constant 0 : i32
      %broadcast_in_dim3A_75 = vector.shape_cast %eq3A_72 : vector<1x300xi1> to vector<1x300xi1>
      %broadcast_in_dim3A_76 = vector.broadcast %broadcast_in_dim3A_75 : vector<1x300xi1> to vector<8x300xi1>
      %broadcast_in_dim3A_77 = vector.broadcast %jit3A_74 : i32 to vector<8x300xi32>
      %select_n3A_78 = arith.select %broadcast_in_dim3A_76, %convert_element_type3A_73, %broadcast_in_dim3A_77 : vector<8x300xi1>, vector<8x300xi32>
      %reduce_sum3A_79 = arith.constant dense<0> : vector<8xi32>
      %reduce_sum3A_80 = vector.multi_reduction <add>, %select_n3A_78, %reduce_sum3A_79 [1] : vector<8x300xi32> to vector<8xi32>
      %broadcast_in_dim3A_81 = vector.shape_cast %reduce_sum3A_80 : vector<8xi32> to vector<8x1xi32>
      %gt3A_82 = arith.constant 0 : i32
      %gt3A_83 = vector.broadcast %gt3A_82 : i32 to vector<8x1xi32>
      %gt3A_84 = arith.cmpi sgt, %broadcast_in_dim3A_81, %gt3A_83 : vector<8x1xi32>
      %eq3A_85 = arith.constant 0 : i32
      %eq3A_86 = vector.broadcast %eq3A_85 : i32 to vector<8x1xi32>
      %eq3A_87 = arith.cmpi eq, %broadcast_in_dim3A_70, %eq3A_86 : vector<8x1xi32>
      %and3A_88 = arith.andi %gt3A_84, %eq3A_87 : vector<8x1xi1>
      %get3A_89 = arith.index_cast %scan3A_60 : i32 to index
      %get3A_90 = arith.constant 0 : index
      %get3A_91 = arith.constant 0 : index
      %get3A_92 = arith.constant 0 : index
      %get3A_93 = vector.load %arg1[%get3A_89, %get3A_90, %get3A_91, %get3A_92] : memref<300x8x1x300xf32, #tpu.memory_space<vmem>>, vector<1x8x1x300xf32>
      %squeeze3A_94 = vector.shape_cast %get3A_93 : vector<1x8x1x300xf32> to vector<8x300xf32>
      %gt3A_95 = arith.constant 8.500000e-01 : f32
      %gt3A_96 = vector.broadcast %gt3A_95 : f32 to vector<8x300xf32>
      %gt3A_97 = arith.cmpf ogt, %squeeze3A_94, %gt3A_96 : vector<8x300xf32>
      %and3A_98 = vector.broadcast %and3A_88 : vector<8x1xi1> to vector<8x300xi1>
      %and3A_99 = arith.andi %and3A_98, %gt3A_97 : vector<8x300xi1>
      %gt3A_100 = vector.broadcast %scan3A_60 : i32 to vector<1x300xi32>
      %gt3A_101 = arith.cmpi sgt, %iota3A, %gt3A_100 : vector<1x300xi32>
      %and3A_102 = vector.broadcast %gt3A_101 : vector<1x300xi1> to vector<8x300xi1>
      %and3A_103 = arith.andi %and3A_99, %and3A_102 : vector<8x300xi1>
      %convert_element_type3A_104 = arith.extui %and3A_103 : vector<8x300xi1> to vector<8x300xi32>
      %or3A_105 = arith.ori %or3A, %convert_element_type3A_104 : vector<8x300xi32>
      %scan3A_106 = arith.constant 2 : i32
      %scan3A_107 = arith.addi %scan3A_19, %scan3A_106 : i32
      %eq3A_108 = vector.broadcast %scan3A_107 : i32 to vector<1x300xi32>
      %eq3A_109 = arith.cmpi eq, %iota3A, %eq3A_108 : vector<1x300xi32>
      %jit3A_110 = arith.constant 0 : i32
      %broadcast_in_dim3A_111 = vector.shape_cast %eq3A_109 : vector<1x300xi1> to vector<1x300xi1>
      %broadcast_in_dim3A_112 = vector.broadcast %broadcast_in_dim3A_111 : vector<1x300xi1> to vector<8x300xi1>
      %broadcast_in_dim3A_113 = vector.broadcast %jit3A_110 : i32 to vector<8x300xi32>
      %select_n3A_114 = arith.select %broadcast_in_dim3A_112, %or3A_105, %broadcast_in_dim3A_113 : vector<8x300xi1>, vector<8x300xi32>
      %reduce_sum3A_115 = arith.constant dense<0> : vector<8xi32>
      %reduce_sum3A_116 = vector.multi_reduction <add>, %select_n3A_114, %reduce_sum3A_115 [1] : vector<8x300xi32> to vector<8xi32>
      %broadcast_in_dim3A_117 = vector.shape_cast %reduce_sum3A_116 : vector<8xi32> to vector<8x1xi32>
      %eq3A_118 = vector.broadcast %scan3A_107 : i32 to vector<1x300xi32>
      %eq3A_119 = arith.cmpi eq, %iota3A, %eq3A_118 : vector<1x300xi32>
      %convert_element_type3A_120 = arith.extui %get3A_5 : vector<8x300xi1> to vector<8x300xi32>
      %jit3A_121 = arith.constant 0 : i32
      %broadcast_in_dim3A_122 = vector.shape_cast %eq3A_119 : vector<1x300xi1> to vector<1x300xi1>
      %broadcast_in_dim3A_123 = vector.broadcast %broadcast_in_dim3A_122 : vector<1x300xi1> to vector<8x300xi1>
      %broadcast_in_dim3A_124 = vector.broadcast %jit3A_121 : i32 to vector<8x300xi32>
      %select_n3A_125 = arith.select %broadcast_in_dim3A_123, %convert_element_type3A_120, %broadcast_in_dim3A_124 : vector<8x300xi1>, vector<8x300xi32>
      %reduce_sum3A_126 = arith.constant dense<0> : vector<8xi32>
      %reduce_sum3A_127 = vector.multi_reduction <add>, %select_n3A_125, %reduce_sum3A_126 [1] : vector<8x300xi32> to vector<8xi32>
      %broadcast_in_dim3A_128 = vector.shape_cast %reduce_sum3A_127 : vector<8xi32> to vector<8x1xi32>
      %gt3A_129 = arith.constant 0 : i32
      %gt3A_130 = vector.broadcast %gt3A_129 : i32 to vector<8x1xi32>
      %gt3A_131 = arith.cmpi sgt, %broadcast_in_dim3A_128, %gt3A_130 : vector<8x1xi32>
      %eq3A_132 = arith.constant 0 : i32
      %eq3A_133 = vector.broadcast %eq3A_132 : i32 to vector<8x1xi32>
      %eq3A_134 = arith.cmpi eq, %broadcast_in_dim3A_117, %eq3A_133 : vector<8x1xi32>
      %and3A_135 = arith.andi %gt3A_131, %eq3A_134 : vector<8x1xi1>
      %get3A_136 = arith.index_cast %scan3A_107 : i32 to index
      %get3A_137 = arith.constant 0 : index
      %get3A_138 = arith.constant 0 : index
      %get3A_139 = arith.constant 0 : index
      %get3A_140 = vector.load %arg1[%get3A_136, %get3A_137, %get3A_138, %get3A_139] : memref<300x8x1x300xf32, #tpu.memory_space<vmem>>, vector<1x8x1x300xf32>
      %squeeze3A_141 = vector.shape_cast %get3A_140 : vector<1x8x1x300xf32> to vector<8x300xf32>
      %gt3A_142 = arith.constant 8.500000e-01 : f32
      %gt3A_143 = vector.broadcast %gt3A_142 : f32 to vector<8x300xf32>
      %gt3A_144 = arith.cmpf ogt, %squeeze3A_141, %gt3A_143 : vector<8x300xf32>
      %and3A_145 = vector.broadcast %and3A_135 : vector<8x1xi1> to vector<8x300xi1>
      %and3A_146 = arith.andi %and3A_145, %gt3A_144 : vector<8x300xi1>
      %gt3A_147 = vector.broadcast %scan3A_107 : i32 to vector<1x300xi32>
      %gt3A_148 = arith.cmpi sgt, %iota3A, %gt3A_147 : vector<1x300xi32>
      %and3A_149 = vector.broadcast %gt3A_148 : vector<1x300xi1> to vector<8x300xi1>
      %and3A_150 = arith.andi %and3A_146, %and3A_149 : vector<8x300xi1>
      %convert_element_type3A_151 = arith.extui %and3A_150 : vector<8x300xi1> to vector<8x300xi32>
      %or3A_152 = arith.ori %or3A_105, %convert_element_type3A_151 : vector<8x300xi32>
      %scan3A_153 = arith.constant 3 : i32
      %scan3A_154 = arith.addi %scan3A_19, %scan3A_153 : i32
      %eq3A_155 = vector.broadcast %scan3A_154 : i32 to vector<1x300xi32>
      %eq3A_156 = arith.cmpi eq, %iota3A, %eq3A_155 : vector<1x300xi32>
      %jit3A_157 = arith.constant 0 : i32
      %broadcast_in_dim3A_158 = vector.shape_cast %eq3A_156 : vector<1x300xi1> to vector<1x300xi1>
      %broadcast_in_dim3A_159 = vector.broadcast %broadcast_in_dim3A_158 : vector<1x300xi1> to vector<8x300xi1>
      %broadcast_in_dim3A_160 = vector.broadcast %jit3A_157 : i32 to vector<8x300xi32>
      %select_n3A_161 = arith.select %broadcast_in_dim3A_159, %or3A_152, %broadcast_in_dim3A_160 : vector<8x300xi1>, vector<8x300xi32>
      %reduce_sum3A_162 = arith.constant dense<0> : vector<8xi32>
      %reduce_sum3A_163 = vector.multi_reduction <add>, %select_n3A_161, %reduce_sum3A_162 [1] : vector<8x300xi32> to vector<8xi32>
      %broadcast_in_dim3A_164 = vector.shape_cast %reduce_sum3A_163 : vector<8xi32> to vector<8x1xi32>
      %eq3A_165 = vector.broadcast %scan3A_154 : i32 to vector<1x300xi32>
      %eq3A_166 = arith.cmpi eq, %iota3A, %eq3A_165 : vector<1x300xi32>
      %convert_element_type3A_167 = arith.extui %get3A_5 : vector<8x300xi1> to vector<8x300xi32>
      %jit3A_168 = arith.constant 0 : i32
      %broadcast_in_dim3A_169 = vector.shape_cast %eq3A_166 : vector<1x300xi1> to vector<1x300xi1>
      %broadcast_in_dim3A_170 = vector.broadcast %broadcast_in_dim3A_169 : vector<1x300xi1> to vector<8x300xi1>
      %broadcast_in_dim3A_171 = vector.broadcast %jit3A_168 : i32 to vector<8x300xi32>
      %select_n3A_172 = arith.select %broadcast_in_dim3A_170, %convert_element_type3A_167, %broadcast_in_dim3A_171 : vector<8x300xi1>, vector<8x300xi32>
      %reduce_sum3A_173 = arith.constant dense<0> : vector<8xi32>
      %reduce_sum3A_174 = vector.multi_reduction <add>, %select_n3A_172, %reduce_sum3A_173 [1] : vector<8x300xi32> to vector<8xi32>
      %broadcast_in_dim3A_175 = vector.shape_cast %reduce_sum3A_174 : vector<8xi32> to vector<8x1xi32>
      %gt3A_176 = arith.constant 0 : i32
      %gt3A_177 = vector.broadcast %gt3A_176 : i32 to vector<8x1xi32>
      %gt3A_178 = arith.cmpi sgt, %broadcast_in_dim3A_175, %gt3A_177 : vector<8x1xi32>
      %eq3A_179 = arith.constant 0 : i32
      %eq3A_180 = vector.broadcast %eq3A_179 : i32 to vector<8x1xi32>
      %eq3A_181 = arith.cmpi eq, %broadcast_in_dim3A_164, %eq3A_180 : vector<8x1xi32>
      %and3A_182 = arith.andi %gt3A_178, %eq3A_181 : vector<8x1xi1>
      %get3A_183 = arith.index_cast %scan3A_154 : i32 to index
      %get3A_184 = arith.constant 0 : index
      %get3A_185 = arith.constant 0 : index
      %get3A_186 = arith.constant 0 : index
      %get3A_187 = vector.load %arg1[%get3A_183, %get3A_184, %get3A_185, %get3A_186] : memref<300x8x1x300xf32, #tpu.memory_space<vmem>>, vector<1x8x1x300xf32>
      %squeeze3A_188 = vector.shape_cast %get3A_187 : vector<1x8x1x300xf32> to vector<8x300xf32>
      %gt3A_189 = arith.constant 8.500000e-01 : f32
      %gt3A_190 = vector.broadcast %gt3A_189 : f32 to vector<8x300xf32>
      %gt3A_191 = arith.cmpf ogt, %squeeze3A_188, %gt3A_190 : vector<8x300xf32>
      %and3A_192 = vector.broadcast %and3A_182 : vector<8x1xi1> to vector<8x300xi1>
      %and3A_193 = arith.andi %and3A_192, %gt3A_191 : vector<8x300xi1>
      %gt3A_194 = vector.broadcast %scan3A_154 : i32 to vector<1x300xi32>
      %gt3A_195 = arith.cmpi sgt, %iota3A, %gt3A_194 : vector<1x300xi32>
      %and3A_196 = vector.broadcast %gt3A_195 : vector<1x300xi1> to vector<8x300xi1>
      %and3A_197 = arith.andi %and3A_193, %and3A_196 : vector<8x300xi1>
      %convert_element_type3A_198 = arith.extui %and3A_197 : vector<8x300xi1> to vector<8x300xi32>
      %or3A_199 = arith.ori %or3A_152, %convert_element_type3A_198 : vector<8x300xi32>
      scf.yield %or3A_199 : vector<8x300xi32>
    }
    %scan3A_11 = arith.constant 300 : i32
    %eq3A = arith.constant 0 : i32
    %eq3A_12 = vector.broadcast %eq3A : i32 to vector<8x300xi32>
    %eq3A_13 = arith.cmpi eq, %scan3A_10, %eq3A_12 : vector<8x300xi32>
    %and3A = arith.andi %get3A_5, %eq3A_13 : vector<8x300xi1>
    %swap3A = arith.constant 0 : index
    %swap3A_14 = arith.constant 0 : index
    %swap3A_15 = vector.load %arg2[%swap3A, %swap3A_14] : memref<8x300xi32, #tpu.memory_space<vmem>>, vector<8x300xi32>
    %swap3A_16 = arith.extui %and3A : vector<8x300xi1> to vector<8x300xi32>
    %swap3A_17 = arith.constant dense<0> : vector<8x300xi32>
    %swap3A_18 = arith.cmpi ne, %swap3A_15, %swap3A_17 : vector<8x300xi32>
    tpu.vector_store %arg2[%swap3A, %swap3A_14], %swap3A_16 {strides = array<i32>} : memref<8x300xi32, #tpu.memory_space<vmem>>, vector<8x300xi32>,
    return
  }
}

</mosaic_0001>

<sc_bundles>
// kernel: kernel.7.cloned.1.call-start
scs
__scs_entry_jumppad:
0x0: {  	(pc) =	sbr.rel $0x88, $3  }
0x1: {  	(tag) =	ssettag $0x0;
	lr =	simm.s32 $0x1  }
0x2: {  	[smem:$0x3F9E] =	sst lr;
	_ =	strace $0xD0000000  }
0x3: {  	_ = 	snop  }
0x4: {  	_ = 	snop  }
0x5: {  	_ = 	snop  }
0x6: {  	_ = 	snop  }
0x7: {  	_ = 	snop  }
__scs_overlays_trampoline_lowered:
0x8: {  	[smem:$0x3FAD] =	sst s0  }
0x9: {  	[smem:$0x3FAE] =	sst s1  }
0xa: {  	[smem:$0x3FAF] =	sst s2  }
0xb: {  	[smem:$0x3FB0] =	sst s3  }
0xc: {  	[smem:$0x3FB1] =	sst s4  }
0xd: {  	[smem:$0x3FB2] =	sst s5  }
0xe: {  	[smem:$0x3FB3] =	sst s6  }
0xf: {  	[smem:$0x3FB4] =	sst s7  }
0x10: {  	[smem:$0x3FB5] =	sst s8  }
0x11: {  	[smem:$0x3FB6] =	sst s9;
	s0 =	simm.s32 @!p0 $0x0  }
0x12: {  	s1 =	sld [smem:$0x3F9C];
	s0 =	simm.s32 @p0 $0x1  }
0x13: {  	[smem:$0x3FB7] =	sst s0;
	s0 =	simm.s32 @!p1 $0x0  }
0x14: {  	s2 =	sld [smem:$0x3F9B];
	s0 =	simm.s32 @p1 $0x1  }
0x15: {  	[smem:$0x3FB8] =	sst s0;
	s0 =	simm.s32 @!p2 $0x0  }
0x16: {  	s3 =	sld [smem:$0x3FDB];
	s0 =	simm.s32 @p2 $0x1  }
0x17: {  	s4 =	simm.s32 $0x1BF5;
	[smem:$0x3FBA] =	sst s0  }
0x18: {  	s0 =	sld [smem:$0x3F9D];
	_ =	swait.ge [sflag:s4], $0x0  }
0x19: {  	s7 =	sld [smem:$0x3F9E]  }
0x1a: {  	s8 =	sadd.s32 $0xFFFFE003, lr  }
0x1b: {  	s9 =	sadd.s32 $0xFFFFFEF7, lr;
	s5 =	simm.s32 $0xFFFFFFFF;
	p2 =	slt.u32 s8, $0xFFFFF086  }
0x1c: {  	p1 =	slt.u32 s9, $0xF7A;
	s5 =	simm.s32 @!p2 $0x0  }
0x1d: {  	s5 =	simm.s32 @p1 $0x1;
	p0 =	seq.s32 s7, s2  }
0x1e: {  	s7 =	smul.u32 @!p0 $0xF7A, s2;
	p2 =	seq.s32 @!p0 s5, $0x0  }
0x1f: {  	s9 =	smul.u32 $0xF7A, s1;
	s8 =	simm.s32 @!p0 $0x1BF5;
	p2 =	por !p2, p0  }
0x20: {  	[sflag:s8] =	ssyncset.s32 @!p0 $0xFFFFF086;
	s6 =	sadd.s32 @!p0 s3, s7;
	s7 =	simm.s32 @!p0 $0x108  }
0x21: {  	s3 =	sadd.s32 s3, s9;
	s6 =	sadd.s32 @!p0 $0x88, s6;
	s7 =	simm.s32 @p2 $0x1082  }
0x22: {  	[simem:s7], [sflag:s8] =	dma.local @!p0 [hbm:s6], $0xF7A  }
0x23: {  	s9 =	sor.u32 $0xD0000000, s2;
	s6 =	simm.s32 $0x108;
	_ =	swait.ge @!p0 [sflag:s8], $0x0  }
0x24: {  	s3 =	sadd.s32 $0x88, s3;
	s6 =	simm.s32 @!p1 $0x1082;
	[sflag:s4] =	ssyncset.s32 $0xFFFFF086  }
0x25: {  	[simem:s6], [sflag:s4] =	dma.local [hbm:s3], $0xF7A  }
0x26: {  	[smem:$0x3F9E] =	sst s1;
	(tag) =	ssettag s2;
	_ =	strace s9  }
0x27: {  	s1 =	sld [smem:$0x3FAE]  }
0x28: {  	s2 =	sld [smem:$0x3FAF]  }
0x29: {  	s4 =	sld [smem:$0x3FB1]  }
0x2a: {  	p0 =	seq.s32 s5, $0x0;
	s5 =	sld [smem:$0x3FB2]  }
0x2b: {  	s6 =	sld [smem:$0x3FB3]  }
0x2c: {  	s7 =	sld [smem:$0x3FB4]  }
0x2d: {  	s3 =	simm.s32 $0x108;
	s8 =	sld [smem:$0x3FB5]  }
0x2e: {  	s3 =	simm.s32 @!p0 $0x1082;
	s9 =	sld [smem:$0x3FB6]  }
0x2f: {  	lr =	sadd.s32 s0, s3;
	s0 =	sld [smem:$0x3FAD]  }
0x30: {  	s3 =	sld [smem:$0x3FB0]  }
0x31: {  	[smem:$0x3FB9] =	sst s10  }
0x32: {  	s10 =	sld [smem:$0x3FB7];
	_ =	sdelay $0x3  }
0x33: {  	p0 =	seq.s32 s10, $0x1;
	s10 =	sld [smem:$0x3FB9];
	_ =	sdelay $0x3  }
0x34: {  	[smem:$0x3FB9] =	sst s10  }
0x35: {  	s10 =	sld [smem:$0x3FB8];
	_ =	sdelay $0x3  }
0x36: {  	p1 =	seq.s32 s10, $0x1;
	s10 =	sld [smem:$0x3FB9];
	_ =	sdelay $0x3  }
0x37: {  	[smem:$0x3FB9] =	sst s10  }
0x38: {  	s10 =	sld [smem:$0x3FBA]  }
0x39: {  	_ = 	snop;
	(pc) =	sbr.ind lr, $3  }
0x3a: {  	_ = 	snop  }
0x3b: {  	_ = 	snop  }
0x3c: {  	p2 =	seq.s32 s10, $0x1;
	s10 =	sld [smem:$0x3FB9]  }
0x3d: {  	_ =	shalt  }
0x3e: {  	_ =	shalt  }
0x3f: {  	_ =	shalt  }
0x40: {  	_ =	shalt  }
0x41: {  	_ =	shalt  }
0x42: {  	_ =	shalt  }
0x43: {  	_ =	shalt  }
0x44: {  	_ =	shalt  }
0x45: {  	_ =	shalt  }
0x46: {  	_ =	shalt  }
0x47: {  	_ =	shalt  }
0x48: {  	_ =	shalt  }
0x49: {  	_ =	shalt  }
0x4a: {  	_ =	shalt  }
0x4b: {  	_ =	shalt  }
0x4c: {  	_ =	shalt  }
0x4d: {  	_ =	shalt  }
0x4e: {  	_ =	shalt  }
0x4f: {  	_ =	shalt  }
0x50: {  	_ =	shalt  }
0x51: {  	_ =	shalt  }
0x52: {  	_ =	shalt  }
0x53: {  	_ =	shalt  }
0x54: {  	_ =	shalt  }
0x55: {  	_ =	shalt  }
0x56: {  	_ =	shalt  }
0x57: {  	_ =	shalt  }
0x58: {  	_ =	shalt  }
0x59: {  	_ =	shalt  }
0x5a: {  	_ =	shalt  }
0x5b: {  	_ =	shalt  }
0x5c: {  	_ =	shalt  }
0x5d: {  	_ =	shalt  }
0x5e: {  	_ =	shalt  }
0x5f: {  	_ =	shalt  }
0x60: {  	_ =	shalt  }
0x61: {  	_ =	shalt  }
0x62: {  	_ =	shalt  }
0x63: {  	_ =	shalt  }
0x64: {  	_ =	shalt  }
0x65: {  	_ =	shalt  }
0x66: {  	_ =	shalt  }
0x67: {  	_ =	shalt  }
0x68: {  	_ =	shalt  }
0x69: {  	_ =	shalt  }
0x6a: {  	_ =	shalt  }
0x6b: {  	_ =	shalt  }
0x6c: {  	_ =	shalt  }
0x6d: {  	_ =	shalt  }
0x6e: {  	_ =	shalt  }
0x6f: {  	_ =	shalt  }
0x70: {  	_ =	shalt  }
0x71: {  	_ =	shalt  }
0x72: {  	_ =	shalt  }
0x73: {  	_ =	shalt  }
0x74: {  	_ =	shalt  }
0x75: {  	_ =	shalt  }
0x76: {  	_ =	shalt  }
0x77: {  	_ =	shalt  }
0x78: {  	_ =	shalt  }
0x79: {  	_ =	shalt  }
0x7a: {  	_ =	shalt  }
0x7b: {  	_ =	shalt  }
0x7c: {  	_ =	shalt  }
0x7d: {  	_ =	shalt  }
0x7e: {  	_ =	shalt  }
0x7f: {  	_ =	shalt  }
0x80: {  	_ =	shalt  }
0x81: {  	_ =	shalt  }
0x82: {  	_ =	shalt  }
0x83: {  	_ =	shalt  }
0x84: {  	_ =	shalt  }
0x85: {  	_ =	shalt  }
0x86: {  	_ =	shalt  }
0x87: {  	_ =	shalt  }
.Lfunc_end0:
.L_simem_size_0:
called_computation_lowered:
.L_overlay_start_0:
0x88: {  	s2 =	sld [smem:$0x3FD9]  }
0x89: {  	s3 =	sld [smem:$0x3FFE];
	_ =	sdelay $0x1  }
0x8a: {  	s1 =	srdreg.scid  }
0x8b: {  	s0 =	sand.u32 $0x1, s1  }
0x8c: {  	s14 =	sshll.u32 s0, $0xA;
	s2 =	sadd.s32 s3, s2  }
0x8d: {  	s2 =	sadd.s32 s2, s14  }
0x8e: {  	[smem:$0x3FC5] =	sst s2  }
0x8f: {  	_ = 	snop  }
0x90: {  	s2 =	sld [smem:$0x3FD0];
	_ =	sdelay $0x2  }
0x91: {  	s15 =	simm.s32 $0xA;
	s4 =	simm.s32 $0x10  }
0x92: {  	[smem:s4], [sflag:s15] =	dma.local [hbm:s2], $0x1  }
0x93: {  	_ =	swait.eq [sflag:s15], $0x1  }
0x94: {  	[sflag:s15] =	ssyncset.done $0x0  }
0x95: {  	[sflag:s15] =	ssyncadd.s32 $0xFFFFFFFF  }
0x96: {  	s16 =	sld [smem:$0x13];
	(tm) =	ssettm $0x1  }
0x97: {  	s17 =	sld [smem:$0x3FFB];
	_ =	sdelay $0x3  }
0x98: {  	_ =	strace s17  }
0x99: {  	s3 =	sld [smem:$0x3FFC];
	_ =	sdelay $0x3  }
0x9a: {  	_ =	strace s3  }
0x9b: {  	s3 =	sld [smem:$0x3FFD];
	_ =	sdelay $0x3  }
0x9c: {  	_ =	strace s3  }
0x9d: {  	_ =	strace $0x8FFFFFFF  }
0x9e: {  	s18 =	sld [smem:$0x3FDB];
	_ =	sdelay $0x1  }
0x9f: {  	s19 =	simm.s32 $_scs_section_size  }
0xa0: {  	s5 =	simm.s32 $_size__tile_overlayer_lowered;
	s6 =	simm.s32 $_tile_overlayer_lowered  }
0xa1: {  	s22 =	simm.s32 $0x1BFF;
	s21 =	sshll.u32 s6, $0x1;
	s3 =	sadd.s32 s19, s18  }
0xa2: {  	s7 =	simm.s32 $0x0;
	s20 =	sshll.u32 s5, $0x1;
	s5 =	sadd.s32 s21, s3  }
0xa3: {  	[timem:s7], [sflag:s22] =	dma.local [hbm:s5], s20  }
0xa4: {  	_ =	swait.ge [sflag:s22], s20  }
0xa5: {  	s4 =	ssub.s32 $0x0, s20;
	[sflag:s22] =	ssyncset.done $0x0  }
0xa6: {  	[sflag:s22] =	ssyncadd.s32 s4;
	_ =	sdelay $0x1  }
0xa7: {  	s23 =	simm.s32 $0x1B8B  }
0xa8: {  	_ =	swait.ge [sflag:s23], $0x1  }
0xa9: {  	[sflag:s23] =	ssyncset.done $0x0  }
0xaa: {  	s25 =	simm.s32 $0x1B8E;
	s24 =	sld [smem:$0x3FFE];
	[sflag:s23] =	ssyncadd.s32 $0xFFFFFFFF  }
0xab: {  	s26 =	simm.s32 $execute0_lowered;
	[smem:$0x3FD2] =	sst s25  }
0xac: {  	s5 =	sshll.u32 s26, $0x1;
	_ =	strace $0x80000046;
	[dreg:$0x1] =	wrdreg $0xFFFFFFFF  }
0xad: {  	s28 =	simm.s32 $_size_execute0_lowered;
	s3 =	sadd.s32 s3, s5;
	[dreg:$0x0] =	wrdreg $0x0  }
0xae: {  	s5 =	sshll.u32 s28, $0x1;
	[dreg:$0x2] =	wrdreg s3  }
0xaf: {  	[dreg:$0x3] =	wrdreg s5  }
0xb0: {  	[dreg:$0x4] =	wrdreg $0xC0  }
0xb1: {  	_ =	task [dreg:s7], $0x5FFFF  }
0xb2: {  	[dreg:$0x1] =	wrdreg $0xFFFFFFFF  }
0xb3: {  	[dreg:$0x0] =	wrdreg $0x60  }
0xb4: {  	[dreg:$0x2] =	wrdreg s24  }
0xb5: {  	[dreg:$0x3] =	wrdreg s16  }
0xb6: {  	[dreg:$0x4] =	wrdreg $0x12D000  }
0xb7: {  	[dreg:$0x5] =	wrdreg $0x12D100  }
0xb8: {  	[dreg:$0x6] =	wrdreg $0x9  }
0xb9: {  	_ =	task.clear_ibuf [dreg:s7], $0x7FFFF;
	_ =	strace $0x90000046  }
0xba: {  	s29 =	simm.s32 $0x9;
	_ =	strace $0x80000048  }
0xbb: {  	_ =	swait.ge [sflag:s29], $0x1  }
0xbc: {  	[sflag:s29] =	ssyncadd.s32 $0xFFFFFFFF  }
0xbd: {  	_ =	strace $0x90000048  }
0xbe: {  	_ =	sfence  }
0xbf: {  	s30 =	sld [smem:$0x0];
	_ =	sdelay $0x2  }
0xc0: {  	s31 =	sshll.u32 s1, $0xD;
	s1 =	sshrl.u32 s1, $0x2  }
0xc1: {  	s3 =	sand.u32 $0x4000, s31;
	s1 =	sadd.s32 s1, s30  }
0xc2: {  	s0 =	sor.u32 s3, s0;
	s1 =	sshll.u32 s1, $0x11  }
0xc3: {  	s0 =	sor.u32 s1, s0  }
0xc4: {  	s0 =	sadd.s32 $0x8F2B, s0  }
0xc5: {  	[sflag:s0] =	ssyncadd.remote.s32 $0x1  }
0xc6: {  	_ =	sfence.sel $0xFFFF  }
0xc7: {  	[dreg:$0x0] =	wrdreg $0xFFFFFFFF;
	(pc) =	sbr.abs _section_cstart, $3  }
0xc8: {  	[dreg:$0x1] =	wrdreg $0xFFFFFFFF  }
0xc9: {  	_ =	task.clear_ibuf [dreg:s7], $0x2FFFF;
	_ =	strace $0x9FFFFFFF  }
0xca: {  	(tm) =	ssettm $0x7FFFFFFF  }
0xcb: {  	_ =	shalt  }
tec
execute0_lowered:
.L_overlay_start_1:
0x0: {  	(tag) =	ssettag $0x1  }
0x1: {  	s2 =	rddreg [dreg:$0x0]  }
0x2: {  	s11 =	stileid.u32;
	s5 =	rddreg [dreg:$0x2]  }
0x3: {  	s3 =	srdreg.scid;
	s8 =	rddreg [dreg:$0x3]  }
0x4: {  	s0 =	sand.u32 $0x3, s11;
	s3 =	sand.u32 $0x1, s3;
	s23 =	smul.u32 $0x4280, s11  }
0x5: {  	s7 =	sshrl.u32 s11, $0x2;
	s24 =	sshll.u32 s11, $0x4;
	s1 =	smul.u32 $0x1400, s0  }
0x6: {  	s6 =	sshll.u32 s3, $0x2;
	s3 =	ssub.s32 $0x2, s3;
	s26 =	smul.u32 $0x10A00, s7  }
0x7: {  	s28 =	sshll.u32 s7, $0x6;
	s31 =	sshll.u32 s0, $0x4;
	s0 =	sshll.u32 s0, $0x7  }
0x8: {  	s18 =	sor.u32 s7, s6;
	s22 =	sshrl.u32 s3, $0x1;
	s25 =	sshrl.u32 s23, $0x2  }
0x9: {  	s14 =	sadd.s32 $0x12100, s0;
	s4 =	sshrl.u32 s1, $0xC;
	s9 =	smul.u32 $0x5000, s18  }
0xa: {  	s16 =	sadd.s32 $0x12300, s0;
	s23 =	sadd.s32 $0x12700, s0;
	s4 =	smul.u32 $0xFA0, s4  }
0xb: {  	s20 =	sand.u32 $0xC00, s1;
	s21 =	smul.u32 $0x13880, s18;
	s3 =	ssub.s32 s3, s22  }
0xc: {  	s29 =	sshrl.u32 s26, $0x2;
	s6 =	sadd.s32 s20, s4;
	s4 =	simm.s32 $0x0  }
0xd: {  	s30 =	sshll.u32 s18, $0x6;
	s22 =	sadd.s32 $0x12500, s0;
	[smem:$0x7FF] =	sst s4  }
0xe: {  	s9 =	sadd.s32 s1, s9;
	_ =	strace $0x80000047;
	[dreg:$0xd] =	wrdreg s14  }
0xf: {  	s11 =	sadd.s32 s29, s8;
	s9 =	sshrl.u32 s9, $0x3;
	[dreg:$0xf] =	wrdreg s16  }
0x10: {  	s7 =	sor.u32 s31, s30;
	s9 =	sadd.s32 s9, s2;
	[dreg:$0x14] =	wrdreg s22  }
0x11: {  	s19 =	smin.u32 s6, $0x3A20;
	s12 =	sadd.s32 $0x6200, s9;
	[dreg:$0x15] =	wrdreg s23  }
0x12: {  	s10 =	sshll.u32 s19, $0x2;
	s9 =	sadd.s32 $0x1200, s9;
	[dreg:$0x5] =	wrdreg s12  }
0x13: {  	s6 =	sadd.s32 s21, s10;
	[dreg:$0x6] =	wrdreg s9;
	s12 =	sadd.s32 $0x11F00, s0  }
0x14: {  	s9 =	sadd.s32 s25, s8;
	s25 =	smax.u32 s3, $0x1;
	[dreg:$0xb] =	wrdreg s12  }
0x15: {  	s6 =	sshrl.u32 s6, $0x3;
	[dreg:$0x18] =	wrdreg s25;
	s26 =	sadd.s32 $0x850, s9  }
0x16: {  	s29 =	sadd.s32 $0x980, s9;
	s6 =	sadd.s32 s6, s2;
	[dreg:$0x19] =	wrdreg s26  }
0x17: {  	s2 =	sadd.s32 $0xB200, s2;
	[dreg:$0x1b] =	wrdreg s29;
	s6 =	sadd.s32 $0x27C200, s6  }
0x18: {  	s8 =	sadd.s32 s2, s31;
	s31 =	sadd.s32 $0xAB0, s9;
	[dreg:$0x7] =	wrdreg s6  }
0x19: {  	s6 =	sadd.s32 s24, s5;
	[dreg:$0x1d] =	wrdreg s31  }
0x1a: {  	s5 =	sadd.s32 s28, s5;
	[dreg:$0x8] =	wrdreg s6  }
0x1b: {  	s2 =	sadd.s32 s7, s2;
	s10 =	sadd.s32 s30, s8;
	[dreg:$0x9] =	wrdreg s5  }
0x1c: {  	s13 =	sadd.s32 $0x200, s2;
	[dreg:$0xa] =	wrdreg s10  }
0x1d: {  	s15 =	sadd.s32 $0x400, s2;
	[dreg:$0xc] =	wrdreg s13  }
0x1e: {  	s17 =	sadd.s32 $0x600, s2;
	[dreg:$0xe] =	wrdreg s15  }
0x1f: {  	s20 =	sadd.s32 $0x800, s2;
	[dreg:$0x10] =	wrdreg s17  }
0x20: {  	s21 =	sadd.s32 $0xA00, s2;
	[dreg:$0x11] =	wrdreg s20  }
0x21: {  	s14 =	sadd.s32 $0x2140, s11;
	s2 =	sadd.s32 $0xC00, s2;
	[dreg:$0x12] =	wrdreg s21  }
0x22: {  	s16 =	simm.s32 $0x1;
	s24 =	sadd.s32 $0x12900, s0;
	[dreg:$0x13] =	wrdreg s2  }
0x23: {  	v1 =	vmov s19;
	s19 =	simm.s32 $0x10E00;
	s0 =	sadd.s32 $0x12B00, s0;
	[dreg:$0x16] =	wrdreg s24  }
0x24: {  	s12 =	sadd.s32 $0xF70, s9;
	s28 =	sadd.s32 $0x130, s9;
	[dreg:$0x17] =	wrdreg s0  }
0x25: {  	v2 =	vlaneseq.u32;
	s7 =	sadd.s32 $0x5F0, s9;
	s30 =	sadd.s32 $0x260, s9;
	[dreg:$0x1a] =	wrdreg s28  }
0x26: {  	v3 =	vimm.s32 $0x0;
	vm0 =	vcmask $0x300;
	vm1 =	vcmask $0x704;
	s8 =	sadd.s32 $0xE40, s9;
	[dreg:$0x1c] =	wrdreg s30;
	s0 =	sadd.s32 $0x390, s9  }
0x27: {  	vm2 =	vmmov $0x1;
	vm3 =	vcmask $0x308;
	v4 =	vor.u32 $0x200, v2;
	s2 =	sadd.s32 $0xBE0, s9;
	s5 =	sadd.s32 $0x4C0, s9;
	s6 =	sadd.s32 $0xD10, s9  }
0x28: {  	v5 =	vor.u32 $0x400, v2;
	v6 =	vor.u32 $0x600, v2;
	v7 =	vor.u32 $0x800, v2;
	s10 =	sadd.s32 $0x720, s9;
	s13 =	sadd.s32 $0x10A0, s11;
	s15 =	sadd.s32 $0x31E0, s11  }
0x29: {  	v8 =	vor.u32 $0xA00, v2;
	v9 =	vor.u32 $0xC00, v2;
	v0 =	vmov s18;
	s17 =	simm.s32 $0x2800;
	s20 =	simm.s32 $0x11F00;
	s21 =	simm.s32 $0x0  }
.LBB2_1:
0x2a: {  	s3 =	rddreg [dreg:$0x5]  }
0x2b: {  	[tilespmem:s4], [sflag:$0x1] =	stream.linear.gather [hbm4b:s3+s4], $0x1400, $0x38;
	[tilespmem:$0x13DB0] =	vst v63  }
0x2c: {  	_ =	swait.ge [sflag:s16], $0x1400  }
0x2d: {  	[sflag:s16] =	ssyncset.done $0x0  }
0x2e: {  	s18 =	simm.s32 $0x1400;
	s26 =	rddreg [dreg:$0x6];
	[sflag:s16] =	ssyncadd.s32 $0xFFFFEC00  }
0x2f: {  	v10 =	vor.u32 s1, v2;
	[tilespmem:s18], [sflag:$0x1] =	stream.linear.gather [hbm4b:s26+s4], $0x1400, $0x38;
	[tilespmem:$0x13DB0] =	vst v63  }
0x30: {  	v11 =	vmov s1;
	v12 =	vand.u32 $0xFFF, v10;
	_ =	swait.ge [sflag:s16], $0x1400  }
0x31: {  	vm4 =	veq.s32 v11, v2;
	vm5 =	vne.s32 v12, $0x0;
	[sflag:s16] =	ssyncset.done $0x0  }
0x32: {  	vm4 =	vmand vm4, vm5;
	s28 =	rddreg [dreg:$0x7];
	[sflag:s16] =	ssyncadd.s32 $0xFFFFEC00  }
0x33: {  	v11 =	vshrl.u32 v11, $0xC;
	v12 =	vsel vm4, $0xFFFFFFFF, v3;
	[tilespmem:s17], [sflag:$0x1] =	stream.linear.gather [hbm4b:s28+s4], $0x5000, $0x38;
	[tilespmem:$0x13DB0] =	vst v63  }
0x34: {  	v11 =	vadd.s32 v12, v11;
	_ =	swait.ge [sflag:s16], $0x5000  }
0x35: {  	v12 =	vmul.u32 $0xFA0, v11;
	v11 =	vshll.u32 v11, $0xC;
	[sflag:s16] =	ssyncset.done $0x0  }
0x36: {  	v10 =	vsub.s32 v10, v11;
	[sflag:s16] =	ssyncadd.s32 $0xFFFFB000  }
0x37: {  	s30 =	simm.s32 $0x7800;
	v11 =	vadd.s32 v12, v10;
	s29 =	rddreg [dreg:$0x1]  }
0x38: {  	v12 =	vsub.s32 v11, v1;
	[tilespmem:s30], [sflag:$0x1] =	stream.linear.gather [hbm4b:s29+s4], $0x80, $0x38;
	[tilespmem:$0x13DB0] =	vst v63  }
0x39: {  	vm4 =	vgt.s32 v12, $0x0;
	_ =	swait.ge [sflag:s16], $0x80  }
0x3a: {  	v12 =	vnsel vm4, $0x0, v12;
	[sflag:s16] =	ssyncset.done $0x0  }
0x3b: {  	vm4 =	vlt.s32 v10, $0xFA0;
	v10 =	vmin.u32 v12, $0x13FF;
	[sflag:s16] =	ssyncadd.s32 $0xFFFFFF80  }
0x3c: {  	s31 =	simm.s32 $0x0;
	v12 =	vshll.u32 v10, $0x2;
	v10 =	vld.idx.msk [tilespmem:v0+s30+$0x0], $0xffff  }
0x3d: {  	v13 =	vor.u32 $0x3, v12;
	v14 =	vld [tilespmem:s31+$0x0]  }
0x3e: {  	v15 =	vor.u32 $0x1, v12  }
0x3f: {  	v16 =	vor.u32 $0x2, v12  }
0x40: {  	v17 =	vld [tilespmem:s31+$0x1400]  }
0x41: {  	v12 =	vld.idx.msk [tilespmem:v12+s17+$0x0], vm4  }
0x42: {  	v13 =	vld.idx.msk [tilespmem:v13+s17+$0x0], vm4;
	vm5 =	vgt.s32 v14, v10  }
0x43: {  	s18 =	sadd.s32 $0x10, s1;
	v15 =	vld.idx.msk [tilespmem:v15+s17+$0x0], vm4;
	vm6 =	veq.s32 v14, v10;
	vm5 =	vmand vm4, vm5  }
0x44: {  	v18 =	vor.u32 s18, v2;
	v16 =	vld.idx.msk [tilespmem:v16+s17+$0x0], vm4;
	vm4 =	vmand vm4, vm6;
	[tilespmem:s4+$0x7880] =	vst.msk vm5, v11  }
0x45: {  	v19 =	vand.u32 $0xFFF, v18;
	[tilespmem:s4+$0x8100] =	vst.msk vm4, v11;
	v11 =	vmov s18  }
0x46: {  	vm7 =	vne.s32 v19, $0x0;
	[tilespmem:s4+$0x79B0] =	vst.msk vm5, v14;
	vm6 =	veq.s32 v11, v2  }
0x47: {  	[tilespmem:s4+$0x9500] =	vst.msk vm4, v14;
	vm6 =	vmand vm6, vm7  }
0x48: {  	v11 =	vshrl.u32 v11, $0xC;
	[tilespmem:s4+$0x7AE0] =	vst.msk vm5, v17;
	v14 =	vsel vm6, $0xFFFFFFFF, v3  }
0x49: {  	[tilespmem:s4+$0xA900] =	vst.msk vm4, v17;
	v11 =	vadd.s32 v14, v11  }
0x4a: {  	[tilespmem:s4+$0x7C10] =	vst.msk vm5, v12;
	v14 =	vmul.u32 $0xFA0, v11;
	v11 =	vshll.u32 v11, $0xC  }
0x4b: {  	[tilespmem:s4+$0xBD00] =	vst.msk vm4, v12;
	v12 =	vsub.s32 v18, v11  }
0x4c: {  	v17 =	vsel vm5, $0x1, v3;
	[tilespmem:s4+$0x7D40] =	vst.msk vm5, v15;
	v11 =	vadd.s32 v14, v12  }
0x4d: {  	(xrf0) =	vadd.scan.msk.s32 $0xffff, v17;
	v14 =	vsel vm4, $0x1, v3;
	[tilespmem:s4+$0xD100] =	vst.msk vm4, v15;
	v15 =	vsub.s32 v11, v1  }
0x4e: {  	(xrf0) =	vadd.scan.msk.s32 $0xffff, v14;
	vm6 =	vgt.s32 v15, $0x0  }
0x4f: {  	v14 =	vnsel vm6, $0x0, v15  }
0x50: {  	[tilespmem:s4+$0x7E70] =	vst.msk vm5, v16;
	v14 =	vmin.u32 v14, $0x13FF  }
0x51: {  	[tilespmem:s4+$0xE500] =	vst.msk vm4, v16  }
0x52: {  	[tilespmem:s4+$0x7FA0] =	vst.msk vm5, v13  }
0x53: {  	[tilespmem:s4+$0xF900] =	vst.msk vm4, v13;
	v13 =	vshll.u32 v14, $0x2;
	v14, _, _ =	vpop (xrf0)  }
0x54: {  	(v2sf) =	vpush v14, $0xF;
	v14, _, _ =	vpop (xrf0)  }
0x55: {  	(v2sf) =	vpush v14, $0xF;
	_ =	sdelay $0x5  }
0x56: {  	s22 =	simm.s32 $0x10;
	vm5 =	vlt.s32 v12, $0xFA0  }
0x57: {  	v12 =	vld [tilespmem:s22+$0x0]  }
0x58: {  	v17 =	vor.u32 $0x3, v13  }
0x59: {  	v16 =	vor.u32 $0x1, v13  }
0x5a: {  	v15 =	vor.u32 $0x2, v13  }
0x5b: {  	v14 =	vld [tilespmem:s22+$0x1400]  }
0x5c: {  	s24 =	simm.s32 $0x80;
	s23 =	simm.s32 $0x0;
	s22 =	simm.s32 $0x0;
	v13 =	vld.idx.msk [tilespmem:v13+s17+$0x0], vm5;
	vm4 =	vgt.s32 v12, v10;
	vm7 =	veq.s32 v12, v10  }
.LBB2_2:
0x5d: {  	p0 =	sne.s32 s24, $0x4FC0;
	vm6 =	vmand vm5, vm4;
	vm4 =	vmand vm5, vm7;
	v17 =	vld.idx.msk [tilespmem:v17+s17+$0x0], vm5;
	s25 =	smov.u32 s24;
	s24 =	sadd.s32 $0x40, s24  }
0x5e: {  	v16 =	vld.idx.msk [tilespmem:v16+s17+$0x0], vm5;
	v18 =	vsel vm6, $0x1, v3;
	v19 =	vsel vm4, $0x1, v3;
	s26 =	spop (v2sf)  }
0x5f: {  	v15 =	vld.idx.msk [tilespmem:v15+s17+$0x0], vm5;
	(xrf0) =	vadd.scan.msk.s32 $0xffff, v18;
	s23 =	sadd.s32 s23, s26;
	s26 =	spop (v2sf)  }
0x60: {  	s18 =	sadd.s32 $0x10, s18;
	[tilespmem:s23+$0x7880] =	vst.msk vm6, v11;
	(xrf0) =	vadd.scan.msk.s32 $0xffff, v19;
	s22 =	sadd.s32 s22, s26  }
0x61: {  	v18 =	vor.u32 s18, v2;
	[tilespmem:s22+$0x8100] =	vst.msk vm4, v11  }
0x62: {  	v19 =	vand.u32 $0xFFF, v18;
	v11 =	vmov s18;
	[tilespmem:s23+$0x79B0] =	vst.msk vm6, v12  }
0x63: {  	vm7 =	vne.s32 v19, $0x0;
	vm5 =	veq.s32 v11, v2;
	[tilespmem:s22+$0x9500] =	vst.msk vm4, v12  }
0x64: {  	vm5 =	vmand vm5, vm7;
	[tilespmem:s23+$0x7AE0] =	vst.msk vm6, v14  }
0x65: {  	v11 =	vshrl.u32 v11, $0xC;
	v19 =	vsel vm5, $0xFFFFFFFF, v3;
	[tilespmem:s22+$0xA900] =	vst.msk vm4, v14;
	v14, _, _ =	vpop (xrf0)  }
0x66: {  	v11 =	vadd.s32 v19, v11;
	[tilespmem:s23+$0x7C10] =	vst.msk vm6, v13;
	(v2sf) =	vpush v14, $0xF;
	v12, _, _ =	vpop (xrf0)  }
0x67: {  	v14 =	vmul.u32 $0xFA0, v11;
	v11 =	vshll.u32 v11, $0xC;
	[tilespmem:s22+$0xBD00] =	vst.msk vm4, v13;
	(v2sf) =	vpush v12, $0xF  }
0x68: {  	v12 =	vsub.s32 v18, v11;
	[tilespmem:s23+$0x7D40] =	vst.msk vm6, v16  }
0x69: {  	v11 =	vadd.s32 v14, v12;
	[tilespmem:s22+$0xD100] =	vst.msk vm4, v16  }
0x6a: {  	v13 =	vsub.s32 v11, v1;
	[tilespmem:s23+$0x7E70] =	vst.msk vm6, v15  }
0x6b: {  	vm5 =	vgt.s32 v13, $0x0;
	[tilespmem:s22+$0xE500] =	vst.msk vm4, v15  }
0x6c: {  	v13 =	vnsel vm5, $0x0, v13;
	[tilespmem:s23+$0x7FA0] =	vst.msk vm6, v17  }
0x6d: {  	s25 =	sshra.s32 s25, $0x2;
	vm5 =	vlt.s32 v12, $0xFA0;
	v13 =	vmin.u32 v13, $0x13FF;
	[tilespmem:s22+$0xF900] =	vst.msk vm4, v17  }
0x6e: {  	v13 =	vshll.u32 v13, $0x2;
	v12 =	vld [tilespmem:s25+$0x0]  }
.Ltmp0:
0x6f: {  	v16 =	vor.u32 $0x1, v13;
	v15 =	vor.u32 $0x2, v13;
	v17 =	vor.u32 $0x3, v13;
	(pc) =	sbr.rel @p0 .LBB2_2-.Ltmp0, $3  }
0x70: {  	_ =	sdelay $0x1  }
0x71: {  	v14 =	vld [tilespmem:s25+$0x1400]  }
0x72: {  	vm4 =	vgt.s32 v12, v10;
	vm7 =	veq.s32 v12, v10;
	v13 =	vld.idx.msk [tilespmem:v13+s17+$0x0], vm5  }
0x73: {  	vm6 =	vmand vm5, vm4  }
0x74: {  	vm4 =	vmand vm5, vm7;
	v10 =	vsel vm6, $0x1, v3  }
0x75: {  	v18 =	vsel vm4, $0x1, v3;
	(xrf0) =	vadd.scan.msk.s32 $0xffff, v10  }
0x76: {  	(xrf0) =	vadd.scan.msk.s32 $0xffff, v18;
	_ =	sdelay $0x4  }
0x77: {  	v10, _, _ =	vpop (xrf0)  }
0x78: {  	(v2sf) =	vpush v10, $0xF;
	v10, _, _ =	vpop (xrf0)  }
0x79: {  	(v2sf) =	vpush v10, $0xF;
	_ =	sdelay $0x5  }
0x7a: {  	v16 =	vld.idx.msk [tilespmem:v16+s17+$0x0], vm5;
	s18 =	spop (v2sf)  }
0x7b: {  	v15 =	vld.idx.msk [tilespmem:v15+s17+$0x0], vm5;
	s18 =	sadd.s32 s23, s18;
	s25 =	spop (v2sf)  }
0x7c: {  	s22 =	sadd.s32 s22, s25;
	v10 =	vld.idx.msk [tilespmem:v17+s17+$0x0], vm5;
	[tilespmem:s18+$0x7880] =	vst.msk vm6, v11  }
0x7d: {  	[tilespmem:s22+$0x8100] =	vst.msk vm4, v11  }
0x7e: {  	[tilespmem:s18+$0x79B0] =	vst.msk vm6, v12  }
0x7f: {  	[tilespmem:s22+$0x9500] =	vst.msk vm4, v12  }
0x80: {  	[tilespmem:s18+$0x7AE0] =	vst.msk vm6, v14  }
0x81: {  	[tilespmem:s22+$0xA900] =	vst.msk vm4, v14  }
0x82: {  	[tilespmem:s18+$0x7C10] =	vst.msk vm6, v13;
	s26 =	spop (v2sf)  }
0x83: {  	[tilespmem:s22+$0xBD00] =	vst.msk vm4, v13;
	s24 =	spop (v2sf)  }
0x84: {  	[tilespmem:s18+$0x7D40] =	vst.msk vm6, v16;
	s24 =	sadd.s32 s22, s24  }
0x85: {  	[tilespmem:s22+$0xD100] =	vst.msk vm4, v16;
	p0 =	slt.s32 s24, $0x130  }
0x86: {  	[tilespmem:s18+$0x7E70] =	vst.msk vm6, v15;
	s23 =	sadd.s32 s18, s26;
	s24 =	simm.s32 @!p0 $0x130  }
0x87: {  	[tilespmem:s22+$0xE500] =	vst.msk vm4, v15;
	v11 =	vmov s23;
	v12 =	vmov s24  }
0x88: {  	[tilespmem:s18+$0x7FA0] =	vst.msk vm6, v10;
	v11 =	vnsel vm0, $0x0, v11;
	v12 =	vnsel vm1, $0x0, v12  }
0x89: {  	[tilespmem:s22+$0xF900] =	vst.msk vm4, v10;
	v10 =	vadd.s32 v11, v12  }
0x8a: {  	s3 =	rddreg [dreg:$0x8];
	s31 =	simm.s32 $0x10D00;
	[tilespmem:$0x10D00] =	vst v10  }
0x8b: {  	[spmem:s3] =	stream.linear.scatter [tilespmem:s31], [sflag:$0x1], $0x10, $0x38;
	[tilespmem:$0x13DB0] =	vst v63  }
0x8c: {  	_ =	swait.ge [sflag:s16], $0x10  }
0x8d: {  	[sflag:s16] =	ssyncset.done $0x0  }
0x8e: {  	s18 =	simm.s32 $0x7880;
	[sflag:s16] =	ssyncadd.s32 $0xFFFFFFF0  }
0x8f: {  	[spmem:s9] =	stream.linear.scatter [tilespmem:s18], [sflag:$0x1], $0x130, $0x38;
	[tilespmem:$0x13DB0] =	vst v63  }
0x90: {  	_ =	swait.ge [sflag:s16], $0x130  }
0x91: {  	[sflag:s16] =	ssyncset.done $0x0  }
0x92: {  	s23 =	simm.s32 $0x8100;
	s22 =	rddreg [dreg:$0x19];
	[sflag:s16] =	ssyncadd.s32 $0xFFFFFED0  }
0x93: {  	[spmem:s22] =	stream.linear.scatter [tilespmem:s23], [sflag:$0x1], $0x130, $0x38;
	[tilespmem:$0x13DB0] =	vst v63  }
0x94: {  	_ =	swait.ge [sflag:s16], $0x130  }
0x95: {  	[sflag:s16] =	ssyncset.done $0x0  }
0x96: {  	s25 =	simm.s32 $0x79B0;
	s24 =	rddreg [dreg:$0x1a];
	[sflag:s16] =	ssyncadd.s32 $0xFFFFFED0  }
0x97: {  	[spmem:s24] =	stream.linear.scatter [tilespmem:s25], [sflag:$0x1], $0x130, $0x38;
	[tilespmem:$0x13DB0] =	vst v63  }
0x98: {  	_ =	swait.ge [sflag:s16], $0x130  }
0x99: {  	[sflag:s16] =	ssyncset.done $0x0  }
0x9a: {  	s31 =	simm.s32 $0x9500;
	s26 =	rddreg [dreg:$0x1b];
	[sflag:s16] =	ssyncadd.s32 $0xFFFFFED0  }
0x9b: {  	[spmem:s26] =	stream.linear.scatter [tilespmem:s31], [sflag:$0x1], $0x130, $0x38;
	[tilespmem:$0x13DB0] =	vst v63  }
0x9c: {  	_ =	swait.ge [sflag:s16], $0x130  }
0x9d: {  	[sflag:s16] =	ssyncset.done $0x0  }
0x9e: {  	s22 =	simm.s32 $0x7AE0;
	s18 =	rddreg [dreg:$0x1c];
	[sflag:s16] =	ssyncadd.s32 $0xFFFFFED0  }
0x9f: {  	[spmem:s18] =	stream.linear.scatter [tilespmem:s22], [sflag:$0x1], $0x130, $0x38;
	[tilespmem:$0x13DB0] =	vst v63  }
0xa0: {  	_ =	swait.ge [sflag:s16], $0x130  }
0xa1: {  	[sflag:s16] =	ssyncset.done $0x0  }
0xa2: {  	s24 =	simm.s32 $0xA900;
	s23 =	rddreg [dreg:$0x1d];
	[sflag:s16] =	ssyncadd.s32 $0xFFFFFED0  }
0xa3: {  	[spmem:s23] =	stream.linear.scatter [tilespmem:s24], [sflag:$0x1], $0x130, $0x38;
	[tilespmem:$0x13DB0] =	vst v63  }
0xa4: {  	_ =	swait.ge [sflag:s16], $0x130  }
0xa5: {  	[sflag:s16] =	ssyncset.done $0x0  }
0xa6: {  	s25 =	simm.s32 $0x7C10;
	[sflag:s16] =	ssyncadd.s32 $0xFFFFFED0  }
0xa7: {  	[spmem:s0] =	stream.linear.scatter [tilespmem:s25], [sflag:$0x1], $0x130, $0x38;
	[tilespmem:$0x13DB0] =	vst v63  }
0xa8: {  	_ =	swait.ge [sflag:s16], $0x130  }
0xa9: {  	[sflag:s16] =	ssyncset.done $0x0  }
0xaa: {  	s26 =	simm.s32 $0xBD00;
	[sflag:s16] =	ssyncadd.s32 $0xFFFFFED0  }
0xab: {  	[spmem:s2] =	stream.linear.scatter [tilespmem:s26], [sflag:$0x1], $0x130, $0x38;
	[tilespmem:$0x13DB0] =	vst v63  }
0xac: {  	_ =	swait.ge [sflag:s16], $0x130  }
0xad: {  	[sflag:s16] =	ssyncset.done $0x0  }
0xae: {  	s31 =	simm.s32 $0x7D40;
	[sflag:s16] =	ssyncadd.s32 $0xFFFFFED0  }
0xaf: {  	[spmem:s5] =	stream.linear.scatter [tilespmem:s31], [sflag:$0x1], $0x130, $0x38;
	[tilespmem:$0x13DB0] =	vst v63  }
0xb0: {  	_ =	swait.ge [sflag:s16], $0x130  }
0xb1: {  	[sflag:s16] =	ssyncset.done $0x0  }
0xb2: {  	s18 =	simm.s32 $0xD100;
	[sflag:s16] =	ssyncadd.s32 $0xFFFFFED0  }
0xb3: {  	[spmem:s6] =	stream.linear.scatter [tilespmem:s18], [sflag:$0x1], $0x130, $0x38;
	[tilespmem:$0x13DB0] =	vst v63  }
0xb4: {  	_ =	swait.ge [sflag:s16], $0x130  }
0xb5: {  	[sflag:s16] =	ssyncset.done $0x0  }
0xb6: {  	s22 =	simm.s32 $0x7E70;
	[sflag:s16] =	ssyncadd.s32 $0xFFFFFED0  }
0xb7: {  	[spmem:s7] =	stream.linear.scatter [tilespmem:s22], [sflag:$0x1], $0x130, $0x38;
	[tilespmem:$0x13DB0] =	vst v63  }
0xb8: {  	_ =	swait.ge [sflag:s16], $0x130  }
0xb9: {  	[sflag:s16] =	ssyncset.done $0x0  }
0xba: {  	s23 =	simm.s32 $0xE500;
	[sflag:s16] =	ssyncadd.s32 $0xFFFFFED0  }
0xbb: {  	[spmem:s8] =	stream.linear.scatter [tilespmem:s23], [sflag:$0x1], $0x130, $0x38;
	[tilespmem:$0x13DB0] =	vst v63  }
0xbc: {  	_ =	swait.ge [sflag:s16], $0x130  }
0xbd: {  	[sflag:s16] =	ssyncset.done $0x0  }
0xbe: {  	s24 =	simm.s32 $0x7FA0;
	[sflag:s16] =	ssyncadd.s32 $0xFFFFFED0  }
0xbf: {  	[spmem:s10] =	stream.linear.scatter [tilespmem:s24], [sflag:$0x1], $0x130, $0x38;
	[tilespmem:$0x13DB0] =	vst v63  }
0xc0: {  	_ =	swait.ge [sflag:s16], $0x130  }
0xc1: {  	[sflag:s16] =	ssyncset.done $0x0  }
0xc2: {  	s25 =	simm.s32 $0xF900;
	[sflag:s16] =	ssyncadd.s32 $0xFFFFFED0  }
0xc3: {  	[spmem:s12] =	stream.linear.scatter [tilespmem:s25], [sflag:$0x1], $0x130, $0x38;
	[tilespmem:$0x13DB0] =	vst v63  }
0xc4: {  	_ =	swait.ge [sflag:s16], $0x130  }
0xc5: {  	[sflag:s16] =	ssyncset.done $0x0  }
0xc6: {  	[sflag:s16] =	ssyncadd.s32 $0xFFFFFED0  }
0xc7: {  	[bflag:$0x0] =	sbarrier.arrive $0xFFFF  }
0xc8: {  	s31 =	simm.s32 $0x10D80;
	s26 =	rddreg [dreg:$0x9]  }
0xc9: {  	[tilespmem:s31], [sflag:$0x1] =	stream.linear.gather [spmem:s26], $0x40, $0x38;
	[tilespmem:$0x13DB0] =	vst v63  }
0xca: {  	_ =	swait.ge [sflag:s16], $0x40  }
0xcb: {  	[sflag:s16] =	ssyncset.done $0x0  }
0xcc: {  	[sflag:s16] =	ssyncadd.s32 $0xFFFFFFC0  }
0xcd: {  	v11 =	vld [tilespmem:$0x10D80];
	_ =	sdelay $0x1  }
0xce: {  	v16 =	vld [tilespmem:$0x10D90]  }
0xcf: {  	v12 =	vld [tilespmem:$0x10DA0]  }
0xd0: {  	v10 =	vld [tilespmem:$0x10DB0]  }
0xd1: {  	v13 =	vnsel vm2, $0x0, v11  }
0xd2: {  	v11 =	vsel vm3, $0x0, v11;
	(xrf0) =	vadd.scan.msk.s32 $0xffff, v13  }
0xd3: {  	(xrf0) =	vadd.scan.msk.s32 $0xffff, v11;
	v11 =	vnsel vm2, $0x0, v16  }
0xd4: {  	(xrf0) =	vadd.scan.msk.s32 $0xffff, v11;
	v11 =	vnsel vm2, $0x0, v12  }
0xd5: {  	(xrf0) =	vadd.scan.msk.s32 $0xffff, v11;
	v11 =	vnsel vm2, $0x0, v10  }
0xd6: {  	(xrf0) =	vadd.scan.msk.s32 $0xffff, v11;
	_ =	sdelay $0x1  }
0xd7: {  	v14, _, _ =	vpop (xrf0)  }
0xd8: {  	v11, _, _ =	vpop (xrf0);
	(v2sf) =	vpush v14, $0xF  }
0xd9: {  	v15, _, _ =	vpop (xrf0);
	(v2sf) =	vpush v11, $0xF  }
0xda: {  	(v2sf) =	vpush v15, $0xF;
	v13, _, _ =	vpop (xrf0)  }
0xdb: {  	(v2sf) =	vpush v13, $0xF;
	v11, _, _ =	vpop (xrf0)  }
0xdc: {  	(v2sf) =	vpush v11, $0xF;
	_ =	sdelay $0x9  }
0xdd: {  	[tilespmem:s19], [sflag:$0x1] =	stream.linear.gather [spmem:s11], $0x10A0, $0x38;
	[tilespmem:$0x13DB0] =	vst v63  }
0xde: {  	s26 =	spop (v2sf)  }
0xdf: {  	s25 =	spop (v2sf)  }
0xe0: {  	s22 =	spop (v2sf)  }
0xe1: {  	s23 =	spop (v2sf)  }
0xe2: {  	s24 =	sadd.s32 s26, s22;
	s31 =	spop (v2sf)  }
0xe3: {  	s29 =	simm.s32 $0x0;
	v14 =	vbroadcast v14, $0xF;
	s22 =	sadd.s32 s23, s24;
	_ =	swait.ge [sflag:s16], $0x10A0  }
0xe4: {  	v25 =	vor.u32 s29, v2;
	s18 =	sadd.s32 s31, s22;
	[sflag:s16] =	ssyncset.done $0x0  }
0xe5: {  	s28 =	simm.s32 $0x11650;
	vm5 =	vlt.s32 v25, v14;
	s23 =	ssub.s32 $0x12C, s18;
	[sflag:s16] =	ssyncadd.s32 $0xFFFFEF60  }
0xe6: {  	p0 =	sgt.s32 s23, $0x0;
	s30 =	smov.u32 s23;
	v19 =	vld [tilespmem:s28+$0xFFFFF7B0]  }
0xe7: {  	s30 =	simm.s32 @!p0 $0x0  }
0xe8: {  	p0 =	slt.s32 s25, s30  }
0xe9: {  	s30 =	smov.u32 @p0 s25  }
0xea: {  	v18 =	vmov s30  }
0xeb: {  	v17 =	vmov s18;
	vm4 =	vlt.s32 v25, v18;
	[tilespmem:v25+s20+$0x0] =	vst.idx.msk vm5, v19  }
0xec: {  	v20 =	vadd.s32 v17, v25;
	v19 =	vld [tilespmem:s28+$0x0];
	_ =	sdelay $0x4  }
0xed: {  	[tilespmem:v20+s20+$0x0] =	vst.idx.msk vm4, v19  }
0xee: {  	v21 =	vor.u32 s29, v4;
	v20 =	vld [tilespmem:s28+$0xFFFFF8E0];
	_ =	sdelay $0x3  }
0xef: {  	s30 =	sadd.s32 $0x200, s18  }
0xf0: {  	v19 =	vmov s30;
	s30 =	sand.u32 $0x1F0, s29;
	[tilespmem:v21+s20+$0x0] =	vst.idx.msk vm5, v20  }
0xf1: {  	v21 =	vadd.s32 v19, v25;
	v20 =	vld [tilespmem:s30+$0x11780];
	_ =	sdelay $0x4  }
0xf2: {  	[tilespmem:v21+s20+$0x0] =	vst.idx.msk vm4, v20  }
0xf3: {  	v22 =	vor.u32 s29, v5;
	v21 =	vld [tilespmem:s28+$0xFFFFFA10];
	_ =	sdelay $0x3  }
0xf4: {  	s30 =	sadd.s32 $0x400, s18  }
0xf5: {  	v20 =	vmov s30;
	[tilespmem:v22+s20+$0x0] =	vst.idx.msk vm5, v21  }
0xf6: {  	v22 =	vadd.s32 v20, v25;
	v21 =	vld [tilespmem:s28+$0x260];
	_ =	sdelay $0x4  }
0xf7: {  	[tilespmem:v22+s20+$0x0] =	vst.idx.msk vm4, v21  }
0xf8: {  	v23 =	vor.u32 s29, v6;
	v22 =	vld [tilespmem:s28+$0xFFFFFB40];
	_ =	sdelay $0x3  }
0xf9: {  	s30 =	sadd.s32 $0x600, s18  }
0xfa: {  	v21 =	vmov s30;
	[tilespmem:v23+s20+$0x0] =	vst.idx.msk vm5, v22  }
0xfb: {  	v23 =	vadd.s32 v21, v25;
	v22 =	vld [tilespmem:s28+$0x390];
	_ =	sdelay $0x4  }
0xfc: {  	[tilespmem:v23+s20+$0x0] =	vst.idx.msk vm4, v22  }
0xfd: {  	v24 =	vor.u32 s29, v7;
	v23 =	vld [tilespmem:s28+$0xFFFFFC70];
	_ =	sdelay $0x3  }
0xfe: {  	s30 =	sadd.s32 $0x800, s18  }
0xff: {  	v22 =	vmov s30;
	[tilespmem:v24+s20+$0x0] =	vst.idx.msk vm5, v23  }
0x100: {  	v24 =	vadd.s32 v22, v25;
	v23 =	vld [tilespmem:s28+$0x4C0];
	_ =	sdelay $0x4  }
0x101: {  	[tilespmem:v24+s20+$0x0] =	vst.idx.msk vm4, v23  }
0x102: {  	v26 =	vor.u32 s29, v8;
	v24 =	vld [tilespmem:s28+$0xFFFFFDA0];
	_ =	sdelay $0x3  }
0x103: {  	s30 =	sadd.s32 $0xA00, s18  }
0x104: {  	v23 =	vmov s30;
	[tilespmem:v26+s20+$0x0] =	vst.idx.msk vm5, v24  }
0x105: {  	v26 =	vadd.s32 v23, v25;
	v24 =	vld [tilespmem:s28+$0x5F0];
	_ =	sdelay $0x4  }
0x106: {  	[tilespmem:v26+s20+$0x0] =	vst.idx.msk vm4, v24  }
0x107: {  	v27 =	vor.u32 s29, v9;
	v26 =	vld [tilespmem:s28+$0xFFFFFED0];
	_ =	sdelay $0x3  }
0x108: {  	s29 =	sadd.s32 $0xC00, s18  }
0x109: {  	v24 =	vmov s29;
	[tilespmem:v27+s20+$0x0] =	vst.idx.msk vm5, v26  }
0x10a: {  	v27 =	vadd.s32 v24, v25;
	v26 =	vld [tilespmem:s28+$0x720];
	_ =	sdelay $0x2  }
0x10b: {  	s29 =	simm.s32 $0x10  }
0x10c: {  	s30 =	simm.s32 $0x20;
	v25 =	vor.u32 s29, v2  }
.LBB2_4:
0x10d: {  	p0 =	sne.s32 s30, $0x120;
	vm5 =	vlt.s32 v25, v14;
	[tilespmem:v27+s20+$0x0] =	vst.idx.msk vm4, v26;
	s28 =	sadd.s32 $0x10, s28  }
0x10e: {  	v26 =	vld [tilespmem:s28+$0xFFFFF7B0];
	_ =	sdelay $0x4  }
0x10f: {  	vm4 =	vlt.s32 v25, v18;
	[tilespmem:v25+s20+$0x0] =	vst.idx.msk vm5, v26  }
0x110: {  	v27 =	vadd.s32 v17, v25;
	v26 =	vld [tilespmem:s28+$0x0];
	_ =	sdelay $0x4  }
0x111: {  	[tilespmem:v27+s20+$0x0] =	vst.idx.msk vm4, v26  }
0x112: {  	v27 =	vor.u32 s29, v4;
	v26 =	vld [tilespmem:s28+$0xFFFFF8E0];
	_ =	sdelay $0x4  }
0x113: {  	s31 =	sand.u32 $0x1F0, s29;
	[tilespmem:v27+s20+$0x0] =	vst.idx.msk vm5, v26  }
0x114: {  	v27 =	vadd.s32 v19, v25;
	v26 =	vld [tilespmem:s31+$0x11780];
	_ =	sdelay $0x4  }
0x115: {  	[tilespmem:v27+s20+$0x0] =	vst.idx.msk vm4, v26  }
0x116: {  	v27 =	vor.u32 s29, v5;
	v26 =	vld [tilespmem:s28+$0xFFFFFA10];
	_ =	sdelay $0x4  }
0x117: {  	[tilespmem:v27+s20+$0x0] =	vst.idx.msk vm5, v26  }
0x118: {  	v27 =	vadd.s32 v20, v25;
	v26 =	vld [tilespmem:s28+$0x260];
	_ =	sdelay $0x4  }
0x119: {  	[tilespmem:v27+s20+$0x0] =	vst.idx.msk vm4, v26  }
0x11a: {  	v27 =	vor.u32 s29, v6;
	v26 =	vld [tilespmem:s28+$0xFFFFFB40];
	_ =	sdelay $0x4  }
0x11b: {  	[tilespmem:v27+s20+$0x0] =	vst.idx.msk vm5, v26  }
0x11c: {  	v27 =	vadd.s32 v21, v25;
	v26 =	vld [tilespmem:s28+$0x390];
	_ =	sdelay $0x4  }
0x11d: {  	[tilespmem:v27+s20+$0x0] =	vst.idx.msk vm4, v26  }
0x11e: {  	v27 =	vor.u32 s29, v7;
	v26 =	vld [tilespmem:s28+$0xFFFFFC70];
	_ =	sdelay $0x4  }
0x11f: {  	[tilespmem:v27+s20+$0x0] =	vst.idx.msk vm5, v26  }
0x120: {  	v27 =	vadd.s32 v22, v25;
	v26 =	vld [tilespmem:s28+$0x4C0];
	_ =	sdelay $0x4  }
0x121: {  	[tilespmem:v27+s20+$0x0] =	vst.idx.msk vm4, v26  }
0x122: {  	v27 =	vor.u32 s29, v8;
	v26 =	vld [tilespmem:s28+$0xFFFFFDA0];
	_ =	sdelay $0x4  }
0x123: {  	[tilespmem:v27+s20+$0x0] =	vst.idx.msk vm5, v26  }
0x124: {  	v27 =	vadd.s32 v23, v25;
	v26 =	vld [tilespmem:s28+$0x5F0];
	_ =	sdelay $0x4  }
0x125: {  	[tilespmem:v27+s20+$0x0] =	vst.idx.msk vm4, v26  }
0x126: {  	v27 =	vor.u32 s29, v9;
	s29 =	smov.u32 s30;
	v26 =	vld [tilespmem:s28+$0xFFFFFED0];
	_ =	sdelay $0x4  }
0x127: {  	[tilespmem:v27+s20+$0x0] =	vst.idx.msk vm5, v26  }
.Ltmp1:
0x128: {  	v27 =	vadd.s32 v24, v25;
	v26 =	vld [tilespmem:s28+$0x720];
	(pc) =	sbr.rel @p0 .LBB2_4-.Ltmp1, $2  }
0x129: {  	_ =	sdelay $0x2  }
0x12a: {  	s30 =	sadd.s32 $0x10, s30;
	v25 =	vor.u32 s29, v2  }
0x12b: {  	_ =	sdelay $0x4  }
0x12c: {  	vm5 =	vlt.s32 v25, v14;
	[tilespmem:v27+s20+$0x0] =	vst.idx.msk vm4, v26;
	s28 =	sadd.s32 $0x10, s28  }
0x12d: {  	v26 =	vld [tilespmem:s28+$0xFFFFF7B0];
	_ =	sdelay $0x4  }
0x12e: {  	vm4 =	vlt.s32 v25, v18;
	[tilespmem:v25+s20+$0x0] =	vst.idx.msk vm5, v26  }
0x12f: {  	v17 =	vadd.s32 v17, v25;
	v18 =	vld [tilespmem:s28+$0x0];
	_ =	sdelay $0x4  }
0x130: {  	[tilespmem:v17+s20+$0x0] =	vst.idx.msk vm4, v18  }
0x131: {  	v18 =	vor.u32 s29, v4;
	v17 =	vld [tilespmem:s28+$0xFFFFF8E0];
	_ =	sdelay $0x4  }
0x132: {  	s30 =	sand.u32 $0x1F0, s29;
	[tilespmem:v18+s20+$0x0] =	vst.idx.msk vm5, v17  }
0x133: {  	v18 =	vadd.s32 v19, v25;
	v17 =	vld [tilespmem:s30+$0x11780];
	_ =	sdelay $0x4  }
0x134: {  	[tilespmem:v18+s20+$0x0] =	vst.idx.msk vm4, v17  }
0x135: {  	v18 =	vor.u32 s29, v5;
	v17 =	vld [tilespmem:s28+$0xFFFFFA10];
	_ =	sdelay $0x4  }
0x136: {  	[tilespmem:v18+s20+$0x0] =	vst.idx.msk vm5, v17  }
0x137: {  	v18 =	vadd.s32 v20, v25;
	v17 =	vld [tilespmem:s28+$0x260];
	_ =	sdelay $0x4  }
0x138: {  	[tilespmem:v18+s20+$0x0] =	vst.idx.msk vm4, v17  }
0x139: {  	v18 =	vor.u32 s29, v6;
	v17 =	vld [tilespmem:s28+$0xFFFFFB40];
	_ =	sdelay $0x4  }
0x13a: {  	[tilespmem:v18+s20+$0x0] =	vst.idx.msk vm5, v17  }
0x13b: {  	v18 =	vadd.s32 v21, v25;
	v17 =	vld [tilespmem:s28+$0x390];
	_ =	sdelay $0x4  }
0x13c: {  	[tilespmem:v18+s20+$0x0] =	vst.idx.msk vm4, v17  }
0x13d: {  	v18 =	vor.u32 s29, v7;
	v17 =	vld [tilespmem:s28+$0xFFFFFC70];
	_ =	sdelay $0x4  }
0x13e: {  	[tilespmem:v18+s20+$0x0] =	vst.idx.msk vm5, v17  }
0x13f: {  	v18 =	vadd.s32 v22, v25;
	v17 =	vld [tilespmem:s28+$0x4C0];
	_ =	sdelay $0x4  }
0x140: {  	[tilespmem:v18+s20+$0x0] =	vst.idx.msk vm4, v17  }
0x141: {  	v16 =	vsel vm3, $0x0, v16;
	v18 =	vor.u32 s29, v8;
	v17 =	vld [tilespmem:s28+$0xFFFFFDA0]  }
0x142: {  	(xrf0) =	vadd.scan.msk.s32 $0xffff, v16;
	_ =	sdelay $0x3  }
0x143: {  	[tilespmem:v18+s20+$0x0] =	vst.idx.msk vm5, v17  }
0x144: {  	v17 =	vadd.s32 v23, v25;
	v16 =	vld [tilespmem:s28+$0x5F0]  }
0x145: {  	v18, _, _ =	vpop (xrf0)  }
0x146: {  	(v2sf) =	vpush v18, $0xF;
	_ =	sdelay $0x2  }
0x147: {  	[tilespmem:v17+s20+$0x0] =	vst.idx.msk vm4, v16  }
0x148: {  	v17 =	vor.u32 s29, v9;
	v16 =	vld [tilespmem:s28+$0xFFFFFED0];
	_ =	sdelay $0x4  }
0x149: {  	[tilespmem:v17+s20+$0x0] =	vst.idx.msk vm5, v16  }
0x14a: {  	v17 =	vadd.s32 v24, v25;
	v16 =	vld [tilespmem:s28+$0x720];
	_ =	sdelay $0x4  }
0x14b: {  	s28 =	spop (v2sf);
	[tilespmem:v17+s20+$0x0] =	vst.idx.msk vm4, v16  }
0x14c: {  	[tilespmem:s19], [sflag:$0x1] =	stream.linear.gather [spmem:s13], $0x10A0, $0x38;
	[tilespmem:$0x13DB0] =	vst v63  }
0x14d: {  	v15 =	vbroadcast v15, $0xF;
	s31 =	simm.s32 $0x0;
	_ =	swait.ge [sflag:s16], $0x10A0  }
0x14e: {  	v30 =	vor.u32 s31, v2;
	[sflag:s16] =	ssyncset.done $0x0  }
0x14f: {  	s3 =	ssub.s32 s23, s25;
	s29 =	simm.s32 $0x11650;
	vm5 =	vlt.s32 v30, v15;
	[sflag:s16] =	ssyncadd.s32 $0xFFFFEF60  }
0x150: {  	p0 =	sgt.s32 s3, $0x0;
	v19 =	vadd.s32 v14, v30;
	v18 =	vld [tilespmem:s29+$0xFFFFF7B0]  }
0x151: {  	s3 =	simm.s32 @!p0 $0x0  }
0x152: {  	p0 =	slt.s32 s28, s3  }
0x153: {  	s3 =	smov.u32 @p0 s28  }
0x154: {  	s30 =	sadd.s32 s25, s18;
	v17 =	vmov s3  }
0x155: {  	v16 =	vmov s30;
	vm4 =	vlt.s32 v30, v17;
	[tilespmem:v19+s20+$0x0] =	vst.idx.msk vm5, v18  }
0x156: {  	v20 =	vadd.s32 v16, v30;
	v19 =	vld [tilespmem:s29+$0x0];
	_ =	sdelay $0x3  }
0x157: {  	s3 =	sadd.s32 $0x200, s26  }
0x158: {  	v18 =	vmov s3;
	[tilespmem:v20+s20+$0x0] =	vst.idx.msk vm4, v19  }
0x159: {  	v21 =	vadd.s32 v18, v30;
	v20 =	vld [tilespmem:s29+$0xFFFFF8E0];
	_ =	sdelay $0x3  }
0x15a: {  	s3 =	sadd.s32 $0x200, s30  }
0x15b: {  	s31 =	sand.u32 $0x1F0, s31;
	v19 =	vmov s3;
	[tilespmem:v21+s20+$0x0] =	vst.idx.msk vm5, v20  }
0x15c: {  	v22 =	vadd.s32 v19, v30;
	v21 =	vld [tilespmem:s31+$0x11780];
	_ =	sdelay $0x3  }
0x15d: {  	s31 =	sadd.s32 $0x400, s26  }
0x15e: {  	v20 =	vmov s31;
	[tilespmem:v22+s20+$0x0] =	vst.idx.msk vm4, v21  }
0x15f: {  	v23 =	vadd.s32 v20, v30;
	v22 =	vld [tilespmem:s29+$0xFFFFFA10];
	_ =	sdelay $0x3  }
0x160: {  	s31 =	sadd.s32 $0x400, s30  }
0x161: {  	v21 =	vmov s31;
	[tilespmem:v23+s20+$0x0] =	vst.idx.msk vm5, v22  }
0x162: {  	v24 =	vadd.s32 v21, v30;
	v23 =	vld [tilespmem:s29+$0x260];
	_ =	sdelay $0x3  }
0x163: {  	s31 =	sadd.s32 $0x600, s26  }
0x164: {  	v22 =	vmov s31;
	[tilespmem:v24+s20+$0x0] =	vst.idx.msk vm4, v23  }
0x165: {  	v25 =	vadd.s32 v22, v30;
	v24 =	vld [tilespmem:s29+$0xFFFFFB40];
	_ =	sdelay $0x3  }
0x166: {  	s31 =	sadd.s32 $0x600, s30  }
0x167: {  	v23 =	vmov s31;
	[tilespmem:v25+s20+$0x0] =	vst.idx.msk vm5, v24  }
0x168: {  	v26 =	vadd.s32 v23, v30;
	v25 =	vld [tilespmem:s29+$0x390];
	_ =	sdelay $0x3  }
0x169: {  	s31 =	sadd.s32 $0x800, s26  }
0x16a: {  	v24 =	vmov s31;
	[tilespmem:v26+s20+$0x0] =	vst.idx.msk vm4, v25  }
0x16b: {  	v27 =	vadd.s32 v24, v30;
	v26 =	vld [tilespmem:s29+$0xFFFFFC70];
	_ =	sdelay $0x3  }
0x16c: {  	s31 =	sadd.s32 $0x800, s30  }
0x16d: {  	v25 =	vmov s31;
	[tilespmem:v27+s20+$0x0] =	vst.idx.msk vm5, v26  }
0x16e: {  	v28 =	vadd.s32 v25, v30;
	v27 =	vld [tilespmem:s29+$0x4C0];
	_ =	sdelay $0x3  }
0x16f: {  	s31 =	sadd.s32 $0xA00, s26  }
0x170: {  	v26 =	vmov s31;
	[tilespmem:v28+s20+$0x0] =	vst.idx.msk vm4, v27  }
0x171: {  	v29 =	vadd.s32 v26, v30;
	v28 =	vld [tilespmem:s29+$0xFFFFFDA0];
	_ =	sdelay $0x3  }
0x172: {  	s31 =	sadd.s32 $0xA00, s30  }
0x173: {  	v27 =	vmov s31;
	[tilespmem:v29+s20+$0x0] =	vst.idx.msk vm5, v28  }
0x174: {  	v31 =	vadd.s32 v27, v30;
	v29 =	vld [tilespmem:s29+$0x5F0];
	_ =	sdelay $0x3  }
0x175: {  	s26 =	sadd.s32 $0xC00, s26  }
0x176: {  	v28 =	vmov s26;
	[tilespmem:v31+s20+$0x0] =	vst.idx.msk vm4, v29  }
0x177: {  	v32 =	vadd.s32 v28, v30;
	v31 =	vld [tilespmem:s29+$0xFFFFFED0];
	_ =	sdelay $0x3  }
0x178: {  	s31 =	sadd.s32 $0xC00, s30  }
0x179: {  	v29 =	vmov s31;
	[tilespmem:v32+s20+$0x0] =	vst.idx.msk vm5, v31  }
0x17a: {  	v32 =	vadd.s32 v29, v30;
	v31 =	vld [tilespmem:s29+$0x720];
	_ =	sdelay $0x2  }
0x17b: {  	s26 =	simm.s32 $0x10  }
0x17c: {  	s30 =	simm.s32 $0x20;
	v30 =	vor.u32 s26, v2  }
.LBB2_6:
0x17d: {  	p0 =	sne.s32 s30, $0x120;
	vm5 =	vlt.s32 v30, v15;
	[tilespmem:v32+s20+$0x0] =	vst.idx.msk vm4, v31;
	s29 =	sadd.s32 $0x10, s29  }
0x17e: {  	v32 =	vadd.s32 v14, v30;
	v31 =	vld [tilespmem:s29+$0xFFFFF7B0];
	_ =	sdelay $0x4  }
0x17f: {  	vm4 =	vlt.s32 v30, v17;
	[tilespmem:v32+s20+$0x0] =	vst.idx.msk vm5, v31  }
0x180: {  	v32 =	vadd.s32 v16, v30;
	v31 =	vld [tilespmem:s29+$0x0];
	_ =	sdelay $0x4  }
0x181: {  	[tilespmem:v32+s20+$0x0] =	vst.idx.msk vm4, v31  }
0x182: {  	v32 =	vadd.s32 v18, v30;
	v31 =	vld [tilespmem:s29+$0xFFFFF8E0];
	_ =	sdelay $0x4  }
0x183: {  	s3 =	sand.u32 $0x1F0, s26;
	s26 =	smov.u32 s30;
	[tilespmem:v32+s20+$0x0] =	vst.idx.msk vm5, v31  }
0x184: {  	v32 =	vadd.s32 v19, v30;
	v31 =	vld [tilespmem:s3+$0x11780];
	_ =	sdelay $0x4  }
0x185: {  	[tilespmem:v32+s20+$0x0] =	vst.idx.msk vm4, v31  }
0x186: {  	v32 =	vadd.s32 v20, v30;
	v31 =	vld [tilespmem:s29+$0xFFFFFA10];
	_ =	sdelay $0x4  }
0x187: {  	[tilespmem:v32+s20+$0x0] =	vst.idx.msk vm5, v31  }
0x188: {  	v32 =	vadd.s32 v21, v30;
	v31 =	vld [tilespmem:s29+$0x260];
	_ =	sdelay $0x4  }
0x189: {  	[tilespmem:v32+s20+$0x0] =	vst.idx.msk vm4, v31  }
0x18a: {  	v32 =	vadd.s32 v22, v30;
	v31 =	vld [tilespmem:s29+$0xFFFFFB40];
	_ =	sdelay $0x4  }
0x18b: {  	[tilespmem:v32+s20+$0x0] =	vst.idx.msk vm5, v31  }
0x18c: {  	v32 =	vadd.s32 v23, v30;
	v31 =	vld [tilespmem:s29+$0x390];
	_ =	sdelay $0x4  }
0x18d: {  	[tilespmem:v32+s20+$0x0] =	vst.idx.msk vm4, v31  }
0x18e: {  	v32 =	vadd.s32 v24, v30;
	v31 =	vld [tilespmem:s29+$0xFFFFFC70];
	_ =	sdelay $0x4  }
0x18f: {  	[tilespmem:v32+s20+$0x0] =	vst.idx.msk vm5, v31  }
0x190: {  	v32 =	vadd.s32 v25, v30;
	v31 =	vld [tilespmem:s29+$0x4C0];
	_ =	sdelay $0x4  }
0x191: {  	[tilespmem:v32+s20+$0x0] =	vst.idx.msk vm4, v31  }
0x192: {  	v32 =	vadd.s32 v26, v30;
	v31 =	vld [tilespmem:s29+$0xFFFFFDA0];
	_ =	sdelay $0x4  }
0x193: {  	[tilespmem:v32+s20+$0x0] =	vst.idx.msk vm5, v31  }
0x194: {  	v32 =	vadd.s32 v27, v30;
	v31 =	vld [tilespmem:s29+$0x5F0];
	_ =	sdelay $0x4  }
0x195: {  	[tilespmem:v32+s20+$0x0] =	vst.idx.msk vm4, v31  }
0x196: {  	v32 =	vadd.s32 v28, v30;
	v31 =	vld [tilespmem:s29+$0xFFFFFED0];
	_ =	sdelay $0x4  }
0x197: {  	[tilespmem:v32+s20+$0x0] =	vst.idx.msk vm5, v31  }
.Ltmp2:
0x198: {  	v32 =	vadd.s32 v29, v30;
	v31 =	vld [tilespmem:s29+$0x720];
	(pc) =	sbr.rel @p0 .LBB2_6-.Ltmp2, $2  }
0x199: {  	_ =	sdelay $0x2  }
0x19a: {  	s30 =	sadd.s32 $0x10, s30;
	v30 =	vor.u32 s26, v2  }
0x19b: {  	_ =	sdelay $0x4  }
0x19c: {  	vm5 =	vlt.s32 v30, v15;
	[tilespmem:v32+s20+$0x0] =	vst.idx.msk vm4, v31;
	s3 =	sadd.s32 $0x10, s29  }
0x19d: {  	v14 =	vadd.s32 v14, v30;
	v15 =	vld [tilespmem:s3+$0xFFFFF7B0];
	_ =	sdelay $0x4  }
0x19e: {  	vm4 =	vlt.s32 v30, v17;
	[tilespmem:v14+s20+$0x0] =	vst.idx.msk vm5, v15  }
0x19f: {  	v15 =	vadd.s32 v16, v30;
	v14 =	vld [tilespmem:s3+$0x0];
	_ =	sdelay $0x4  }
0x1a0: {  	[tilespmem:v15+s20+$0x0] =	vst.idx.msk vm4, v14  }
0x1a1: {  	v15 =	vadd.s32 v18, v30;
	v14 =	vld [tilespmem:s3+$0xFFFFF8E0];
	_ =	sdelay $0x4  }
0x1a2: {  	s26 =	sand.u32 $0x1F0, s26;
	[tilespmem:v15+s20+$0x0] =	vst.idx.msk vm5, v14  }
0x1a3: {  	v15 =	vadd.s32 v19, v30;
	v14 =	vld [tilespmem:s26+$0x11780];
	_ =	sdelay $0x4  }
0x1a4: {  	[tilespmem:v15+s20+$0x0] =	vst.idx.msk vm4, v14  }
0x1a5: {  	v15 =	vadd.s32 v20, v30;
	v14 =	vld [tilespmem:s3+$0xFFFFFA10];
	_ =	sdelay $0x4  }
0x1a6: {  	[tilespmem:v15+s20+$0x0] =	vst.idx.msk vm5, v14  }
0x1a7: {  	v15 =	vadd.s32 v21, v30;
	v14 =	vld [tilespmem:s3+$0x260];
	_ =	sdelay $0x4  }
0x1a8: {  	[tilespmem:v15+s20+$0x0] =	vst.idx.msk vm4, v14  }
0x1a9: {  	v15 =	vadd.s32 v22, v30;
	v14 =	vld [tilespmem:s3+$0xFFFFFB40];
	_ =	sdelay $0x4  }
0x1aa: {  	[tilespmem:v15+s20+$0x0] =	vst.idx.msk vm5, v14  }
0x1ab: {  	v15 =	vadd.s32 v23, v30;
	v14 =	vld [tilespmem:s3+$0x390];
	_ =	sdelay $0x4  }
0x1ac: {  	[tilespmem:v15+s20+$0x0] =	vst.idx.msk vm4, v14  }
0x1ad: {  	v15 =	vadd.s32 v24, v30;
	v14 =	vld [tilespmem:s3+$0xFFFFFC70];
	_ =	sdelay $0x4  }
0x1ae: {  	[tilespmem:v15+s20+$0x0] =	vst.idx.msk vm5, v14  }
0x1af: {  	v15 =	vadd.s32 v25, v30;
	v14 =	vld [tilespmem:s3+$0x4C0];
	_ =	sdelay $0x4  }
0x1b0: {  	[tilespmem:v15+s20+$0x0] =	vst.idx.msk vm4, v14  }
0x1b1: {  	v12 =	vsel vm3, $0x0, v12;
	v15 =	vadd.s32 v26, v30;
	v14 =	vld [tilespmem:s3+$0xFFFFFDA0]  }
0x1b2: {  	(xrf0) =	vadd.scan.msk.s32 $0xffff, v12;
	_ =	sdelay $0x3  }
0x1b3: {  	[tilespmem:v15+s20+$0x0] =	vst.idx.msk vm5, v14  }
0x1b4: {  	v14 =	vadd.s32 v27, v30;
	v12 =	vld [tilespmem:s3+$0x5F0]  }
0x1b5: {  	v15, _, _ =	vpop (xrf0)  }
0x1b6: {  	(v2sf) =	vpush v15, $0xF;
	_ =	sdelay $0x2  }
0x1b7: {  	[tilespmem:v14+s20+$0x0] =	vst.idx.msk vm4, v12  }
0x1b8: {  	v14 =	vadd.s32 v28, v30;
	v12 =	vld [tilespmem:s3+$0xFFFFFED0];
	_ =	sdelay $0x4  }
0x1b9: {  	[tilespmem:v14+s20+$0x0] =	vst.idx.msk vm5, v12  }
0x1ba: {  	v14 =	vadd.s32 v29, v30;
	v12 =	vld [tilespmem:s3+$0x720];
	_ =	sdelay $0x4  }
0x1bb: {  	s26 =	spop (v2sf);
	[tilespmem:v14+s20+$0x0] =	vst.idx.msk vm4, v12  }
0x1bc: {  	[tilespmem:s19], [sflag:$0x1] =	stream.linear.gather [spmem:s14], $0x10A0, $0x38;
	[tilespmem:$0x13DB0] =	vst v63  }
0x1bd: {  	s3 =	simm.s32 $0x0;
	v12 =	vbroadcast v13, $0xF;
	_ =	swait.ge [sflag:s16], $0x10A0  }
0x1be: {  	s25 =	sadd.s32 s25, s28;
	v28 =	vor.u32 s3, v2;
	[sflag:s16] =	ssyncset.done $0x0  }
0x1bf: {  	s28 =	simm.s32 $0x11650;
	s30 =	ssub.s32 s23, s25;
	v13 =	vmov s24;
	vm5 =	vlt.s32 v28, v12;
	[sflag:s16] =	ssyncadd.s32 $0xFFFFEF60  }
0x1c0: {  	p0 =	sgt.s32 s30, $0x0;
	v17 =	vadd.s32 v13, v28;
	v16 =	vld [tilespmem:s28+$0xFFFFF7B0]  }
0x1c1: {  	s30 =	simm.s32 @!p0 $0x0  }
0x1c2: {  	p0 =	slt.s32 s26, s30  }
0x1c3: {  	s30 =	smov.u32 @p0 s26  }
0x1c4: {  	s29 =	sadd.s32 s25, s18;
	v15 =	vmov s30  }
0x1c5: {  	v14 =	vmov s29;
	vm4 =	vlt.s32 v28, v15;
	[tilespmem:v17+s20+$0x0] =	vst.idx.msk vm5, v16  }
0x1c6: {  	v18 =	vadd.s32 v14, v28;
	v17 =	vld [tilespmem:s28+$0x0];
	_ =	sdelay $0x3  }
0x1c7: {  	s31 =	sadd.s32 $0x200, s24  }
0x1c8: {  	v16 =	vmov s31;
	[tilespmem:v18+s20+$0x0] =	vst.idx.msk vm4, v17  }
0x1c9: {  	v19 =	vadd.s32 v16, v28;
	v18 =	vld [tilespmem:s28+$0xFFFFF8E0];
	_ =	sdelay $0x3  }
0x1ca: {  	s31 =	sadd.s32 $0x200, s29  }
0x1cb: {  	s3 =	sand.u32 $0x1F0, s3;
	v17 =	vmov s31;
	[tilespmem:v19+s20+$0x0] =	vst.idx.msk vm5, v18  }
0x1cc: {  	v20 =	vadd.s32 v17, v28;
	v19 =	vld [tilespmem:s3+$0x11780];
	_ =	sdelay $0x3  }
0x1cd: {  	s30 =	sadd.s32 $0x400, s24  }
0x1ce: {  	v18 =	vmov s30;
	[tilespmem:v20+s20+$0x0] =	vst.idx.msk vm4, v19  }
0x1cf: {  	v21 =	vadd.s32 v18, v28;
	v20 =	vld [tilespmem:s28+$0xFFFFFA10];
	_ =	sdelay $0x3  }
0x1d0: {  	s31 =	sadd.s32 $0x400, s29  }
0x1d1: {  	v19 =	vmov s31;
	[tilespmem:v21+s20+$0x0] =	vst.idx.msk vm5, v20  }
0x1d2: {  	v22 =	vadd.s32 v19, v28;
	v21 =	vld [tilespmem:s28+$0x260];
	_ =	sdelay $0x3  }
0x1d3: {  	s30 =	sadd.s32 $0x600, s24  }
0x1d4: {  	v20 =	vmov s30;
	[tilespmem:v22+s20+$0x0] =	vst.idx.msk vm4, v21  }
0x1d5: {  	v23 =	vadd.s32 v20, v28;
	v22 =	vld [tilespmem:s28+$0xFFFFFB40];
	_ =	sdelay $0x3  }
0x1d6: {  	s31 =	sadd.s32 $0x600, s29  }
0x1d7: {  	v21 =	vmov s31;
	[tilespmem:v23+s20+$0x0] =	vst.idx.msk vm5, v22  }
0x1d8: {  	v24 =	vadd.s32 v21, v28;
	v23 =	vld [tilespmem:s28+$0x390];
	_ =	sdelay $0x3  }
0x1d9: {  	s30 =	sadd.s32 $0x800, s24  }
0x1da: {  	v22 =	vmov s30;
	[tilespmem:v24+s20+$0x0] =	vst.idx.msk vm4, v23  }
0x1db: {  	v25 =	vadd.s32 v22, v28;
	v24 =	vld [tilespmem:s28+$0xFFFFFC70];
	_ =	sdelay $0x3  }
0x1dc: {  	s31 =	sadd.s32 $0x800, s29  }
0x1dd: {  	v23 =	vmov s31;
	[tilespmem:v25+s20+$0x0] =	vst.idx.msk vm5, v24  }
0x1de: {  	v26 =	vadd.s32 v23, v28;
	v25 =	vld [tilespmem:s28+$0x4C0];
	_ =	sdelay $0x3  }
0x1df: {  	s30 =	sadd.s32 $0xA00, s24  }
0x1e0: {  	v24 =	vmov s30;
	[tilespmem:v26+s20+$0x0] =	vst.idx.msk vm4, v25  }
0x1e1: {  	v27 =	vadd.s32 v24, v28;
	v26 =	vld [tilespmem:s28+$0xFFFFFDA0];
	_ =	sdelay $0x3  }
0x1e2: {  	s31 =	sadd.s32 $0xA00, s29  }
0x1e3: {  	v25 =	vmov s31;
	[tilespmem:v27+s20+$0x0] =	vst.idx.msk vm5, v26  }
0x1e4: {  	v29 =	vadd.s32 v25, v28;
	v27 =	vld [tilespmem:s28+$0x5F0];
	_ =	sdelay $0x3  }
0x1e5: {  	s30 =	sadd.s32 $0xC00, s24  }
0x1e6: {  	v26 =	vmov s30;
	[tilespmem:v29+s20+$0x0] =	vst.idx.msk vm4, v27  }
0x1e7: {  	v30 =	vadd.s32 v26, v28;
	v29 =	vld [tilespmem:s28+$0xFFFFFED0];
	_ =	sdelay $0x3  }
0x1e8: {  	s31 =	sadd.s32 $0xC00, s29  }
0x1e9: {  	v27 =	vmov s31;
	[tilespmem:v30+s20+$0x0] =	vst.idx.msk vm5, v29  }
0x1ea: {  	v30 =	vadd.s32 v27, v28;
	v29 =	vld [tilespmem:s28+$0x720];
	_ =	sdelay $0x2  }
0x1eb: {  	s24 =	simm.s32 $0x10  }
0x1ec: {  	s29 =	simm.s32 $0x20;
	v28 =	vor.u32 s24, v2  }
.LBB2_8:
0x1ed: {  	p0 =	sne.s32 s29, $0x120;
	vm5 =	vlt.s32 v28, v12;
	[tilespmem:v30+s20+$0x0] =	vst.idx.msk vm4, v29;
	s28 =	sadd.s32 $0x10, s28  }
0x1ee: {  	v30 =	vadd.s32 v13, v28;
	v29 =	vld [tilespmem:s28+$0xFFFFF7B0];
	_ =	sdelay $0x4  }
0x1ef: {  	vm4 =	vlt.s32 v28, v15;
	[tilespmem:v30+s20+$0x0] =	vst.idx.msk vm5, v29  }
0x1f0: {  	v30 =	vadd.s32 v14, v28;
	v29 =	vld [tilespmem:s28+$0x0];
	_ =	sdelay $0x4  }
0x1f1: {  	[tilespmem:v30+s20+$0x0] =	vst.idx.msk vm4, v29  }
0x1f2: {  	v30 =	vadd.s32 v16, v28;
	v29 =	vld [tilespmem:s28+$0xFFFFF8E0];
	_ =	sdelay $0x4  }
0x1f3: {  	s3 =	sand.u32 $0x1F0, s24;
	s24 =	smov.u32 s29;
	[tilespmem:v30+s20+$0x0] =	vst.idx.msk vm5, v29  }
0x1f4: {  	v30 =	vadd.s32 v17, v28;
	v29 =	vld [tilespmem:s3+$0x11780];
	_ =	sdelay $0x4  }
0x1f5: {  	[tilespmem:v30+s20+$0x0] =	vst.idx.msk vm4, v29  }
0x1f6: {  	v30 =	vadd.s32 v18, v28;
	v29 =	vld [tilespmem:s28+$0xFFFFFA10];
	_ =	sdelay $0x4  }
0x1f7: {  	[tilespmem:v30+s20+$0x0] =	vst.idx.msk vm5, v29  }
0x1f8: {  	v30 =	vadd.s32 v19, v28;
	v29 =	vld [tilespmem:s28+$0x260];
	_ =	sdelay $0x4  }
0x1f9: {  	[tilespmem:v30+s20+$0x0] =	vst.idx.msk vm4, v29  }
0x1fa: {  	v30 =	vadd.s32 v20, v28;
	v29 =	vld [tilespmem:s28+$0xFFFFFB40];
	_ =	sdelay $0x4  }
0x1fb: {  	[tilespmem:v30+s20+$0x0] =	vst.idx.msk vm5, v29  }
0x1fc: {  	v30 =	vadd.s32 v21, v28;
	v29 =	vld [tilespmem:s28+$0x390];
	_ =	sdelay $0x4  }
0x1fd: {  	[tilespmem:v30+s20+$0x0] =	vst.idx.msk vm4, v29  }
0x1fe: {  	v30 =	vadd.s32 v22, v28;
	v29 =	vld [tilespmem:s28+$0xFFFFFC70];
	_ =	sdelay $0x4  }
0x1ff: {  	[tilespmem:v30+s20+$0x0] =	vst.idx.msk vm5, v29  }
0x200: {  	v30 =	vadd.s32 v23, v28;
	v29 =	vld [tilespmem:s28+$0x4C0];
	_ =	sdelay $0x4  }
0x201: {  	[tilespmem:v30+s20+$0x0] =	vst.idx.msk vm4, v29  }
0x202: {  	v30 =	vadd.s32 v24, v28;
	v29 =	vld [tilespmem:s28+$0xFFFFFDA0];
	_ =	sdelay $0x4  }
0x203: {  	[tilespmem:v30+s20+$0x0] =	vst.idx.msk vm5, v29  }
0x204: {  	v30 =	vadd.s32 v25, v28;
	v29 =	vld [tilespmem:s28+$0x5F0];
	_ =	sdelay $0x4  }
0x205: {  	[tilespmem:v30+s20+$0x0] =	vst.idx.msk vm4, v29  }
0x206: {  	v30 =	vadd.s32 v26, v28;
	v29 =	vld [tilespmem:s28+$0xFFFFFED0];
	_ =	sdelay $0x4  }
0x207: {  	[tilespmem:v30+s20+$0x0] =	vst.idx.msk vm5, v29  }
.Ltmp3:
0x208: {  	v30 =	vadd.s32 v27, v28;
	v29 =	vld [tilespmem:s28+$0x720];
	(pc) =	sbr.rel @p0 .LBB2_8-.Ltmp3, $2  }
0x209: {  	_ =	sdelay $0x2  }
0x20a: {  	s29 =	sadd.s32 $0x10, s29;
	v28 =	vor.u32 s24, v2  }
0x20b: {  	_ =	sdelay $0x4  }
0x20c: {  	vm5 =	vlt.s32 v28, v12;
	[tilespmem:v30+s20+$0x0] =	vst.idx.msk vm4, v29;
	s3 =	sadd.s32 $0x10, s28  }
0x20d: {  	v13 =	vadd.s32 v13, v28;
	v12 =	vld [tilespmem:s3+$0xFFFFF7B0];
	_ =	sdelay $0x4  }
0x20e: {  	vm4 =	vlt.s32 v28, v15;
	[tilespmem:v13+s20+$0x0] =	vst.idx.msk vm5, v12  }
0x20f: {  	v13 =	vadd.s32 v14, v28;
	v12 =	vld [tilespmem:s3+$0x0];
	_ =	sdelay $0x4  }
0x210: {  	[tilespmem:v13+s20+$0x0] =	vst.idx.msk vm4, v12  }
0x211: {  	v13 =	vadd.s32 v16, v28;
	v12 =	vld [tilespmem:s3+$0xFFFFF8E0];
	_ =	sdelay $0x4  }
0x212: {  	s24 =	sand.u32 $0x1F0, s24;
	[tilespmem:v13+s20+$0x0] =	vst.idx.msk vm5, v12  }
0x213: {  	v13 =	vadd.s32 v17, v28;
	v12 =	vld [tilespmem:s24+$0x11780];
	_ =	sdelay $0x4  }
0x214: {  	[tilespmem:v13+s20+$0x0] =	vst.idx.msk vm4, v12  }
0x215: {  	v13 =	vadd.s32 v18, v28;
	v12 =	vld [tilespmem:s3+$0xFFFFFA10];
	_ =	sdelay $0x4  }
0x216: {  	[tilespmem:v13+s20+$0x0] =	vst.idx.msk vm5, v12  }
0x217: {  	v13 =	vadd.s32 v19, v28;
	v12 =	vld [tilespmem:s3+$0x260];
	_ =	sdelay $0x4  }
0x218: {  	[tilespmem:v13+s20+$0x0] =	vst.idx.msk vm4, v12  }
0x219: {  	v13 =	vadd.s32 v20, v28;
	v12 =	vld [tilespmem:s3+$0xFFFFFB40];
	_ =	sdelay $0x4  }
0x21a: {  	[tilespmem:v13+s20+$0x0] =	vst.idx.msk vm5, v12  }
0x21b: {  	v13 =	vadd.s32 v21, v28;
	v12 =	vld [tilespmem:s3+$0x390];
	_ =	sdelay $0x4  }
0x21c: {  	[tilespmem:v13+s20+$0x0] =	vst.idx.msk vm4, v12  }
0x21d: {  	v13 =	vadd.s32 v22, v28;
	v12 =	vld [tilespmem:s3+$0xFFFFFC70];
	_ =	sdelay $0x4  }
0x21e: {  	[tilespmem:v13+s20+$0x0] =	vst.idx.msk vm5, v12  }
0x21f: {  	v13 =	vadd.s32 v23, v28;
	v12 =	vld [tilespmem:s3+$0x4C0];
	_ =	sdelay $0x4  }
0x220: {  	[tilespmem:v13+s20+$0x0] =	vst.idx.msk vm4, v12  }
0x221: {  	v10 =	vsel vm3, $0x0, v10;
	v13 =	vadd.s32 v24, v28;
	v12 =	vld [tilespmem:s3+$0xFFFFFDA0]  }
0x222: {  	(xrf0) =	vadd.scan.msk.s32 $0xffff, v10;
	_ =	sdelay $0x3  }
0x223: {  	[tilespmem:v13+s20+$0x0] =	vst.idx.msk vm5, v12  }
0x224: {  	v12 =	vadd.s32 v25, v28;
	v10 =	vld [tilespmem:s3+$0x5F0]  }
0x225: {  	v13, _, _ =	vpop (xrf0)  }
0x226: {  	(v2sf) =	vpush v13, $0xF;
	_ =	sdelay $0x2  }
0x227: {  	[tilespmem:v12+s20+$0x0] =	vst.idx.msk vm4, v10  }
0x228: {  	v12 =	vadd.s32 v26, v28;
	v10 =	vld [tilespmem:s3+$0xFFFFFED0];
	_ =	sdelay $0x4  }
0x229: {  	[tilespmem:v12+s20+$0x0] =	vst.idx.msk vm5, v10  }
0x22a: {  	v12 =	vadd.s32 v27, v28;
	v10 =	vld [tilespmem:s3+$0x720];
	_ =	sdelay $0x4  }
0x22b: {  	s3 =	spop (v2sf);
	[tilespmem:v12+s20+$0x0] =	vst.idx.msk vm4, v10  }
0x22c: {  	[tilespmem:s19], [sflag:$0x1] =	stream.linear.gather [spmem:s15], $0x10A0, $0x38;
	[tilespmem:$0x13DB0] =	vst v63  }
0x22d: {  	s31 =	simm.s32 $0x0;
	v10 =	vbroadcast v11, $0xF;
	_ =	swait.ge [sflag:s16], $0x10A0  }
0x22e: {  	s25 =	sadd.s32 s26, s25;
	v26 =	vor.u32 s31, v2;
	[sflag:s16] =	ssyncset.done $0x0  }
0x22f: {  	s26 =	ssub.s32 s23, s25;
	s23 =	simm.s32 $0x11650;
	v11 =	vmov s22;
	vm5 =	vlt.s32 v26, v10;
	[sflag:s16] =	ssyncadd.s32 $0xFFFFEF60  }
0x230: {  	p0 =	sgt.s32 s26, $0x0;
	v15 =	vadd.s32 v11, v26;
	v14 =	vld [tilespmem:s23+$0xFFFFF7B0]  }
0x231: {  	s26 =	simm.s32 @!p0 $0x0  }
0x232: {  	p0 =	slt.s32 s3, s26  }
0x233: {  	s26 =	smov.u32 @p0 s3  }
0x234: {  	s18 =	sadd.s32 s25, s18;
	v13 =	vmov s26  }
0x235: {  	v12 =	vmov s18;
	vm4 =	vlt.s32 v26, v13;
	[tilespmem:v15+s20+$0x0] =	vst.idx.msk vm5, v14  }
0x236: {  	v16 =	vadd.s32 v12, v26;
	v15 =	vld [tilespmem:s23+$0x0];
	_ =	sdelay $0x3  }
0x237: {  	s25 =	sadd.s32 $0x200, s22  }
0x238: {  	v14 =	vmov s25;
	[tilespmem:v16+s20+$0x0] =	vst.idx.msk vm4, v15  }
0x239: {  	v17 =	vadd.s32 v14, v26;
	v16 =	vld [tilespmem:s23+$0xFFFFF8E0];
	_ =	sdelay $0x3  }
0x23a: {  	s26 =	sadd.s32 $0x200, s18  }
0x23b: {  	s28 =	sand.u32 $0x1F0, s31;
	v15 =	vmov s26;
	[tilespmem:v17+s20+$0x0] =	vst.idx.msk vm5, v16  }
0x23c: {  	v18 =	vadd.s32 v15, v26;
	v17 =	vld [tilespmem:s28+$0x11780];
	_ =	sdelay $0x3  }
0x23d: {  	s29 =	sadd.s32 $0x400, s22  }
0x23e: {  	v16 =	vmov s29;
	[tilespmem:v18+s20+$0x0] =	vst.idx.msk vm4, v17  }
0x23f: {  	v19 =	vadd.s32 v16, v26;
	v18 =	vld [tilespmem:s23+$0xFFFFFA10];
	_ =	sdelay $0x3  }
0x240: {  	s30 =	sadd.s32 $0x400, s18  }
0x241: {  	v17 =	vmov s30;
	[tilespmem:v19+s20+$0x0] =	vst.idx.msk vm5, v18  }
0x242: {  	v20 =	vadd.s32 v17, v26;
	v19 =	vld [tilespmem:s23+$0x260];
	_ =	sdelay $0x3  }
0x243: {  	s31 =	sadd.s32 $0x600, s22  }
0x244: {  	v18 =	vmov s31;
	[tilespmem:v20+s20+$0x0] =	vst.idx.msk vm4, v19  }
0x245: {  	v21 =	vadd.s32 v18, v26;
	v20 =	vld [tilespmem:s23+$0xFFFFFB40];
	_ =	sdelay $0x3  }
0x246: {  	s24 =	sadd.s32 $0x600, s18  }
0x247: {  	v19 =	vmov s24;
	[tilespmem:v21+s20+$0x0] =	vst.idx.msk vm5, v20  }
0x248: {  	v22 =	vadd.s32 v19, v26;
	v21 =	vld [tilespmem:s23+$0x390];
	_ =	sdelay $0x3  }
0x249: {  	s25 =	sadd.s32 $0x800, s22  }
0x24a: {  	v20 =	vmov s25;
	[tilespmem:v22+s20+$0x0] =	vst.idx.msk vm4, v21  }
0x24b: {  	v23 =	vadd.s32 v20, v26;
	v22 =	vld [tilespmem:s23+$0xFFFFFC70];
	_ =	sdelay $0x3  }
0x24c: {  	s26 =	sadd.s32 $0x800, s18  }
0x24d: {  	v21 =	vmov s26;
	[tilespmem:v23+s20+$0x0] =	vst.idx.msk vm5, v22  }
0x24e: {  	v24 =	vadd.s32 v21, v26;
	v23 =	vld [tilespmem:s23+$0x4C0];
	_ =	sdelay $0x3  }
0x24f: {  	s28 =	sadd.s32 $0xA00, s22  }
0x250: {  	v22 =	vmov s28;
	[tilespmem:v24+s20+$0x0] =	vst.idx.msk vm4, v23  }
0x251: {  	v25 =	vadd.s32 v22, v26;
	v24 =	vld [tilespmem:s23+$0xFFFFFDA0];
	_ =	sdelay $0x3  }
0x252: {  	s29 =	sadd.s32 $0xA00, s18  }
0x253: {  	v23 =	vmov s29;
	[tilespmem:v25+s20+$0x0] =	vst.idx.msk vm5, v24  }
0x254: {  	v27 =	vadd.s32 v23, v26;
	v25 =	vld [tilespmem:s23+$0x5F0];
	_ =	sdelay $0x3  }
0x255: {  	s30 =	sadd.s32 $0xC00, s22  }
0x256: {  	v24 =	vmov s30;
	[tilespmem:v27+s20+$0x0] =	vst.idx.msk vm4, v25  }
0x257: {  	v28 =	vadd.s32 v24, v26;
	v27 =	vld [tilespmem:s23+$0xFFFFFED0];
	_ =	sdelay $0x3  }
0x258: {  	s31 =	sadd.s32 $0xC00, s18  }
0x259: {  	v25 =	vmov s31;
	[tilespmem:v28+s20+$0x0] =	vst.idx.msk vm5, v27  }
0x25a: {  	v28 =	vadd.s32 v25, v26;
	v27 =	vld [tilespmem:s23+$0x720];
	_ =	sdelay $0x2  }
0x25b: {  	s18 =	simm.s32 $0x10  }
0x25c: {  	s22 =	simm.s32 $0x20;
	v26 =	vor.u32 s18, v2  }
.LBB2_10:
0x25d: {  	p0 =	sne.s32 s22, $0x120;
	vm5 =	vlt.s32 v26, v10;
	[tilespmem:v28+s20+$0x0] =	vst.idx.msk vm4, v27;
	s23 =	sadd.s32 $0x10, s23  }
0x25e: {  	v28 =	vadd.s32 v11, v26;
	v27 =	vld [tilespmem:s23+$0xFFFFF7B0];
	_ =	sdelay $0x4  }
0x25f: {  	vm4 =	vlt.s32 v26, v13;
	[tilespmem:v28+s20+$0x0] =	vst.idx.msk vm5, v27  }
0x260: {  	v28 =	vadd.s32 v12, v26;
	v27 =	vld [tilespmem:s23+$0x0];
	_ =	sdelay $0x4  }
0x261: {  	[tilespmem:v28+s20+$0x0] =	vst.idx.msk vm4, v27  }
0x262: {  	v28 =	vadd.s32 v14, v26;
	v27 =	vld [tilespmem:s23+$0xFFFFF8E0];
	_ =	sdelay $0x4  }
0x263: {  	s3 =	sand.u32 $0x1F0, s18;
	s18 =	smov.u32 s22;
	[tilespmem:v28+s20+$0x0] =	vst.idx.msk vm5, v27  }
0x264: {  	v28 =	vadd.s32 v15, v26;
	v27 =	vld [tilespmem:s3+$0x11780];
	_ =	sdelay $0x4  }
0x265: {  	[tilespmem:v28+s20+$0x0] =	vst.idx.msk vm4, v27  }
0x266: {  	v28 =	vadd.s32 v16, v26;
	v27 =	vld [tilespmem:s23+$0xFFFFFA10];
	_ =	sdelay $0x4  }
0x267: {  	[tilespmem:v28+s20+$0x0] =	vst.idx.msk vm5, v27  }
0x268: {  	v28 =	vadd.s32 v17, v26;
	v27 =	vld [tilespmem:s23+$0x260];
	_ =	sdelay $0x4  }
0x269: {  	[tilespmem:v28+s20+$0x0] =	vst.idx.msk vm4, v27  }
0x26a: {  	v28 =	vadd.s32 v18, v26;
	v27 =	vld [tilespmem:s23+$0xFFFFFB40];
	_ =	sdelay $0x4  }
0x26b: {  	[tilespmem:v28+s20+$0x0] =	vst.idx.msk vm5, v27  }
0x26c: {  	v28 =	vadd.s32 v19, v26;
	v27 =	vld [tilespmem:s23+$0x390];
	_ =	sdelay $0x4  }
0x26d: {  	[tilespmem:v28+s20+$0x0] =	vst.idx.msk vm4, v27  }
0x26e: {  	v28 =	vadd.s32 v20, v26;
	v27 =	vld [tilespmem:s23+$0xFFFFFC70];
	_ =	sdelay $0x4  }
0x26f: {  	[tilespmem:v28+s20+$0x0] =	vst.idx.msk vm5, v27  }
0x270: {  	v28 =	vadd.s32 v21, v26;
	v27 =	vld [tilespmem:s23+$0x4C0];
	_ =	sdelay $0x4  }
0x271: {  	[tilespmem:v28+s20+$0x0] =	vst.idx.msk vm4, v27  }
0x272: {  	v28 =	vadd.s32 v22, v26;
	v27 =	vld [tilespmem:s23+$0xFFFFFDA0];
	_ =	sdelay $0x4  }
0x273: {  	[tilespmem:v28+s20+$0x0] =	vst.idx.msk vm5, v27  }
0x274: {  	v28 =	vadd.s32 v23, v26;
	v27 =	vld [tilespmem:s23+$0x5F0];
	_ =	sdelay $0x4  }
0x275: {  	[tilespmem:v28+s20+$0x0] =	vst.idx.msk vm4, v27  }
0x276: {  	v28 =	vadd.s32 v24, v26;
	v27 =	vld [tilespmem:s23+$0xFFFFFED0];
	_ =	sdelay $0x4  }
0x277: {  	[tilespmem:v28+s20+$0x0] =	vst.idx.msk vm5, v27  }
.Ltmp4:
0x278: {  	v28 =	vadd.s32 v25, v26;
	v27 =	vld [tilespmem:s23+$0x720];
	(pc) =	sbr.rel @p0 .LBB2_10-.Ltmp4, $2  }
0x279: {  	_ =	sdelay $0x2  }
0x27a: {  	s22 =	sadd.s32 $0x10, s22;
	v26 =	vor.u32 s18, v2  }
0x27b: {  	_ =	sdelay $0x4  }
0x27c: {  	vm5 =	vlt.s32 v26, v10;
	[tilespmem:v28+s20+$0x0] =	vst.idx.msk vm4, v27;
	s3 =	sadd.s32 $0x10, s23  }
0x27d: {  	v11 =	vadd.s32 v11, v26;
	v10 =	vld [tilespmem:s3+$0xFFFFF7B0];
	_ =	sdelay $0x4  }
0x27e: {  	vm4 =	vlt.s32 v26, v13;
	[tilespmem:v11+s20+$0x0] =	vst.idx.msk vm5, v10  }
0x27f: {  	v11 =	vadd.s32 v12, v26;
	v10 =	vld [tilespmem:s3+$0x0];
	_ =	sdelay $0x4  }
0x280: {  	[tilespmem:v11+s20+$0x0] =	vst.idx.msk vm4, v10  }
0x281: {  	v11 =	vadd.s32 v14, v26;
	v10 =	vld [tilespmem:s3+$0xFFFFF8E0];
	_ =	sdelay $0x4  }
0x282: {  	s18 =	sand.u32 $0x1F0, s18;
	[tilespmem:v11+s20+$0x0] =	vst.idx.msk vm5, v10  }
0x283: {  	v11 =	vadd.s32 v15, v26;
	v10 =	vld [tilespmem:s18+$0x11780];
	_ =	sdelay $0x4  }
0x284: {  	[tilespmem:v11+s20+$0x0] =	vst.idx.msk vm4, v10  }
0x285: {  	v11 =	vadd.s32 v16, v26;
	v10 =	vld [tilespmem:s3+$0xFFFFFA10];
	_ =	sdelay $0x4  }
0x286: {  	[tilespmem:v11+s20+$0x0] =	vst.idx.msk vm5, v10  }
0x287: {  	v11 =	vadd.s32 v17, v26;
	v10 =	vld [tilespmem:s3+$0x260];
	_ =	sdelay $0x4  }
0x288: {  	[tilespmem:v11+s20+$0x0] =	vst.idx.msk vm4, v10  }
0x289: {  	v11 =	vadd.s32 v18, v26;
	v10 =	vld [tilespmem:s3+$0xFFFFFB40];
	_ =	sdelay $0x4  }
0x28a: {  	[tilespmem:v11+s20+$0x0] =	vst.idx.msk vm5, v10  }
0x28b: {  	v11 =	vadd.s32 v19, v26;
	v10 =	vld [tilespmem:s3+$0x390];
	_ =	sdelay $0x4  }
0x28c: {  	[tilespmem:v11+s20+$0x0] =	vst.idx.msk vm4, v10  }
0x28d: {  	v11 =	vadd.s32 v20, v26;
	v10 =	vld [tilespmem:s3+$0xFFFFFC70];
	_ =	sdelay $0x4  }
0x28e: {  	[tilespmem:v11+s20+$0x0] =	vst.idx.msk vm5, v10  }
0x28f: {  	v11 =	vadd.s32 v21, v26;
	v10 =	vld [tilespmem:s3+$0x4C0];
	_ =	sdelay $0x4  }
0x290: {  	[tilespmem:v11+s20+$0x0] =	vst.idx.msk vm4, v10  }
0x291: {  	v11 =	vadd.s32 v22, v26;
	v10 =	vld [tilespmem:s3+$0xFFFFFDA0];
	_ =	sdelay $0x4  }
0x292: {  	[tilespmem:v11+s20+$0x0] =	vst.idx.msk vm5, v10  }
0x293: {  	v11 =	vadd.s32 v23, v26;
	v10 =	vld [tilespmem:s3+$0x5F0];
	_ =	sdelay $0x4  }
0x294: {  	[tilespmem:v11+s20+$0x0] =	vst.idx.msk vm4, v10  }
0x295: {  	v11 =	vadd.s32 v24, v26;
	v10 =	vld [tilespmem:s3+$0xFFFFFED0];
	_ =	sdelay $0x4  }
0x296: {  	[tilespmem:v11+s20+$0x0] =	vst.idx.msk vm5, v10  }
0x297: {  	v11 =	vadd.s32 v25, v26;
	v10 =	vld [tilespmem:s3+$0x720];
	_ =	sdelay $0x3  }
0x298: {  	s25 =	rddreg [dreg:$0xa]  }
0x299: {  	s26 =	rddreg [dreg:$0xb];
	[tilespmem:v11+s20+$0x0] =	vst.idx.msk vm4, v10  }
0x29a: {  	[hbm4b:s25+s4] =	stream.linear.scatter [tilespmem:s26], [sflag:$0x1], $0x80, $0x38;
	[tilespmem:$0x13DB0] =	vst v63  }
0x29b: {  	_ =	swait.ge [sflag:s16], $0x80  }
0x29c: {  	[sflag:s16] =	ssyncset.done $0x0;
	s28 =	rddreg [dreg:$0xc]  }
0x29d: {  	s29 =	rddreg [dreg:$0xd];
	[sflag:s16] =	ssyncadd.s32 $0xFFFFFF80  }
0x29e: {  	[hbm4b:s28+s4] =	stream.linear.scatter [tilespmem:s29], [sflag:$0x1], $0x80, $0x38;
	[tilespmem:$0x13DB0] =	vst v63  }
0x29f: {  	_ =	swait.ge [sflag:s16], $0x80  }
0x2a0: {  	[sflag:s16] =	ssyncset.done $0x0;
	s30 =	rddreg [dreg:$0xe]  }
0x2a1: {  	s31 =	rddreg [dreg:$0xf];
	[sflag:s16] =	ssyncadd.s32 $0xFFFFFF80  }
0x2a2: {  	[hbm4b:s30+s4] =	stream.linear.scatter [tilespmem:s31], [sflag:$0x1], $0x80, $0x38;
	[tilespmem:$0x13DB0] =	vst v63  }
0x2a3: {  	_ =	swait.ge [sflag:s16], $0x80  }
0x2a4: {  	[sflag:s16] =	ssyncset.done $0x0;
	s22 =	rddreg [dreg:$0x10]  }
0x2a5: {  	s23 =	rddreg [dreg:$0x14];
	[sflag:s16] =	ssyncadd.s32 $0xFFFFFF80  }
0x2a6: {  	[hbm4b:s22+s4] =	stream.linear.scatter [tilespmem:s23], [sflag:$0x1], $0x80, $0x38;
	[tilespmem:$0x13DB0] =	vst v63  }
0x2a7: {  	_ =	swait.ge [sflag:s16], $0x80  }
0x2a8: {  	[sflag:s16] =	ssyncset.done $0x0;
	s24 =	rddreg [dreg:$0x11]  }
0x2a9: {  	s25 =	rddreg [dreg:$0x15];
	[sflag:s16] =	ssyncadd.s32 $0xFFFFFF80  }
0x2aa: {  	[hbm4b:s24+s4] =	stream.linear.scatter [tilespmem:s25], [sflag:$0x1], $0x80, $0x38;
	[tilespmem:$0x13DB0] =	vst v63  }
0x2ab: {  	_ =	swait.ge [sflag:s16], $0x80  }
0x2ac: {  	[sflag:s16] =	ssyncset.done $0x0;
	s26 =	rddreg [dreg:$0x12]  }
0x2ad: {  	s28 =	rddreg [dreg:$0x16];
	[sflag:s16] =	ssyncadd.s32 $0xFFFFFF80  }
0x2ae: {  	[hbm4b:s26+s4] =	stream.linear.scatter [tilespmem:s28], [sflag:$0x1], $0x80, $0x38;
	[tilespmem:$0x13DB0] =	vst v63  }
0x2af: {  	_ =	swait.ge [sflag:s16], $0x80  }
0x2b0: {  	[sflag:s16] =	ssyncset.done $0x0;
	s29 =	rddreg [dreg:$0x13]  }
0x2b1: {  	s30 =	rddreg [dreg:$0x17];
	[sflag:s16] =	ssyncadd.s32 $0xFFFFFF80  }
0x2b2: {  	[hbm4b:s29+s4] =	stream.linear.scatter [tilespmem:s30], [sflag:$0x1], $0x80, $0x38;
	[tilespmem:$0x13DB0] =	vst v63  }
0x2b3: {  	_ =	swait.ge [sflag:s16], $0x80  }
0x2b4: {  	s21 =	sadd.s32 $0x1, s21;
	s31 =	rddreg [dreg:$0x18]  }
0x2b5: {  	p0 =	sne.s32 s21, s31  }
.Ltmp5:
0x2b6: {  	_ = 	snop;
	(pc) =	sbr.rel @p0 .LBB2_1-.Ltmp5, $3  }
0x2b7: {  	_ =	sdelay $0x1  }
0x2b8: {  	[sflag:s16] =	ssyncset.done $0x0  }
0x2b9: {  	[sflag:s16] =	ssyncadd.s32 $0xFFFFFF80  }
0x2ba: {  	_ =	sfence.sel $0x180000  }
0x2bb: {  	[bflag:$0x0] =	sbarrier.arrive $0xFFFF  }
0x2bc: {  	_ =	strace $0x90000047  }
0x2bd: {  	s0 =	stileid.u32;
	[bflag:$0x2] =	sbarrier.arrive $0xFFFF  }
0x2be: {  	p0 =	sne.s32 s0, $0x0;
	s0 =	rddreg [dreg:$0x4]  }
0x2bf: {  	s0 =	sadd.s32 @!p0 $0x100000, s0  }
0x2c0: {  	[sflag:s0] =	ssyncadd.tile.s32 @!p0 $0x1;
	_ =	shalt  }
.Lfunc_end2:
_tile_overlayer_lowered:
.L_overlay_start_2:
0x2c1: {  	(tag) =	ssettag $0x2  }
0x2c2: {  	s0 =	rddreg [dreg:$0x0];
	s2 =	stileid.u32  }
0x2c3: {  	s1 =	rddreg [dreg:$0x1];
	p0 =	sne.s32 s2, $0x0  }
0x2c4: {  	s3 =	rddreg [dreg:$0x2];
	[bflag:$0x3] =	sbarrier.arrive $0xFFFF;
	s2 =	simm.s32 @!p0 $0x1C01  }
0x2c5: {  	[timem:s3], [sflag:s2] =	dma.local @!p0 [hbm:s0], s1  }
0x2c6: {  	s0 =	simm.s32 @!p0 $0x1  }
0x2c7: {  	_ =	swait.ge @!p0 [sflag:s0], s1  }
0x2c8: {  	s1 =	ssub.s32 @!p0 $0x0, s1;
	[sflag:s0] =	ssyncset.done @!p0 $0x0  }
0x2c9: {  	[sflag:s0] =	ssyncadd.s32 @!p0 s1  }
0x2ca: {  	[bflag:$0x3] =	sbarrier.arrive $0xFFFF  }
0x2cb: {  	_ =	shalt  }

</sc_bundles>
